<compile_context>
chip_gen: v7x
topology: tpu7x:2x2x1
jax: 0.10.2.dev20260603
libtpu: 0.0.44.dev20260713+nightly
codegen_flags: <defaults>
</compile_context>

<pallas_src>
import functools

import jax
import jax.numpy as jnp
from jax import lax
from jax.experimental import pallas as pl
from jax.experimental.pallas import tpu as pltpu
from jax.experimental.pallas import tpu_sc as plsc

NC = 2
NS = 16
K = 80


def _mesh():
    return plsc.VectorSubcoreMesh(core_axis_name="c", subcore_axis_name="s")


def _sc_degree(eif, zeros1, n_pad):
    half = eif.shape[0] // 2
    ept = half // (NC * NS)

    @functools.partial(
        pl.kernel,
        out_type=jax.ShapeDtypeStruct((NC * NS, n_pad), jnp.float32),
        mesh=_mesh(),
        compiler_params=pltpu.CompilerParams(needs_layout_passes=False),
        scratch_types=[
            pltpu.VMEM((ept,), jnp.int32),
            pltpu.VMEM((n_pad,), jnp.float32),
        ],
    )
    def k(ei_hbm, zero_h, out_hbm, idx_v, hist):
        c = lax.axis_index("c")
        s = lax.axis_index("s")
        w = c * NS + s
        pltpu.sync_copy(zero_h, hist)
        pltpu.sync_copy(ei_hbm.at[pl.ds(half + w * ept, ept)], idx_v)
        ones = jnp.ones((16,), jnp.float32)
        lanes = lax.iota(jnp.int32, 16)

        def body(j, _):
            idx = idx_v[pl.ds(j * 16, 16)]
            for m in range(16):
                plsc.addupdate_scatter(hist, [idx], ones, mask=lanes == m)
            return ()
        lax.fori_loop(0, ept // 16, body, ())
        pltpu.sync_copy(hist, out_hbm.at[w])

    return k(eif, zeros1)


RING = 3


def _sc_aggregate(table, eif, zeros_nd, n_pad, d, feat_split):
    e = eif.shape[0] // 2
    ept = e // NS if feat_split else e // (NC * NS)
    nch = ept // K
    coeff = table.shape[0] // 2 if feat_split else 0
    rows_per_tile = n_pad // NS
    R = RING

    @functools.partial(
        pl.kernel,
        out_type=jax.ShapeDtypeStruct((NC, n_pad, d), jnp.float32),
        mesh=_mesh(),
        compiler_params=pltpu.CompilerParams(needs_layout_passes=False),
        scratch_types=(
            [pltpu.VMEM((K,), jnp.int32) for _ in range(2 * R)]
            + [pltpu.VMEM((K, d), jnp.float32) for _ in range(R)]
            + [pltpu.VMEM_SHARED((n_pad, d), jnp.float32)]
            + [pltpu.SemaphoreType.DMA for _ in range(R)]
        ),
    )
    def k(tbl, ei_h, zero_h, out_hbm, *scr):
        igb = scr[0:R]
        dsb = scr[R:2 * R]
        rows = scr[2 * R:3 * R]
        acc = scr[3 * R]
        sems = scr[3 * R + 1:]
        c = lax.axis_index("c")
        s = lax.axis_index("s")
        rs = s * rows_per_tile
        eoff = (s if feat_split else c * NS + s) * ept
        off = c * coeff
        pltpu.sync_copy(zero_h.at[pl.ds(rs, rows_per_tile)],
                        acc.at[pl.ds(rs, rows_per_tile)])

        def load_idx(j, b):
            pltpu.sync_copy(ei_h.at[pl.ds(eoff + j * K, K)], igb[b])
            pltpu.sync_copy(ei_h.at[pl.ds(e + eoff + j * K, K)], dsb[b])
            if feat_split:
                for v in range(K // 16):
                    sl = pl.ds(v * 16, 16)
                    igb[b][sl] = igb[b][sl] + off

        for b in range(R):
            load_idx(b, b)
        plsc.subcore_barrier()

        for b in range(R):
            pltpu.async_copy(tbl.at[igb[b]], rows[b], sems[b])

        def step(j, b):
            pltpu.make_async_copy(tbl.at[igb[b]], rows[b], sems[b]).wait()
            pltpu.sync_copy(rows[b], acc.at[dsb[b]], add=True)

            def refill():
                load_idx(j + R, b)
                pltpu.async_copy(tbl.at[igb[b]], rows[b], sems[b])

            if isinstance(j, int):
                if j + R < nch:
                    refill()
            else:
                pl.when(j + R < nch)(refill)

        def body(p, _):
            for b in range(R):
                step(p * R + b, b)
            return ()
        lax.fori_loop(0, nch // R, body, ())
        for j in range((nch // R) * R, nch):
            step(j, j % R)
        plsc.subcore_barrier()
        pltpu.sync_copy(acc.at[pl.ds(rs, rows_per_tile)],
                        out_hbm.at[c, pl.ds(rs, rows_per_tile)])

    return k(table, eif, zeros_nd)


def _sc_decode(zA, zB, eif, d):
    e = eif.shape[0] // 2
    ept = e // (NC * NS)
    nch = ept // K

    @functools.partial(
        pl.kernel,
        out_type=jax.ShapeDtypeStruct((e, d), jnp.float32),
        mesh=_mesh(),
        scratch_types=(
            [pltpu.VMEM((ept,), jnp.int32) for _ in range(2)]
            + [pltpu.VMEM((K, d), jnp.float32) for _ in range(6)]
            + [pltpu.SemaphoreType.DMA for _ in range(6)]
        ),
    )
    def k(za, zb, ei_h, out_hbm, *scr):
        sgv, dgv = scr[0:2]
        abuf = scr[2:4]
        bbuf = scr[4:6]
        svs = scr[6:8]
        sas = scr[8:10]
        sbs = scr[10:12]
        sws = scr[12:14]
        c = lax.axis_index("c")
        s = lax.axis_index("s")
        base = (c * NS + s) * ept
        pltpu.sync_copy(ei_h.at[pl.ds(base, ept)], sgv)
        pltpu.sync_copy(ei_h.at[pl.ds(e + base, ept)], dgv)

        def fire(j, b):
            pltpu.async_copy(za.at[sgv.at[pl.ds(j * K, K)]], abuf[b], sas[b])
            pltpu.async_copy(zb.at[dgv.at[pl.ds(j * K, K)]], bbuf[b], sbs[b])

        for b in range(2):
            fire(b, b)

        nv = d // 16

        def step(j, b):
            pltpu.make_async_copy(za.at[sgv.at[pl.ds(0, K)]], abuf[b],
                                  sas[b]).wait()
            pltpu.make_async_copy(zb.at[dgv.at[pl.ds(0, K)]], bbuf[b],
                                  sbs[b]).wait()

            def drain_write():
                pltpu.make_async_copy(
                    svs[b], out_hbm.at[pl.ds(base, K)], sws[b]).wait()

            if isinstance(j, int):
                if j >= 2:
                    drain_write()
            else:
                pl.when(j >= 2)(drain_write)

            def add_row(r, _):
                for v in range(nv):
                    sl = pl.ds(v * 16, 16)
                    svs[b][r, sl] = abuf[b][r, sl] + bbuf[b][r, sl]
                return ()
            lax.fori_loop(0, K, add_row, ())
            pltpu.async_copy(svs[b], out_hbm.at[pl.ds(base + j * K, K)],
                             sws[b])

            def refill():
                fire(j + 2, b)

            if isinstance(j, int):
                if j + 2 < nch:
                    refill()
            else:
                pl.when(j + 2 < nch)(refill)

        def body(p, _):
            for b in range(2):
                step(p * 2 + b, b)
            return ()
        lax.fori_loop(0, nch // 2, body, ())
        for j in range((nch // 2) * 2, nch):
            step(j, j % 2)
        for b in range(2):
            pltpu.make_async_copy(svs[b], out_hbm.at[pl.ds(base, K)],
                                  sws[b]).wait()

    return k(zA, zB, eif)


def _dis_block(dp_ref, rblk):
    del rblk
    return lax.rsqrt(jnp.sum(dp_ref[...], axis=1) + 1.0)[:, None]


def _tc_y1(x, W1, degp, rblk):
    n, cin = x.shape
    cout = W1.shape[1]
    half = cout // 2

    def body(x_ref, w_ref, dp_ref, y_ref):
        dis = _dis_block(dp_ref, rblk)
        y = dis * jnp.dot(x_ref[...], w_ref[...],
                          preferred_element_type=jnp.float32)
        y_ref[0, ...] = y[:, :half]
        y_ref[1, ...] = y[:, half:]

    return pl.pallas_call(
        body,
        grid=(n // rblk,),
        in_specs=[
            pl.BlockSpec((rblk, cin), lambda i: (i, 0)),
            pl.BlockSpec((cin, cout), lambda i: (0, 0)),
            pl.BlockSpec((rblk, NC * NS), lambda i: (i, 0)),
        ],
        out_specs=pl.BlockSpec((2, rblk, half), lambda i: (0, i, 0)),
        out_shape=jax.ShapeDtypeStruct((2, n, half), jnp.float32),
    )(x, W1, degp)


def _tc_layer2(A1, Y1p, degp, b1, W2, rblk):
    n = Y1p.shape[1]
    d1 = 2 * Y1p.shape[2]
    d2 = W2.shape[1]

    def body(a_ref, y_ref, dp_ref, b_ref, w_ref, y2_ref):
        dis = _dis_block(dp_ref, rblk)
        agg = jnp.concatenate([a_ref[0], a_ref[1]], axis=-1)
        y = jnp.concatenate([y_ref[0], y_ref[1]], axis=-1)
        h = jnp.maximum(dis * (agg + y) + b_ref[...], 0.0)
        y2_ref[...] = dis * jnp.dot(h, w_ref[...],
                                    preferred_element_type=jnp.float32)

    return pl.pallas_call(
        body,
        grid=(n // rblk,),
        in_specs=[
            pl.BlockSpec((2, rblk, d1 // 2), lambda i: (0, i, 0)),
            pl.BlockSpec((2, rblk, d1 // 2), lambda i: (0, i, 0)),
            pl.BlockSpec((rblk, NC * NS), lambda i: (i, 0)),
            pl.BlockSpec((1, d1), lambda i: (0, 0)),
            pl.BlockSpec((d1, d2), lambda i: (0, 0)),
        ],
        out_specs=pl.BlockSpec((rblk, d2), lambda i: (i, 0)),
        out_shape=jax.ShapeDtypeStruct((n, d2), jnp.float32),
    )(A1, Y1p, degp, b1, W2)


def _tc_z_proj(A2, Y2, degp, b2, fcA, fcB, rblk):
    n, d2 = Y2.shape
    dp = fcA.shape[1]

    def body(a_ref, y_ref, dp_ref, b_ref, wa_ref, wb_ref, za_ref, zb_ref):
        dis = _dis_block(dp_ref, rblk)
        agg = a_ref[0] + a_ref[1]
        z = dis * (agg + y_ref[...]) + b_ref[...]
        za_ref[...] = jnp.dot(z, wa_ref[...], preferred_element_type=jnp.float32)
        zb_ref[...] = jnp.dot(z, wb_ref[...], preferred_element_type=jnp.float32)

    return pl.pallas_call(
        body,
        grid=(n // rblk,),
        in_specs=[
            pl.BlockSpec((2, rblk, d2), lambda i: (0, i, 0)),
            pl.BlockSpec((rblk, d2), lambda i: (i, 0)),
            pl.BlockSpec((rblk, NC * NS), lambda i: (i, 0)),
            pl.BlockSpec((1, d2), lambda i: (0, 0)),
            pl.BlockSpec((d2, dp), lambda i: (0, 0)),
            pl.BlockSpec((d2, dp), lambda i: (0, 0)),
        ],
        out_specs=[
            pl.BlockSpec((rblk, dp), lambda i: (i, 0)),
            pl.BlockSpec((rblk, dp), lambda i: (i, 0)),
        ],
        out_shape=[
            jax.ShapeDtypeStruct((n, dp), jnp.float32),
            jax.ShapeDtypeStruct((n, dp), jnp.float32),
        ],
    )(A2, Y2, degp, b2, fcA, fcB)


def _tc_mlp(S, fc1_b, fc2_W, fc2_b, fc3_W, fc3_b, fc4_W, fc4_b, eblk):
    e, dh = S.shape

    bf = jnp.bfloat16

    def body(s_ref, b1_ref, w2_ref, b2_ref, w3_ref, b3_ref, w4_ref, b4_ref,
             o_ref):
        v = jnp.maximum(s_ref[...] + b1_ref[...], 0.0)
        v = jnp.maximum(jnp.dot(v.astype(bf), w2_ref[...].astype(bf),
                                preferred_element_type=jnp.float32)
                        + b2_ref[...], 0.0)
        v = jnp.maximum(jnp.dot(v.astype(bf), w3_ref[...].astype(bf),
                                preferred_element_type=jnp.float32)
                        + b3_ref[...], 0.0)
        o = jnp.sum(v * w4_ref[...].reshape(1, -1), axis=1) + b4_ref[0, 0]
        o_ref[...] = o.reshape(1, eblk // 128, 128)

    return pl.pallas_call(
        body,
        grid=(e // eblk,),
        in_specs=[
            pl.BlockSpec((eblk, dh), lambda i: (i, 0)),
            pl.BlockSpec((1, dh), lambda i: (0, 0)),
            pl.BlockSpec(fc2_W.shape, lambda i: (0, 0)),
            pl.BlockSpec((1, fc2_W.shape[1]), lambda i: (0, 0)),
            pl.BlockSpec(fc3_W.shape, lambda i: (0, 0)),
            pl.BlockSpec((1, fc3_W.shape[1]), lambda i: (0, 0)),
            pl.BlockSpec(fc4_W.shape, lambda i: (0, 0)),
            pl.BlockSpec((1, 1), lambda i: (0, 0)),
        ],
        out_specs=pl.BlockSpec((1, eblk // 128, 128), lambda i: (i, 0, 0)),
        out_shape=jax.ShapeDtypeStruct((e // eblk, eblk // 128, 128),
                                       jnp.float32),
    )(S, fc1_b, fc2_W, fc2_b, fc3_W, fc3_b, fc4_W, fc4_b)


def kernel(x, edge_index, W1, b1, W2, b2,
           fc1_W, fc1_b, fc2_W, fc2_b, fc3_W, fc3_b, fc4_W, fc4_b):
    n, cin = x.shape
    e = edge_index.shape[1]
    nw = NC * NS

    eif = edge_index.astype(jnp.int32).reshape(-1)

    n_pad = -(-n // (NS * 8)) * (NS * 8)

    del nw
    zeros1 = jnp.zeros((n_pad,), jnp.float32)
    zeros128 = jnp.zeros((n_pad, W1.shape[1] // 2), jnp.float32)

    degp = _sc_degree(eif, zeros1, n_pad).T

    Y1p = _tc_y1(x, W1, degp, rblk=1000)
    A1 = _sc_aggregate(Y1p.reshape(2 * n, -1), eif, zeros128,
                       n_pad, W1.shape[1] // 2,
                       feat_split=True)

    Y2 = _tc_layer2(A1, Y1p, degp, b1.reshape(1, -1), W2, rblk=1000)
    A2 = _sc_aggregate(Y2, eif, zeros128, n_pad, W2.shape[1],
                       feat_split=False)

    fcA = fc1_W[:W2.shape[1]]
    fcB = fc1_W[W2.shape[1]:]
    zA, zB = _tc_z_proj(A2, Y2, degp, b2.reshape(1, -1), fcA, fcB, rblk=1000)

    S = _sc_decode(zA, zB, eif, fc1_W.shape[1])

    out = _tc_mlp(S, fc1_b.reshape(1, -1), fc2_W, fc2_b.reshape(1, -1),
                  fc3_W, fc3_b.reshape(1, -1), fc4_W,
                  fc4_b.reshape(1, -1), eblk=16000)
    return out.reshape(-1)

# --- scband reference (transcript-rebuilt; emitter-appended) ---
"""Pipeline reference for scband-gcn-79405355369095 (READ-ONLY COPY).

The authoritative reference and input builder live on the scoring server;
editing this copy changes nothing except your own understanding.
"""

import jax, jax.numpy as jnp
import numpy as np

NUM_NODES = 10000
NUM_EDGES = 320000
IN_CH = 128
OUT_CH = 128


def gcn_conv(x, edge_index, W, b, num_nodes):
    # Faithful PyG GCNConv: linear transform, add self-loops, symmetric norm, scatter-add aggregate
    x = x @ W
    src = edge_index[0]
    dst = edge_index[1]
    loop = jnp.arange(num_nodes, dtype=edge_index.dtype)
    src = jnp.concatenate([src, loop])
    dst = jnp.concatenate([dst, loop])
    deg = jnp.zeros((num_nodes,), dtype=x.dtype).at[dst].add(1.0)
    deg_inv_sqrt = jnp.where(deg > 0, 1.0 / jnp.sqrt(deg), 0.0)
    norm = deg_inv_sqrt[src] * deg_inv_sqrt[dst]
    msg = x[src] * norm[:, None]
    out = jnp.zeros((num_nodes, x.shape[1]), dtype=x.dtype).at[dst].add(msg)
    return out + b


def setup_inputs(seed: int = 0) -> dict:
    key = jax.random.key(seed)
    ks = jax.random.split(key, 16)
    x = jax.random.normal(ks[0], (NUM_NODES, IN_CH), dtype=jnp.float32)
    edge_index = jax.random.randint(ks[1], (2, NUM_EDGES), 0, NUM_NODES, dtype=jnp.int64)
    s = 0.05
    return {
        'x': x,
        'edge_index': edge_index,
        'W1': jax.random.normal(ks[2], (IN_CH, 2 * OUT_CH), dtype=jnp.float32) * s,
        'b1': jnp.zeros((2 * OUT_CH,), dtype=jnp.float32),
        'W2': jax.random.normal(ks[3], (2 * OUT_CH, OUT_CH), dtype=jnp.float32) * s,
        'b2': jnp.zeros((OUT_CH,), dtype=jnp.float32),
        'fc1_W': jax.random.normal(ks[4], (2 * OUT_CH, OUT_CH), dtype=jnp.float32) * s,
        'fc1_b': jnp.zeros((OUT_CH,), dtype=jnp.float32),
        'fc2_W': jax.random.normal(ks[5], (OUT_CH, OUT_CH // 2), dtype=jnp.float32) * s,
        'fc2_b': jnp.zeros((OUT_CH // 2,), dtype=jnp.float32),
        'fc3_W': jax.random.normal(ks[6], (OUT_CH // 2, OUT_CH // 4), dtype=jnp.float32) * s,
        'fc3_b': jnp.zeros((OUT_CH // 4,), dtype=jnp.float32),
        'fc4_W': jax.random.normal(ks[7], (OUT_CH // 4, 1), dtype=jnp.float32) * s,
        'fc4_b': jnp.zeros((1,), dtype=jnp.float32),
    }


def reference(x, edge_index, W1, b1, W2, b2, fc1_W, fc1_b, fc2_W, fc2_b, fc3_W, fc3_b, fc4_W, fc4_b):
    # encode
    h = gcn_conv(x, edge_index, W1, b1, NUM_NODES)
    h = jax.nn.relu(h)
    z = gcn_conv(h, edge_index, W2, b2, NUM_NODES)
    # decode (dropout is identity in eval mode)
    e = jnp.concatenate([z[edge_index[0]], z[edge_index[1]]], axis=1)
    e = jax.nn.relu(e @ fc1_W + fc1_b)
    e = jax.nn.relu(e @ fc2_W + fc2_b)
    e = jax.nn.relu(e @ fc3_W + fc3_b)
    e = e @ fc4_W + fc4_b
    return jnp.squeeze(e)

if __name__ == "__main__":
    import jax
    _d = setup_inputs()
    print(jax.jit(kernel)(*tuple(_d.values())))

</pallas_src>

<mosaic_0001>
#map = affine_map<(d0, d1) -> (0, 0)>
#map1 = affine_map<(d0, d1) -> (0)>
#map2 = affine_map<(d0, d1) -> (0, 0, 0)>
module attributes {stable_mosaic.version = 14 : i64} {
  func.func @k(%arg0: i32, %arg1: i32, %arg2: memref<20000x128xf32, #tpu.memory_space<hbm>>, %arg3: memref<640000xi32, #tpu.memory_space<hbm>>, %arg4: memref<10112x128xf32, #tpu.memory_space<hbm>>, %arg5: memref<2x10112x128xf32, #tpu.memory_space<hbm>>, %arg6: memref<80xi32, #tpu.memory_space<vmem>>, %arg7: memref<80xi32, #tpu.memory_space<vmem>>, %arg8: memref<80xi32, #tpu.memory_space<vmem>>, %arg9: memref<80xi32, #tpu.memory_space<vmem>>, %arg10: memref<80xi32, #tpu.memory_space<vmem>>, %arg11: memref<80xi32, #tpu.memory_space<vmem>>, %arg12: memref<80x128xf32, #tpu.memory_space<vmem>>, %arg13: memref<80x128xf32, #tpu.memory_space<vmem>>, %arg14: memref<80x128xf32, #tpu.memory_space<vmem>>, %arg15: memref<10112x128xf32, #tpu.memory_space<vmem_shared>>, %arg16: memref<!tpu.dma_semaphore, #tpu.memory_space<semaphore_mem>>, %arg17: memref<!tpu.dma_semaphore, #tpu.memory_space<semaphore_mem>>, %arg18: memref<!tpu.dma_semaphore, #tpu.memory_space<semaphore_mem>>) attributes {dimension_semantics = [#tpu.dimension_semantics<core_parallel>, #tpu.dimension_semantics<subcore_parallel>], iteration_bounds = array<i64: 2, 16>, scalar_prefetch = 0 : i64, scratch_operands = 13 : i64, tpu.core_type = #tpu.core_type<sc_vector_subcore>, window_params = [{transform_indices = #map}, {transform_indices = #map1}, {transform_indices = #map}, {transform_indices = #map2}]} {
    %mul3A = arith.constant 632 : i32
    %mul3A_0 = arith.muli %arg1, %mul3A : i32
    %mul3A_1 = arith.constant 20000 : i32
    %mul3A_2 = arith.muli %arg1, %mul3A_1 : i32
    %mul3A_3 = arith.constant 10000 : i32
    %mul3A_4 = arith.muli %arg0, %mul3A_3 : i32
    "tpu.region"() ({
      %run_scoped3A = tpu.sem_alloc : memref<!tpu.dma_semaphore, #tpu.memory_space<semaphore_mem>>
      %dma_start3A_125 = arith.constant 0 : i32
      %dma_start3A_126 = tpu.memref_slice %arg15[%mul3A_0, %dma_start3A_125] : memref<10112x128xf32, #tpu.memory_space<vmem_shared>> -> memref<632x128xf32, #tpu.memory_space<vmem_shared>>
      %dma_start3A_127 = arith.constant 0 : i32
      %dma_start3A_128 = tpu.memref_slice %arg4[%mul3A_0, %dma_start3A_127] : memref<10112x128xf32, #tpu.memory_space<hbm>> -> memref<632x128xf32, #tpu.memory_space<hbm>>
      tpu.enqueue_dma source(%dma_start3A_128 : memref<632x128xf32, #tpu.memory_space<hbm>>) target(%dma_start3A_126 : memref<632x128xf32, #tpu.memory_space<vmem_shared>>) target_semaphore(%run_scoped3A : memref<!tpu.dma_semaphore, #tpu.memory_space<semaphore_mem>>)
      %dma_wait3A_129 = arith.constant 0 : i32
      %dma_wait3A_130 = tpu.memref_slice %arg15[%mul3A_0, %dma_wait3A_129] : memref<10112x128xf32, #tpu.memory_space<vmem_shared>> -> memref<632x128xf32, #tpu.memory_space<vmem_shared>>
      %dma_wait3A_131 = arith.constant 0 : i32
      %dma_wait3A_132 = tpu.memref_slice %arg4[%mul3A_0, %dma_wait3A_131] : memref<10112x128xf32, #tpu.memory_space<hbm>> -> memref<632x128xf32, #tpu.memory_space<hbm>>
      tpu.wait_dma2 semaphore(%run_scoped3A : memref<!tpu.dma_semaphore, #tpu.memory_space<semaphore_mem>>) src(%dma_wait3A_132 : memref<632x128xf32, #tpu.memory_space<hbm>>) dst(%dma_wait3A_130 : memref<632x128xf32, #tpu.memory_space<vmem_shared>>)
      tpu.yield
    }) : () -> ()
    %add3A = arith.constant 0 : i32
    %add3A_5 = arith.addi %mul3A_2, %add3A : i32
    "tpu.region"() ({
      %run_scoped3A = tpu.sem_alloc : memref<!tpu.dma_semaphore, #tpu.memory_space<semaphore_mem>>
      %dma_start3A_125 = tpu.memref_slice %arg3[%add3A_5] : memref<640000xi32, #tpu.memory_space<hbm>> -> memref<80xi32, #tpu.memory_space<hbm>>
      %dma_start3A_126 = tpu.memref_slice %arg3[%add3A_5] : memref<640000xi32, #tpu.memory_space<hbm>> -> memref<80xi32, #tpu.memory_space<hbm>>
      tpu.enqueue_dma source(%dma_start3A_126 : memref<80xi32, #tpu.memory_space<hbm>>) target(%arg6 : memref<80xi32, #tpu.memory_space<vmem>>) target_semaphore(%run_scoped3A : memref<!tpu.dma_semaphore, #tpu.memory_space<semaphore_mem>>)
      %dma_wait3A_127 = tpu.memref_slice %arg3[%add3A_5] : memref<640000xi32, #tpu.memory_space<hbm>> -> memref<80xi32, #tpu.memory_space<hbm>>
      %dma_wait3A_128 = tpu.memref_slice %arg3[%add3A_5] : memref<640000xi32, #tpu.memory_space<hbm>> -> memref<80xi32, #tpu.memory_space<hbm>>
      tpu.wait_dma2 semaphore(%run_scoped3A : memref<!tpu.dma_semaphore, #tpu.memory_space<semaphore_mem>>) src(%dma_wait3A_128 : memref<80xi32, #tpu.memory_space<hbm>>) dst(%arg6 : memref<80xi32, #tpu.memory_space<vmem>>)
      tpu.yield
    }) : () -> ()
    %add3A_6 = arith.constant 320000 : i32
    %add3A_7 = arith.addi %add3A_6, %mul3A_2 : i32
    %add3A_8 = arith.constant 0 : i32
    %add3A_9 = arith.addi %add3A_7, %add3A_8 : i32
    "tpu.region"() ({
      %run_scoped3A = tpu.sem_alloc : memref<!tpu.dma_semaphore, #tpu.memory_space<semaphore_mem>>
      %dma_start3A_125 = tpu.memref_slice %arg3[%add3A_9] : memref<640000xi32, #tpu.memory_space<hbm>> -> memref<80xi32, #tpu.memory_space<hbm>>
      %dma_start3A_126 = tpu.memref_slice %arg3[%add3A_9] : memref<640000xi32, #tpu.memory_space<hbm>> -> memref<80xi32, #tpu.memory_space<hbm>>
      tpu.enqueue_dma source(%dma_start3A_126 : memref<80xi32, #tpu.memory_space<hbm>>) target(%arg9 : memref<80xi32, #tpu.memory_space<vmem>>) target_semaphore(%run_scoped3A : memref<!tpu.dma_semaphore, #tpu.memory_space<semaphore_mem>>)
      %dma_wait3A_127 = tpu.memref_slice %arg3[%add3A_9] : memref<640000xi32, #tpu.memory_space<hbm>> -> memref<80xi32, #tpu.memory_space<hbm>>
      %dma_wait3A_128 = tpu.memref_slice %arg3[%add3A_9] : memref<640000xi32, #tpu.memory_space<hbm>> -> memref<80xi32, #tpu.memory_space<hbm>>
      tpu.wait_dma2 semaphore(%run_scoped3A : memref<!tpu.dma_semaphore, #tpu.memory_space<semaphore_mem>>) src(%dma_wait3A_128 : memref<80xi32, #tpu.memory_space<hbm>>) dst(%arg9 : memref<80xi32, #tpu.memory_space<vmem>>)
      tpu.yield
    }) : () -> ()
    %get3A = arith.constant 0 : index
    %get3A_10 = tpu.vector_load %arg6[%get3A] {strides = array<i32>} : memref<80xi32, #tpu.memory_space<vmem>>, vector<16xi32>,
    %add3A_11 = vector.broadcast %mul3A_4 : i32 to vector<16xi32>
    %add3A_12 = arith.addi %get3A_10, %add3A_11 : vector<16xi32>
    %swap3A = arith.constant 0 : index
    %swap3A_13 = tpu.vector_load %arg6[%swap3A] {strides = array<i32>} : memref<80xi32, #tpu.memory_space<vmem>>, vector<16xi32>,
    tpu.vector_store %arg6[%swap3A], %add3A_12 {strides = array<i32>} : memref<80xi32, #tpu.memory_space<vmem>>, vector<16xi32>,
    %get3A_14 = arith.constant 16 : index
    %get3A_15 = tpu.vector_load %arg6[%get3A_14] {strides = array<i32>} : memref<80xi32, #tpu.memory_space<vmem>>, vector<16xi32>,
    %add3A_16 = vector.broadcast %mul3A_4 : i32 to vector<16xi32>
    %add3A_17 = arith.addi %get3A_15, %add3A_16 : vector<16xi32>
    %swap3A_18 = arith.constant 16 : index
    %swap3A_19 = tpu.vector_load %arg6[%swap3A_18] {strides = array<i32>} : memref<80xi32, #tpu.memory_space<vmem>>, vector<16xi32>,
    tpu.vector_store %arg6[%swap3A_18], %add3A_17 {strides = array<i32>} : memref<80xi32, #tpu.memory_space<vmem>>, vector<16xi32>,
    %get3A_20 = arith.constant 32 : index
    %get3A_21 = tpu.vector_load %arg6[%get3A_20] {strides = array<i32>} : memref<80xi32, #tpu.memory_space<vmem>>, vector<16xi32>,
    %add3A_22 = vector.broadcast %mul3A_4 : i32 to vector<16xi32>
    %add3A_23 = arith.addi %get3A_21, %add3A_22 : vector<16xi32>
    %swap3A_24 = arith.constant 32 : index
    %swap3A_25 = tpu.vector_load %arg6[%swap3A_24] {strides = array<i32>} : memref<80xi32, #tpu.memory_space<vmem>>, vector<16xi32>,
    tpu.vector_store %arg6[%swap3A_24], %add3A_23 {strides = array<i32>} : memref<80xi32, #tpu.memory_space<vmem>>, vector<16xi32>,
    %get3A_26 = arith.constant 48 : index
    %get3A_27 = tpu.vector_load %arg6[%get3A_26] {strides = array<i32>} : memref<80xi32, #tpu.memory_space<vmem>>, vector<16xi32>,
    %add3A_28 = vector.broadcast %mul3A_4 : i32 to vector<16xi32>
    %add3A_29 = arith.addi %get3A_27, %add3A_28 : vector<16xi32>
    %swap3A_30 = arith.constant 48 : index
    %swap3A_31 = tpu.vector_load %arg6[%swap3A_30] {strides = array<i32>} : memref<80xi32, #tpu.memory_space<vmem>>, vector<16xi32>,
    tpu.vector_store %arg6[%swap3A_30], %add3A_29 {strides = array<i32>} : memref<80xi32, #tpu.memory_space<vmem>>, vector<16xi32>,
    %get3A_32 = arith.constant 64 : index
    %get3A_33 = tpu.vector_load %arg6[%get3A_32] {strides = array<i32>} : memref<80xi32, #tpu.memory_space<vmem>>, vector<16xi32>,
    %add3A_34 = vector.broadcast %mul3A_4 : i32 to vector<16xi32>
    %add3A_35 = arith.addi %get3A_33, %add3A_34 : vector<16xi32>
    %swap3A_36 = arith.constant 64 : index
    %swap3A_37 = tpu.vector_load %arg6[%swap3A_36] {strides = array<i32>} : memref<80xi32, #tpu.memory_space<vmem>>, vector<16xi32>,
    tpu.vector_store %arg6[%swap3A_36], %add3A_35 {strides = array<i32>} : memref<80xi32, #tpu.memory_space<vmem>>, vector<16xi32>,
    %add3A_38 = arith.constant 80 : i32
    %add3A_39 = arith.addi %mul3A_2, %add3A_38 : i32
    "tpu.region"() ({
      %run_scoped3A = tpu.sem_alloc : memref<!tpu.dma_semaphore, #tpu.memory_space<semaphore_mem>>
      %dma_start3A_125 = tpu.memref_slice %arg3[%add3A_39] : memref<640000xi32, #tpu.memory_space<hbm>> -> memref<80xi32, #tpu.memory_space<hbm>>
      %dma_start3A_126 = tpu.memref_slice %arg3[%add3A_39] : memref<640000xi32, #tpu.memory_space<hbm>> -> memref<80xi32, #tpu.memory_space<hbm>>
      tpu.enqueue_dma source(%dma_start3A_126 : memref<80xi32, #tpu.memory_space<hbm>>) target(%arg7 : memref<80xi32, #tpu.memory_space<vmem>>) target_semaphore(%run_scoped3A : memref<!tpu.dma_semaphore, #tpu.memory_space<semaphore_mem>>)
      %dma_wait3A_127 = tpu.memref_slice %arg3[%add3A_39] : memref<640000xi32, #tpu.memory_space<hbm>> -> memref<80xi32, #tpu.memory_space<hbm>>
      %dma_wait3A_128 = tpu.memref_slice %arg3[%add3A_39] : memref<640000xi32, #tpu.memory_space<hbm>> -> memref<80xi32, #tpu.memory_space<hbm>>
      tpu.wait_dma2 semaphore(%run_scoped3A : memref<!tpu.dma_semaphore, #tpu.memory_space<semaphore_mem>>) src(%dma_wait3A_128 : memref<80xi32, #tpu.memory_space<hbm>>) dst(%arg7 : memref<80xi32, #tpu.memory_space<vmem>>)
      tpu.yield
    }) : () -> ()
    %add3A_40 = arith.constant 320000 : i32
    %add3A_41 = arith.addi %add3A_40, %mul3A_2 : i32
    %add3A_42 = arith.constant 80 : i32
    %add3A_43 = arith.addi %add3A_41, %add3A_42 : i32
    "tpu.region"() ({
      %run_scoped3A = tpu.sem_alloc : memref<!tpu.dma_semaphore, #tpu.memory_space<semaphore_mem>>
      %dma_start3A_125 = tpu.memref_slice %arg3[%add3A_43] : memref<640000xi32, #tpu.memory_space<hbm>> -> memref<80xi32, #tpu.memory_space<hbm>>
      %dma_start3A_126 = tpu.memref_slice %arg3[%add3A_43] : memref<640000xi32, #tpu.memory_space<hbm>> -> memref<80xi32, #tpu.memory_space<hbm>>
      tpu.enqueue_dma source(%dma_start3A_126 : memref<80xi32, #tpu.memory_space<hbm>>) target(%arg10 : memref<80xi32, #tpu.memory_space<vmem>>) target_semaphore(%run_scoped3A : memref<!tpu.dma_semaphore, #tpu.memory_space<semaphore_mem>>)
      %dma_wait3A_127 = tpu.memref_slice %arg3[%add3A_43] : memref<640000xi32, #tpu.memory_space<hbm>> -> memref<80xi32, #tpu.memory_space<hbm>>
      %dma_wait3A_128 = tpu.memref_slice %arg3[%add3A_43] : memref<640000xi32, #tpu.memory_space<hbm>> -> memref<80xi32, #tpu.memory_space<hbm>>
      tpu.wait_dma2 semaphore(%run_scoped3A : memref<!tpu.dma_semaphore, #tpu.memory_space<semaphore_mem>>) src(%dma_wait3A_128 : memref<80xi32, #tpu.memory_space<hbm>>) dst(%arg10 : memref<80xi32, #tpu.memory_space<vmem>>)
      tpu.yield
    }) : () -> ()
    %get3A_44 = arith.constant 0 : index
    %get3A_45 = tpu.vector_load %arg7[%get3A_44] {strides = array<i32>} : memref<80xi32, #tpu.memory_space<vmem>>, vector<16xi32>,
    %add3A_46 = vector.broadcast %mul3A_4 : i32 to vector<16xi32>
    %add3A_47 = arith.addi %get3A_45, %add3A_46 : vector<16xi32>
    %swap3A_48 = arith.constant 0 : index
    %swap3A_49 = tpu.vector_load %arg7[%swap3A_48] {strides = array<i32>} : memref<80xi32, #tpu.memory_space<vmem>>, vector<16xi32>,
    tpu.vector_store %arg7[%swap3A_48], %add3A_47 {strides = array<i32>} : memref<80xi32, #tpu.memory_space<vmem>>, vector<16xi32>,
    %get3A_50 = arith.constant 16 : index
    %get3A_51 = tpu.vector_load %arg7[%get3A_50] {strides = array<i32>} : memref<80xi32, #tpu.memory_space<vmem>>, vector<16xi32>,
    %add3A_52 = vector.broadcast %mul3A_4 : i32 to vector<16xi32>
    %add3A_53 = arith.addi %get3A_51, %add3A_52 : vector<16xi32>
    %swap3A_54 = arith.constant 16 : index
    %swap3A_55 = tpu.vector_load %arg7[%swap3A_54] {strides = array<i32>} : memref<80xi32, #tpu.memory_space<vmem>>, vector<16xi32>,
    tpu.vector_store %arg7[%swap3A_54], %add3A_53 {strides = array<i32>} : memref<80xi32, #tpu.memory_space<vmem>>, vector<16xi32>,
    %get3A_56 = arith.constant 32 : index
    %get3A_57 = tpu.vector_load %arg7[%get3A_56] {strides = array<i32>} : memref<80xi32, #tpu.memory_space<vmem>>, vector<16xi32>,
    %add3A_58 = vector.broadcast %mul3A_4 : i32 to vector<16xi32>
    %add3A_59 = arith.addi %get3A_57, %add3A_58 : vector<16xi32>
    %swap3A_60 = arith.constant 32 : index
    %swap3A_61 = tpu.vector_load %arg7[%swap3A_60] {strides = array<i32>} : memref<80xi32, #tpu.memory_space<vmem>>, vector<16xi32>,
    tpu.vector_store %arg7[%swap3A_60], %add3A_59 {strides = array<i32>} : memref<80xi32, #tpu.memory_space<vmem>>, vector<16xi32>,
    %get3A_62 = arith.constant 48 : index
    %get3A_63 = tpu.vector_load %arg7[%get3A_62] {strides = array<i32>} : memref<80xi32, #tpu.memory_space<vmem>>, vector<16xi32>,
    %add3A_64 = vector.broadcast %mul3A_4 : i32 to vector<16xi32>
    %add3A_65 = arith.addi %get3A_63, %add3A_64 : vector<16xi32>
    %swap3A_66 = arith.constant 48 : index
    %swap3A_67 = tpu.vector_load %arg7[%swap3A_66] {strides = array<i32>} : memref<80xi32, #tpu.memory_space<vmem>>, vector<16xi32>,
    tpu.vector_store %arg7[%swap3A_66], %add3A_65 {strides = array<i32>} : memref<80xi32, #tpu.memory_space<vmem>>, vector<16xi32>,
    %get3A_68 = arith.constant 64 : index
    %get3A_69 = tpu.vector_load %arg7[%get3A_68] {strides = array<i32>} : memref<80xi32, #tpu.memory_space<vmem>>, vector<16xi32>,
    %add3A_70 = vector.broadcast %mul3A_4 : i32 to vector<16xi32>
    %add3A_71 = arith.addi %get3A_69, %add3A_70 : vector<16xi32>
    %swap3A_72 = arith.constant 64 : index
    %swap3A_73 = tpu.vector_load %arg7[%swap3A_72] {strides = array<i32>} : memref<80xi32, #tpu.memory_space<vmem>>, vector<16xi32>,
    tpu.vector_store %arg7[%swap3A_72], %add3A_71 {strides = array<i32>} : memref<80xi32, #tpu.memory_space<vmem>>, vector<16xi32>,
    %add3A_74 = arith.constant 160 : i32
    %add3A_75 = arith.addi %mul3A_2, %add3A_74 : i32
    "tpu.region"() ({
      %run_scoped3A = tpu.sem_alloc : memref<!tpu.dma_semaphore, #tpu.memory_space<semaphore_mem>>
      %dma_start3A_125 = tpu.memref_slice %arg3[%add3A_75] : memref<640000xi32, #tpu.memory_space<hbm>> -> memref<80xi32, #tpu.memory_space<hbm>>
      %dma_start3A_126 = tpu.memref_slice %arg3[%add3A_75] : memref<640000xi32, #tpu.memory_space<hbm>> -> memref<80xi32, #tpu.memory_space<hbm>>
      tpu.enqueue_dma source(%dma_start3A_126 : memref<80xi32, #tpu.memory_space<hbm>>) target(%arg8 : memref<80xi32, #tpu.memory_space<vmem>>) target_semaphore(%run_scoped3A : memref<!tpu.dma_semaphore, #tpu.memory_space<semaphore_mem>>)
      %dma_wait3A_127 = tpu.memref_slice %arg3[%add3A_75] : memref<640000xi32, #tpu.memory_space<hbm>> -> memref<80xi32, #tpu.memory_space<hbm>>
      %dma_wait3A_128 = tpu.memref_slice %arg3[%add3A_75] : memref<640000xi32, #tpu.memory_space<hbm>> -> memref<80xi32, #tpu.memory_space<hbm>>
      tpu.wait_dma2 semaphore(%run_scoped3A : memref<!tpu.dma_semaphore, #tpu.memory_space<semaphore_mem>>) src(%dma_wait3A_128 : memref<80xi32, #tpu.memory_space<hbm>>) dst(%arg8 : memref<80xi32, #tpu.memory_space<vmem>>)
      tpu.yield
    }) : () -> ()
    %add3A_76 = arith.constant 320000 : i32
    %add3A_77 = arith.addi %add3A_76, %mul3A_2 : i32
    %add3A_78 = arith.constant 160 : i32
    %add3A_79 = arith.addi %add3A_77, %add3A_78 : i32
    "tpu.region"() ({
      %run_scoped3A = tpu.sem_alloc : memref<!tpu.dma_semaphore, #tpu.memory_space<semaphore_mem>>
      %dma_start3A_125 = tpu.memref_slice %arg3[%add3A_79] : memref<640000xi32, #tpu.memory_space<hbm>> -> memref<80xi32, #tpu.memory_space<hbm>>
      %dma_start3A_126 = tpu.memref_slice %arg3[%add3A_79] : memref<640000xi32, #tpu.memory_space<hbm>> -> memref<80xi32, #tpu.memory_space<hbm>>
      tpu.enqueue_dma source(%dma_start3A_126 : memref<80xi32, #tpu.memory_space<hbm>>) target(%arg11 : memref<80xi32, #tpu.memory_space<vmem>>) target_semaphore(%run_scoped3A : memref<!tpu.dma_semaphore, #tpu.memory_space<semaphore_mem>>)
      %dma_wait3A_127 = tpu.memref_slice %arg3[%add3A_79] : memref<640000xi32, #tpu.memory_space<hbm>> -> memref<80xi32, #tpu.memory_space<hbm>>
      %dma_wait3A_128 = tpu.memref_slice %arg3[%add3A_79] : memref<640000xi32, #tpu.memory_space<hbm>> -> memref<80xi32, #tpu.memory_space<hbm>>
      tpu.wait_dma2 semaphore(%run_scoped3A : memref<!tpu.dma_semaphore, #tpu.memory_space<semaphore_mem>>) src(%dma_wait3A_128 : memref<80xi32, #tpu.memory_space<hbm>>) dst(%arg11 : memref<80xi32, #tpu.memory_space<vmem>>)
      tpu.yield
    }) : () -> ()
    %get3A_80 = arith.constant 0 : index
    %get3A_81 = tpu.vector_load %arg8[%get3A_80] {strides = array<i32>} : memref<80xi32, #tpu.memory_space<vmem>>, vector<16xi32>,
    %add3A_82 = vector.broadcast %mul3A_4 : i32 to vector<16xi32>
    %add3A_83 = arith.addi %get3A_81, %add3A_82 : vector<16xi32>
    %swap3A_84 = arith.constant 0 : index
    %swap3A_85 = tpu.vector_load %arg8[%swap3A_84] {strides = array<i32>} : memref<80xi32, #tpu.memory_space<vmem>>, vector<16xi32>,
    tpu.vector_store %arg8[%swap3A_84], %add3A_83 {strides = array<i32>} : memref<80xi32, #tpu.memory_space<vmem>>, vector<16xi32>,
    %get3A_86 = arith.constant 16 : index
    %get3A_87 = tpu.vector_load %arg8[%get3A_86] {strides = array<i32>} : memref<80xi32, #tpu.memory_space<vmem>>, vector<16xi32>,
    %add3A_88 = vector.broadcast %mul3A_4 : i32 to vector<16xi32>
    %add3A_89 = arith.addi %get3A_87, %add3A_88 : vector<16xi32>
    %swap3A_90 = arith.constant 16 : index
    %swap3A_91 = tpu.vector_load %arg8[%swap3A_90] {strides = array<i32>} : memref<80xi32, #tpu.memory_space<vmem>>, vector<16xi32>,
    tpu.vector_store %arg8[%swap3A_90], %add3A_89 {strides = array<i32>} : memref<80xi32, #tpu.memory_space<vmem>>, vector<16xi32>,
    %get3A_92 = arith.constant 32 : index
    %get3A_93 = tpu.vector_load %arg8[%get3A_92] {strides = array<i32>} : memref<80xi32, #tpu.memory_space<vmem>>, vector<16xi32>,
    %add3A_94 = vector.broadcast %mul3A_4 : i32 to vector<16xi32>
    %add3A_95 = arith.addi %get3A_93, %add3A_94 : vector<16xi32>
    %swap3A_96 = arith.constant 32 : index
    %swap3A_97 = tpu.vector_load %arg8[%swap3A_96] {strides = array<i32>} : memref<80xi32, #tpu.memory_space<vmem>>, vector<16xi32>,
    tpu.vector_store %arg8[%swap3A_96], %add3A_95 {strides = array<i32>} : memref<80xi32, #tpu.memory_space<vmem>>, vector<16xi32>,
    %get3A_98 = arith.constant 48 : index
    %get3A_99 = tpu.vector_load %arg8[%get3A_98] {strides = array<i32>} : memref<80xi32, #tpu.memory_space<vmem>>, vector<16xi32>,
    %add3A_100 = vector.broadcast %mul3A_4 : i32 to vector<16xi32>
    %add3A_101 = arith.addi %get3A_99, %add3A_100 : vector<16xi32>
    %swap3A_102 = arith.constant 48 : index
    %swap3A_103 = tpu.vector_load %arg8[%swap3A_102] {strides = array<i32>} : memref<80xi32, #tpu.memory_space<vmem>>, vector<16xi32>,
    tpu.vector_store %arg8[%swap3A_102], %add3A_101 {strides = array<i32>} : memref<80xi32, #tpu.memory_space<vmem>>, vector<16xi32>,
    %get3A_104 = arith.constant 64 : index
    %get3A_105 = tpu.vector_load %arg8[%get3A_104] {strides = array<i32>} : memref<80xi32, #tpu.memory_space<vmem>>, vector<16xi32>,
    %add3A_106 = vector.broadcast %mul3A_4 : i32 to vector<16xi32>
    %add3A_107 = arith.addi %get3A_105, %add3A_106 : vector<16xi32>
    %swap3A_108 = arith.constant 64 : index
    %swap3A_109 = tpu.vector_load %arg8[%swap3A_108] {strides = array<i32>} : memref<80xi32, #tpu.memory_space<vmem>>, vector<16xi32>,
    tpu.vector_store %arg8[%swap3A_108], %add3A_107 {strides = array<i32>} : memref<80xi32, #tpu.memory_space<vmem>>, vector<16xi32>,
    %barrier3A = arith.constant 0 : index
    tpu.barrier barrier_id(%barrier3A)
    %dma_start3A = arith.constant 0 : i32
    %dma_start3A_110 = arith.constant 0 : i32
    %dma_start3A_111 = tpu.memref_slice %arg2[%dma_start3A, %dma_start3A_110] : memref<20000x128xf32, #tpu.memory_space<hbm>> -> memref<20000x128xf32, #tpu.memory_space<hbm>>
    tpu.enqueue_indirect_dma source(%dma_start3A_111 : memref<20000x128xf32, #tpu.memory_space<hbm>>) target(%arg12 : memref<80x128xf32, #tpu.memory_space<vmem>>) offsets(%arg6 : memref<80xi32, #tpu.memory_space<vmem>>) semaphore(%arg16 : memref<!tpu.dma_semaphore, #tpu.memory_space<semaphore_mem>>)
    %dma_start3A_112 = arith.constant 0 : i32
    %dma_start3A_113 = arith.constant 0 : i32
    %dma_start3A_114 = tpu.memref_slice %arg2[%dma_start3A_112, %dma_start3A_113] : memref<20000x128xf32, #tpu.memory_space<hbm>> -> memref<20000x128xf32, #tpu.memory_space<hbm>>
    tpu.enqueue_indirect_dma source(%dma_start3A_114 : memref<20000x128xf32, #tpu.memory_space<hbm>>) target(%arg13 : memref<80x128xf32, #tpu.memory_space<vmem>>) offsets(%arg7 : memref<80xi32, #tpu.memory_space<vmem>>) semaphore(%arg17 : memref<!tpu.dma_semaphore, #tpu.memory_space<semaphore_mem>>)
    %dma_start3A_115 = arith.constant 0 : i32
    %dma_start3A_116 = arith.constant 0 : i32
    %dma_start3A_117 = tpu.memref_slice %arg2[%dma_start3A_115, %dma_start3A_116] : memref<20000x128xf32, #tpu.memory_space<hbm>> -> memref<20000x128xf32, #tpu.memory_space<hbm>>
    tpu.enqueue_indirect_dma source(%dma_start3A_117 : memref<20000x128xf32, #tpu.memory_space<hbm>>) target(%arg14 : memref<80x128xf32, #tpu.memory_space<vmem>>) offsets(%arg8 : memref<80xi32, #tpu.memory_space<vmem>>) semaphore(%arg18 : memref<!tpu.dma_semaphore, #tpu.memory_space<semaphore_mem>>)
    %scan3A = arith.constant 0 : i32
    %scan3A_118 = arith.constant 83 : i32
    %scan3A_119 = arith.addi %scan3A, %scan3A_118 : i32
    %scan3A_120 = arith.constant 1 : i32
    scf.for %scan3A_125 = %scan3A to %scan3A_119 step %scan3A_120  : i32 {
      %mul3A_126 = arith.constant 3 : i32
      %mul3A_127 = arith.muli %scan3A_125, %mul3A_126 : i32
      %add3A_128 = arith.constant 0 : i32
      %add3A_129 = arith.addi %mul3A_127, %add3A_128 : i32
      %dma_wait3A_130 = arith.constant 0 : i32
      %dma_wait3A_131 = arith.constant 0 : i32
      %dma_wait3A_132 = tpu.memref_slice %arg2[%dma_wait3A_130, %dma_wait3A_131] : memref<20000x128xf32, #tpu.memory_space<hbm>> -> memref<20000x128xf32, #tpu.memory_space<hbm>>
      tpu.wait_indirect_dma semaphore(%arg16 : memref<!tpu.dma_semaphore, #tpu.memory_space<semaphore_mem>>) src(%dma_wait3A_132 : memref<20000x128xf32, #tpu.memory_space<hbm>>) dst(%arg12 : memref<80x128xf32, #tpu.memory_space<vmem>>)
      "tpu.region"() ({
        %run_scoped3A = tpu.sem_alloc : memref<!tpu.dma_semaphore, #tpu.memory_space<semaphore_mem>>
        %dma_start3A_165 = arith.constant 0 : i32
        %dma_start3A_166 = arith.constant 0 : i32
        %dma_start3A_167 = tpu.memref_slice %arg15[%dma_start3A_165, %dma_start3A_166] : memref<10112x128xf32, #tpu.memory_space<vmem_shared>> -> memref<10112x128xf32, #tpu.memory_space<vmem_shared>>
        tpu.enqueue_indirect_dma source(%arg12 : memref<80x128xf32, #tpu.memory_space<vmem>>) target(%dma_start3A_167 : memref<10112x128xf32, #tpu.memory_space<vmem_shared>>) offsets(%arg9 : memref<80xi32, #tpu.memory_space<vmem>>) semaphore(%run_scoped3A : memref<!tpu.dma_semaphore, #tpu.memory_space<semaphore_mem>>) {add = true}
        %dma_wait3A_168 = arith.constant 0 : i32
        %dma_wait3A_169 = arith.constant 0 : i32
        %dma_wait3A_170 = tpu.memref_slice %arg15[%dma_wait3A_168, %dma_wait3A_169] : memref<10112x128xf32, #tpu.memory_space<vmem_shared>> -> memref<10112x128xf32, #tpu.memory_space<vmem_shared>>
        tpu.wait_indirect_dma semaphore(%run_scoped3A : memref<!tpu.dma_semaphore, #tpu.memory_space<semaphore_mem>>) src(%arg12 : memref<80x128xf32, #tpu.memory_space<vmem>>) dst(%dma_wait3A_170 : memref<10112x128xf32, #tpu.memory_space<vmem_shared>>)
        tpu.yield
      }) : () -> ()
      %add3A_133 = arith.constant 3 : i32
      %add3A_134 = arith.addi %add3A_129, %add3A_133 : i32
      %lt3A = arith.constant 250 : i32
      %lt3A_135 = arith.cmpi slt, %add3A_134, %lt3A : i32
      %convert_element_type3A = arith.extui %lt3A_135 : i1 to i32
      %cond3A = arith.constant 0 : i32
      %cond3A_136 = arith.cmpi ne, %convert_element_type3A, %cond3A : i32
      scf.if %cond3A_136 {
        %add3A_165 = arith.constant 3 : i32
        %add3A_166 = arith.addi %add3A_129, %add3A_165 : i32
        %mul3A_167 = arith.constant 80 : i32
        %mul3A_168 = arith.muli %add3A_166, %mul3A_167 : i32
        %add3A_169 = arith.addi %mul3A_2, %mul3A_168 : i32
        "tpu.region"() ({
          %run_scoped3A = tpu.sem_alloc : memref<!tpu.dma_semaphore, #tpu.memory_space<semaphore_mem>>
          %dma_start3A_208 = tpu.memref_slice %arg3[%add3A_169] : memref<640000xi32, #tpu.memory_space<hbm>> -> memref<80xi32, #tpu.memory_space<hbm>>
          %dma_start3A_209 = tpu.memref_slice %arg3[%add3A_169] : memref<640000xi32, #tpu.memory_space<hbm>> -> memref<80xi32, #tpu.memory_space<hbm>>
          tpu.enqueue_dma source(%dma_start3A_209 : memref<80xi32, #tpu.memory_space<hbm>>) target(%arg6 : memref<80xi32, #tpu.memory_space<vmem>>) target_semaphore(%run_scoped3A : memref<!tpu.dma_semaphore, #tpu.memory_space<semaphore_mem>>)
          %dma_wait3A_210 = tpu.memref_slice %arg3[%add3A_169] : memref<640000xi32, #tpu.memory_space<hbm>> -> memref<80xi32, #tpu.memory_space<hbm>>
          %dma_wait3A_211 = tpu.memref_slice %arg3[%add3A_169] : memref<640000xi32, #tpu.memory_space<hbm>> -> memref<80xi32, #tpu.memory_space<hbm>>
          tpu.wait_dma2 semaphore(%run_scoped3A : memref<!tpu.dma_semaphore, #tpu.memory_space<semaphore_mem>>) src(%dma_wait3A_211 : memref<80xi32, #tpu.memory_space<hbm>>) dst(%arg6 : memref<80xi32, #tpu.memory_space<vmem>>)
          tpu.yield
        }) : () -> ()
        %add3A_170 = arith.constant 320000 : i32
        %add3A_171 = arith.addi %add3A_170, %mul3A_2 : i32
        %mul3A_172 = arith.constant 80 : i32
        %mul3A_173 = arith.muli %add3A_166, %mul3A_172 : i32
        %add3A_174 = arith.addi %add3A_171, %mul3A_173 : i32
        "tpu.region"() ({
          %run_scoped3A = tpu.sem_alloc : memref<!tpu.dma_semaphore, #tpu.memory_space<semaphore_mem>>
          %dma_start3A_208 = tpu.memref_slice %arg3[%add3A_174] : memref<640000xi32, #tpu.memory_space<hbm>> -> memref<80xi32, #tpu.memory_space<hbm>>
          %dma_start3A_209 = tpu.memref_slice %arg3[%add3A_174] : memref<640000xi32, #tpu.memory_space<hbm>> -> memref<80xi32, #tpu.memory_space<hbm>>
          tpu.enqueue_dma source(%dma_start3A_209 : memref<80xi32, #tpu.memory_space<hbm>>) target(%arg9 : memref<80xi32, #tpu.memory_space<vmem>>) target_semaphore(%run_scoped3A : memref<!tpu.dma_semaphore, #tpu.memory_space<semaphore_mem>>)
          %dma_wait3A_210 = tpu.memref_slice %arg3[%add3A_174] : memref<640000xi32, #tpu.memory_space<hbm>> -> memref<80xi32, #tpu.memory_space<hbm>>
          %dma_wait3A_211 = tpu.memref_slice %arg3[%add3A_174] : memref<640000xi32, #tpu.memory_space<hbm>> -> memref<80xi32, #tpu.memory_space<hbm>>
          tpu.wait_dma2 semaphore(%run_scoped3A : memref<!tpu.dma_semaphore, #tpu.memory_space<semaphore_mem>>) src(%dma_wait3A_211 : memref<80xi32, #tpu.memory_space<hbm>>) dst(%arg9 : memref<80xi32, #tpu.memory_space<vmem>>)
          tpu.yield
        }) : () -> ()
        %get3A_175 = arith.constant 0 : index
        %get3A_176 = tpu.vector_load %arg6[%get3A_175] {strides = array<i32>} : memref<80xi32, #tpu.memory_space<vmem>>, vector<16xi32>,
        %add3A_177 = vector.broadcast %mul3A_4 : i32 to vector<16xi32>
        %add3A_178 = arith.addi %get3A_176, %add3A_177 : vector<16xi32>
        %swap3A_179 = arith.constant 0 : index
        %swap3A_180 = tpu.vector_load %arg6[%swap3A_179] {strides = array<i32>} : memref<80xi32, #tpu.memory_space<vmem>>, vector<16xi32>,
        tpu.vector_store %arg6[%swap3A_179], %add3A_178 {strides = array<i32>} : memref<80xi32, #tpu.memory_space<vmem>>, vector<16xi32>,
        %get3A_181 = arith.constant 16 : index
        %get3A_182 = tpu.vector_load %arg6[%get3A_181] {strides = array<i32>} : memref<80xi32, #tpu.memory_space<vmem>>, vector<16xi32>,
        %add3A_183 = vector.broadcast %mul3A_4 : i32 to vector<16xi32>
        %add3A_184 = arith.addi %get3A_182, %add3A_183 : vector<16xi32>
        %swap3A_185 = arith.constant 16 : index
        %swap3A_186 = tpu.vector_load %arg6[%swap3A_185] {strides = array<i32>} : memref<80xi32, #tpu.memory_space<vmem>>, vector<16xi32>,
        tpu.vector_store %arg6[%swap3A_185], %add3A_184 {strides = array<i32>} : memref<80xi32, #tpu.memory_space<vmem>>, vector<16xi32>,
        %get3A_187 = arith.constant 32 : index
        %get3A_188 = tpu.vector_load %arg6[%get3A_187] {strides = array<i32>} : memref<80xi32, #tpu.memory_space<vmem>>, vector<16xi32>,
        %add3A_189 = vector.broadcast %mul3A_4 : i32 to vector<16xi32>
        %add3A_190 = arith.addi %get3A_188, %add3A_189 : vector<16xi32>
        %swap3A_191 = arith.constant 32 : index
        %swap3A_192 = tpu.vector_load %arg6[%swap3A_191] {strides = array<i32>} : memref<80xi32, #tpu.memory_space<vmem>>, vector<16xi32>,
        tpu.vector_store %arg6[%swap3A_191], %add3A_190 {strides = array<i32>} : memref<80xi32, #tpu.memory_space<vmem>>, vector<16xi32>,
        %get3A_193 = arith.constant 48 : index
        %get3A_194 = tpu.vector_load %arg6[%get3A_193] {strides = array<i32>} : memref<80xi32, #tpu.memory_space<vmem>>, vector<16xi32>,
        %add3A_195 = vector.broadcast %mul3A_4 : i32 to vector<16xi32>
        %add3A_196 = arith.addi %get3A_194, %add3A_195 : vector<16xi32>
        %swap3A_197 = arith.constant 48 : index
        %swap3A_198 = tpu.vector_load %arg6[%swap3A_197] {strides = array<i32>} : memref<80xi32, #tpu.memory_space<vmem>>, vector<16xi32>,
        tpu.vector_store %arg6[%swap3A_197], %add3A_196 {strides = array<i32>} : memref<80xi32, #tpu.memory_space<vmem>>, vector<16xi32>,
        %get3A_199 = arith.constant 64 : index
        %get3A_200 = tpu.vector_load %arg6[%get3A_199] {strides = array<i32>} : memref<80xi32, #tpu.memory_space<vmem>>, vector<16xi32>,
        %add3A_201 = vector.broadcast %mul3A_4 : i32 to vector<16xi32>
        %add3A_202 = arith.addi %get3A_200, %add3A_201 : vector<16xi32>
        %swap3A_203 = arith.constant 64 : index
        %swap3A_204 = tpu.vector_load %arg6[%swap3A_203] {strides = array<i32>} : memref<80xi32, #tpu.memory_space<vmem>>, vector<16xi32>,
        tpu.vector_store %arg6[%swap3A_203], %add3A_202 {strides = array<i32>} : memref<80xi32, #tpu.memory_space<vmem>>, vector<16xi32>,
        %dma_start3A_205 = arith.constant 0 : i32
        %dma_start3A_206 = arith.constant 0 : i32
        %dma_start3A_207 = tpu.memref_slice %arg2[%dma_start3A_205, %dma_start3A_206] : memref<20000x128xf32, #tpu.memory_space<hbm>> -> memref<20000x128xf32, #tpu.memory_space<hbm>>
        tpu.enqueue_indirect_dma source(%dma_start3A_207 : memref<20000x128xf32, #tpu.memory_space<hbm>>) target(%arg12 : memref<80x128xf32, #tpu.memory_space<vmem>>) offsets(%arg6 : memref<80xi32, #tpu.memory_space<vmem>>) semaphore(%arg16 : memref<!tpu.dma_semaphore, #tpu.memory_space<semaphore_mem>>)
      } else {
      }
      %mul3A_137 = arith.constant 3 : i32
      %mul3A_138 = arith.muli %scan3A_125, %mul3A_137 : i32
      %add3A_139 = arith.constant 1 : i32
      %add3A_140 = arith.addi %mul3A_138, %add3A_139 : i32
      %dma_wait3A_141 = arith.constant 0 : i32
      %dma_wait3A_142 = arith.constant 0 : i32
      %dma_wait3A_143 = tpu.memref_slice %arg2[%dma_wait3A_141, %dma_wait3A_142] : memref<20000x128xf32, #tpu.memory_space<hbm>> -> memref<20000x128xf32, #tpu.memory_space<hbm>>
      tpu.wait_indirect_dma semaphore(%arg17 : memref<!tpu.dma_semaphore, #tpu.memory_space<semaphore_mem>>) src(%dma_wait3A_143 : memref<20000x128xf32, #tpu.memory_space<hbm>>) dst(%arg13 : memref<80x128xf32, #tpu.memory_space<vmem>>)
      "tpu.region"() ({
        %run_scoped3A = tpu.sem_alloc : memref<!tpu.dma_semaphore, #tpu.memory_space<semaphore_mem>>
        %dma_start3A_165 = arith.constant 0 : i32
        %dma_start3A_166 = arith.constant 0 : i32
        %dma_start3A_167 = tpu.memref_slice %arg15[%dma_start3A_165, %dma_start3A_166] : memref<10112x128xf32, #tpu.memory_space<vmem_shared>> -> memref<10112x128xf32, #tpu.memory_space<vmem_shared>>
        tpu.enqueue_indirect_dma source(%arg13 : memref<80x128xf32, #tpu.memory_space<vmem>>) target(%dma_start3A_167 : memref<10112x128xf32, #tpu.memory_space<vmem_shared>>) offsets(%arg10 : memref<80xi32, #tpu.memory_space<vmem>>) semaphore(%run_scoped3A : memref<!tpu.dma_semaphore, #tpu.memory_space<semaphore_mem>>) {add = true}
        %dma_wait3A_168 = arith.constant 0 : i32
        %dma_wait3A_169 = arith.constant 0 : i32
        %dma_wait3A_170 = tpu.memref_slice %arg15[%dma_wait3A_168, %dma_wait3A_169] : memref<10112x128xf32, #tpu.memory_space<vmem_shared>> -> memref<10112x128xf32, #tpu.memory_space<vmem_shared>>
        tpu.wait_indirect_dma semaphore(%run_scoped3A : memref<!tpu.dma_semaphore, #tpu.memory_space<semaphore_mem>>) src(%arg13 : memref<80x128xf32, #tpu.memory_space<vmem>>) dst(%dma_wait3A_170 : memref<10112x128xf32, #tpu.memory_space<vmem_shared>>)
        tpu.yield
      }) : () -> ()
      %add3A_144 = arith.constant 3 : i32
      %add3A_145 = arith.addi %add3A_140, %add3A_144 : i32
      %lt3A_146 = arith.constant 250 : i32
      %lt3A_147 = arith.cmpi slt, %add3A_145, %lt3A_146 : i32
      %convert_element_type3A_148 = arith.extui %lt3A_147 : i1 to i32
      %cond3A_149 = arith.constant 0 : i32
      %cond3A_150 = arith.cmpi ne, %convert_element_type3A_148, %cond3A_149 : i32
      scf.if %cond3A_150 {
        %add3A_165 = arith.constant 3 : i32
        %add3A_166 = arith.addi %add3A_140, %add3A_165 : i32
        %mul3A_167 = arith.constant 80 : i32
        %mul3A_168 = arith.muli %add3A_166, %mul3A_167 : i32
        %add3A_169 = arith.addi %mul3A_2, %mul3A_168 : i32
        "tpu.region"() ({
          %run_scoped3A = tpu.sem_alloc : memref<!tpu.dma_semaphore, #tpu.memory_space<semaphore_mem>>
          %dma_start3A_208 = tpu.memref_slice %arg3[%add3A_169] : memref<640000xi32, #tpu.memory_space<hbm>> -> memref<80xi32, #tpu.memory_space<hbm>>
          %dma_start3A_209 = tpu.memref_slice %arg3[%add3A_169] : memref<640000xi32, #tpu.memory_space<hbm>> -> memref<80xi32, #tpu.memory_space<hbm>>
          tpu.enqueue_dma source(%dma_start3A_209 : memref<80xi32, #tpu.memory_space<hbm>>) target(%arg7 : memref<80xi32, #tpu.memory_space<vmem>>) target_semaphore(%run_scoped3A : memref<!tpu.dma_semaphore, #tpu.memory_space<semaphore_mem>>)
          %dma_wait3A_210 = tpu.memref_slice %arg3[%add3A_169] : memref<640000xi32, #tpu.memory_space<hbm>> -> memref<80xi32, #tpu.memory_space<hbm>>
          %dma_wait3A_211 = tpu.memref_slice %arg3[%add3A_169] : memref<640000xi32, #tpu.memory_space<hbm>> -> memref<80xi32, #tpu.memory_space<hbm>>
          tpu.wait_dma2 semaphore(%run_scoped3A : memref<!tpu.dma_semaphore, #tpu.memory_space<semaphore_mem>>) src(%dma_wait3A_211 : memref<80xi32, #tpu.memory_space<hbm>>) dst(%arg7 : memref<80xi32, #tpu.memory_space<vmem>>)
          tpu.yield
        }) : () -> ()
        %add3A_170 = arith.constant 320000 : i32
        %add3A_171 = arith.addi %add3A_170, %mul3A_2 : i32
        %mul3A_172 = arith.constant 80 : i32
        %mul3A_173 = arith.muli %add3A_166, %mul3A_172 : i32
        %add3A_174 = arith.addi %add3A_171, %mul3A_173 : i32
        "tpu.region"() ({
          %run_scoped3A = tpu.sem_alloc : memref<!tpu.dma_semaphore, #tpu.memory_space<semaphore_mem>>
          %dma_start3A_208 = tpu.memref_slice %arg3[%add3A_174] : memref<640000xi32, #tpu.memory_space<hbm>> -> memref<80xi32, #tpu.memory_space<hbm>>
          %dma_start3A_209 = tpu.memref_slice %arg3[%add3A_174] : memref<640000xi32, #tpu.memory_space<hbm>> -> memref<80xi32, #tpu.memory_space<hbm>>
          tpu.enqueue_dma source(%dma_start3A_209 : memref<80xi32, #tpu.memory_space<hbm>>) target(%arg10 : memref<80xi32, #tpu.memory_space<vmem>>) target_semaphore(%run_scoped3A : memref<!tpu.dma_semaphore, #tpu.memory_space<semaphore_mem>>)
          %dma_wait3A_210 = tpu.memref_slice %arg3[%add3A_174] : memref<640000xi32, #tpu.memory_space<hbm>> -> memref<80xi32, #tpu.memory_space<hbm>>
          %dma_wait3A_211 = tpu.memref_slice %arg3[%add3A_174] : memref<640000xi32, #tpu.memory_space<hbm>> -> memref<80xi32, #tpu.memory_space<hbm>>
          tpu.wait_dma2 semaphore(%run_scoped3A : memref<!tpu.dma_semaphore, #tpu.memory_space<semaphore_mem>>) src(%dma_wait3A_211 : memref<80xi32, #tpu.memory_space<hbm>>) dst(%arg10 : memref<80xi32, #tpu.memory_space<vmem>>)
          tpu.yield
        }) : () -> ()
        %get3A_175 = arith.constant 0 : index
        %get3A_176 = tpu.vector_load %arg7[%get3A_175] {strides = array<i32>} : memref<80xi32, #tpu.memory_space<vmem>>, vector<16xi32>,
        %add3A_177 = vector.broadcast %mul3A_4 : i32 to vector<16xi32>
        %add3A_178 = arith.addi %get3A_176, %add3A_177 : vector<16xi32>
        %swap3A_179 = arith.constant 0 : index
        %swap3A_180 = tpu.vector_load %arg7[%swap3A_179] {strides = array<i32>} : memref<80xi32, #tpu.memory_space<vmem>>, vector<16xi32>,
        tpu.vector_store %arg7[%swap3A_179], %add3A_178 {strides = array<i32>} : memref<80xi32, #tpu.memory_space<vmem>>, vector<16xi32>,
        %get3A_181 = arith.constant 16 : index
        %get3A_182 = tpu.vector_load %arg7[%get3A_181] {strides = array<i32>} : memref<80xi32, #tpu.memory_space<vmem>>, vector<16xi32>,
        %add3A_183 = vector.broadcast %mul3A_4 : i32 to vector<16xi32>
        %add3A_184 = arith.addi %get3A_182, %add3A_183 : vector<16xi32>
        %swap3A_185 = arith.constant 16 : index
        %swap3A_186 = tpu.vector_load %arg7[%swap3A_185] {strides = array<i32>} : memref<80xi32, #tpu.memory_space<vmem>>, vector<16xi32>,
        tpu.vector_store %arg7[%swap3A_185], %add3A_184 {strides = array<i32>} : memref<80xi32, #tpu.memory_space<vmem>>, vector<16xi32>,
        %get3A_187 = arith.constant 32 : index
        %get3A_188 = tpu.vector_load %arg7[%get3A_187] {strides = array<i32>} : memref<80xi32, #tpu.memory_space<vmem>>, vector<16xi32>,
        %add3A_189 = vector.broadcast %mul3A_4 : i32 to vector<16xi32>
        %add3A_190 = arith.addi %get3A_188, %add3A_189 : vector<16xi32>
        %swap3A_191 = arith.constant 32 : index
        %swap3A_192 = tpu.vector_load %arg7[%swap3A_191] {strides = array<i32>} : memref<80xi32, #tpu.memory_space<vmem>>, vector<16xi32>,
        tpu.vector_store %arg7[%swap3A_191], %add3A_190 {strides = array<i32>} : memref<80xi32, #tpu.memory_space<vmem>>, vector<16xi32>,
        %get3A_193 = arith.constant 48 : index
        %get3A_194 = tpu.vector_load %arg7[%get3A_193] {strides = array<i32>} : memref<80xi32, #tpu.memory_space<vmem>>, vector<16xi32>,
        %add3A_195 = vector.broadcast %mul3A_4 : i32 to vector<16xi32>
        %add3A_196 = arith.addi %get3A_194, %add3A_195 : vector<16xi32>
        %swap3A_197 = arith.constant 48 : index
        %swap3A_198 = tpu.vector_load %arg7[%swap3A_197] {strides = array<i32>} : memref<80xi32, #tpu.memory_space<vmem>>, vector<16xi32>,
        tpu.vector_store %arg7[%swap3A_197], %add3A_196 {strides = array<i32>} : memref<80xi32, #tpu.memory_space<vmem>>, vector<16xi32>,
        %get3A_199 = arith.constant 64 : index
        %get3A_200 = tpu.vector_load %arg7[%get3A_199] {strides = array<i32>} : memref<80xi32, #tpu.memory_space<vmem>>, vector<16xi32>,
        %add3A_201 = vector.broadcast %mul3A_4 : i32 to vector<16xi32>
        %add3A_202 = arith.addi %get3A_200, %add3A_201 : vector<16xi32>
        %swap3A_203 = arith.constant 64 : index
        %swap3A_204 = tpu.vector_load %arg7[%swap3A_203] {strides = array<i32>} : memref<80xi32, #tpu.memory_space<vmem>>, vector<16xi32>,
        tpu.vector_store %arg7[%swap3A_203], %add3A_202 {strides = array<i32>} : memref<80xi32, #tpu.memory_space<vmem>>, vector<16xi32>,
        %dma_start3A_205 = arith.constant 0 : i32
        %dma_start3A_206 = arith.constant 0 : i32
        %dma_start3A_207 = tpu.memref_slice %arg2[%dma_start3A_205, %dma_start3A_206] : memref<20000x128xf32, #tpu.memory_space<hbm>> -> memref<20000x128xf32, #tpu.memory_space<hbm>>
        tpu.enqueue_indirect_dma source(%dma_start3A_207 : memref<20000x128xf32, #tpu.memory_space<hbm>>) target(%arg13 : memref<80x128xf32, #tpu.memory_space<vmem>>) offsets(%arg7 : memref<80xi32, #tpu.memory_space<vmem>>) semaphore(%arg17 : memref<!tpu.dma_semaphore, #tpu.memory_space<semaphore_mem>>)
      } else {
      }
      %mul3A_151 = arith.constant 3 : i32
      %mul3A_152 = arith.muli %scan3A_125, %mul3A_151 : i32
      %add3A_153 = arith.constant 2 : i32
      %add3A_154 = arith.addi %mul3A_152, %add3A_153 : i32
      %dma_wait3A_155 = arith.constant 0 : i32
      %dma_wait3A_156 = arith.constant 0 : i32
      %dma_wait3A_157 = tpu.memref_slice %arg2[%dma_wait3A_155, %dma_wait3A_156] : memref<20000x128xf32, #tpu.memory_space<hbm>> -> memref<20000x128xf32, #tpu.memory_space<hbm>>
      tpu.wait_indirect_dma semaphore(%arg18 : memref<!tpu.dma_semaphore, #tpu.memory_space<semaphore_mem>>) src(%dma_wait3A_157 : memref<20000x128xf32, #tpu.memory_space<hbm>>) dst(%arg14 : memref<80x128xf32, #tpu.memory_space<vmem>>)
      "tpu.region"() ({
        %run_scoped3A = tpu.sem_alloc : memref<!tpu.dma_semaphore, #tpu.memory_space<semaphore_mem>>
        %dma_start3A_165 = arith.constant 0 : i32
        %dma_start3A_166 = arith.constant 0 : i32
        %dma_start3A_167 = tpu.memref_slice %arg15[%dma_start3A_165, %dma_start3A_166] : memref<10112x128xf32, #tpu.memory_space<vmem_shared>> -> memref<10112x128xf32, #tpu.memory_space<vmem_shared>>
        tpu.enqueue_indirect_dma source(%arg14 : memref<80x128xf32, #tpu.memory_space<vmem>>) target(%dma_start3A_167 : memref<10112x128xf32, #tpu.memory_space<vmem_shared>>) offsets(%arg11 : memref<80xi32, #tpu.memory_space<vmem>>) semaphore(%run_scoped3A : memref<!tpu.dma_semaphore, #tpu.memory_space<semaphore_mem>>) {add = true}
        %dma_wait3A_168 = arith.constant 0 : i32
        %dma_wait3A_169 = arith.constant 0 : i32
        %dma_wait3A_170 = tpu.memref_slice %arg15[%dma_wait3A_168, %dma_wait3A_169] : memref<10112x128xf32, #tpu.memory_space<vmem_shared>> -> memref<10112x128xf32, #tpu.memory_space<vmem_shared>>
        tpu.wait_indirect_dma semaphore(%run_scoped3A : memref<!tpu.dma_semaphore, #tpu.memory_space<semaphore_mem>>) src(%arg14 : memref<80x128xf32, #tpu.memory_space<vmem>>) dst(%dma_wait3A_170 : memref<10112x128xf32, #tpu.memory_space<vmem_shared>>)
        tpu.yield
      }) : () -> ()
      %add3A_158 = arith.constant 3 : i32
      %add3A_159 = arith.addi %add3A_154, %add3A_158 : i32
      %lt3A_160 = arith.constant 250 : i32
      %lt3A_161 = arith.cmpi slt, %add3A_159, %lt3A_160 : i32
      %convert_element_type3A_162 = arith.extui %lt3A_161 : i1 to i32
      %cond3A_163 = arith.constant 0 : i32
      %cond3A_164 = arith.cmpi ne, %convert_element_type3A_162, %cond3A_163 : i32
      scf.if %cond3A_164 {
        %add3A_165 = arith.constant 3 : i32
        %add3A_166 = arith.addi %add3A_154, %add3A_165 : i32
        %mul3A_167 = arith.constant 80 : i32
        %mul3A_168 = arith.muli %add3A_166, %mul3A_167 : i32
        %add3A_169 = arith.addi %mul3A_2, %mul3A_168 : i32
        "tpu.region"() ({
          %run_scoped3A = tpu.sem_alloc : memref<!tpu.dma_semaphore, #tpu.memory_space<semaphore_mem>>
          %dma_start3A_208 = tpu.memref_slice %arg3[%add3A_169] : memref<640000xi32, #tpu.memory_space<hbm>> -> memref<80xi32, #tpu.memory_space<hbm>>
          %dma_start3A_209 = tpu.memref_slice %arg3[%add3A_169] : memref<640000xi32, #tpu.memory_space<hbm>> -> memref<80xi32, #tpu.memory_space<hbm>>
          tpu.enqueue_dma source(%dma_start3A_209 : memref<80xi32, #tpu.memory_space<hbm>>) target(%arg8 : memref<80xi32, #tpu.memory_space<vmem>>) target_semaphore(%run_scoped3A : memref<!tpu.dma_semaphore, #tpu.memory_space<semaphore_mem>>)
          %dma_wait3A_210 = tpu.memref_slice %arg3[%add3A_169] : memref<640000xi32, #tpu.memory_space<hbm>> -> memref<80xi32, #tpu.memory_space<hbm>>
          %dma_wait3A_211 = tpu.memref_slice %arg3[%add3A_169] : memref<640000xi32, #tpu.memory_space<hbm>> -> memref<80xi32, #tpu.memory_space<hbm>>
          tpu.wait_dma2 semaphore(%run_scoped3A : memref<!tpu.dma_semaphore, #tpu.memory_space<semaphore_mem>>) src(%dma_wait3A_211 : memref<80xi32, #tpu.memory_space<hbm>>) dst(%arg8 : memref<80xi32, #tpu.memory_space<vmem>>)
          tpu.yield
        }) : () -> ()
        %add3A_170 = arith.constant 320000 : i32
        %add3A_171 = arith.addi %add3A_170, %mul3A_2 : i32
        %mul3A_172 = arith.constant 80 : i32
        %mul3A_173 = arith.muli %add3A_166, %mul3A_172 : i32
        %add3A_174 = arith.addi %add3A_171, %mul3A_173 : i32
        "tpu.region"() ({
          %run_scoped3A = tpu.sem_alloc : memref<!tpu.dma_semaphore, #tpu.memory_space<semaphore_mem>>
          %dma_start3A_208 = tpu.memref_slice %arg3[%add3A_174] : memref<640000xi32, #tpu.memory_space<hbm>> -> memref<80xi32, #tpu.memory_space<hbm>>
          %dma_start3A_209 = tpu.memref_slice %arg3[%add3A_174] : memref<640000xi32, #tpu.memory_space<hbm>> -> memref<80xi32, #tpu.memory_space<hbm>>
          tpu.enqueue_dma source(%dma_start3A_209 : memref<80xi32, #tpu.memory_space<hbm>>) target(%arg11 : memref<80xi32, #tpu.memory_space<vmem>>) target_semaphore(%run_scoped3A : memref<!tpu.dma_semaphore, #tpu.memory_space<semaphore_mem>>)
          %dma_wait3A_210 = tpu.memref_slice %arg3[%add3A_174] : memref<640000xi32, #tpu.memory_space<hbm>> -> memref<80xi32, #tpu.memory_space<hbm>>
          %dma_wait3A_211 = tpu.memref_slice %arg3[%add3A_174] : memref<640000xi32, #tpu.memory_space<hbm>> -> memref<80xi32, #tpu.memory_space<hbm>>
          tpu.wait_dma2 semaphore(%run_scoped3A : memref<!tpu.dma_semaphore, #tpu.memory_space<semaphore_mem>>) src(%dma_wait3A_211 : memref<80xi32, #tpu.memory_space<hbm>>) dst(%arg11 : memref<80xi32, #tpu.memory_space<vmem>>)
          tpu.yield
        }) : () -> ()
        %get3A_175 = arith.constant 0 : index
        %get3A_176 = tpu.vector_load %arg8[%get3A_175] {strides = array<i32>} : memref<80xi32, #tpu.memory_space<vmem>>, vector<16xi32>,
        %add3A_177 = vector.broadcast %mul3A_4 : i32 to vector<16xi32>
        %add3A_178 = arith.addi %get3A_176, %add3A_177 : vector<16xi32>
        %swap3A_179 = arith.constant 0 : index
        %swap3A_180 = tpu.vector_load %arg8[%swap3A_179] {strides = array<i32>} : memref<80xi32, #tpu.memory_space<vmem>>, vector<16xi32>,
        tpu.vector_store %arg8[%swap3A_179], %add3A_178 {strides = array<i32>} : memref<80xi32, #tpu.memory_space<vmem>>, vector<16xi32>,
        %get3A_181 = arith.constant 16 : index
        %get3A_182 = tpu.vector_load %arg8[%get3A_181] {strides = array<i32>} : memref<80xi32, #tpu.memory_space<vmem>>, vector<16xi32>,
        %add3A_183 = vector.broadcast %mul3A_4 : i32 to vector<16xi32>
        %add3A_184 = arith.addi %get3A_182, %add3A_183 : vector<16xi32>
        %swap3A_185 = arith.constant 16 : index
        %swap3A_186 = tpu.vector_load %arg8[%swap3A_185] {strides = array<i32>} : memref<80xi32, #tpu.memory_space<vmem>>, vector<16xi32>,
        tpu.vector_store %arg8[%swap3A_185], %add3A_184 {strides = array<i32>} : memref<80xi32, #tpu.memory_space<vmem>>, vector<16xi32>,
        %get3A_187 = arith.constant 32 : index
        %get3A_188 = tpu.vector_load %arg8[%get3A_187] {strides = array<i32>} : memref<80xi32, #tpu.memory_space<vmem>>, vector<16xi32>,
        %add3A_189 = vector.broadcast %mul3A_4 : i32 to vector<16xi32>
        %add3A_190 = arith.addi %get3A_188, %add3A_189 : vector<16xi32>
        %swap3A_191 = arith.constant 32 : index
        %swap3A_192 = tpu.vector_load %arg8[%swap3A_191] {strides = array<i32>} : memref<80xi32, #tpu.memory_space<vmem>>, vector<16xi32>,
        tpu.vector_store %arg8[%swap3A_191], %add3A_190 {strides = array<i32>} : memref<80xi32, #tpu.memory_space<vmem>>, vector<16xi32>,
        %get3A_193 = arith.constant 48 : index
        %get3A_194 = tpu.vector_load %arg8[%get3A_193] {strides = array<i32>} : memref<80xi32, #tpu.memory_space<vmem>>, vector<16xi32>,
        %add3A_195 = vector.broadcast %mul3A_4 : i32 to vector<16xi32>
        %add3A_196 = arith.addi %get3A_194, %add3A_195 : vector<16xi32>
        %swap3A_197 = arith.constant 48 : index
        %swap3A_198 = tpu.vector_load %arg8[%swap3A_197] {strides = array<i32>} : memref<80xi32, #tpu.memory_space<vmem>>, vector<16xi32>,
        tpu.vector_store %arg8[%swap3A_197], %add3A_196 {strides = array<i32>} : memref<80xi32, #tpu.memory_space<vmem>>, vector<16xi32>,
        %get3A_199 = arith.constant 64 : index
        %get3A_200 = tpu.vector_load %arg8[%get3A_199] {strides = array<i32>} : memref<80xi32, #tpu.memory_space<vmem>>, vector<16xi32>,
        %add3A_201 = vector.broadcast %mul3A_4 : i32 to vector<16xi32>
        %add3A_202 = arith.addi %get3A_200, %add3A_201 : vector<16xi32>
        %swap3A_203 = arith.constant 64 : index
        %swap3A_204 = tpu.vector_load %arg8[%swap3A_203] {strides = array<i32>} : memref<80xi32, #tpu.memory_space<vmem>>, vector<16xi32>,
        tpu.vector_store %arg8[%swap3A_203], %add3A_202 {strides = array<i32>} : memref<80xi32, #tpu.memory_space<vmem>>, vector<16xi32>,
        %dma_start3A_205 = arith.constant 0 : i32
        %dma_start3A_206 = arith.constant 0 : i32
        %dma_start3A_207 = tpu.memref_slice %arg2[%dma_start3A_205, %dma_start3A_206] : memref<20000x128xf32, #tpu.memory_space<hbm>> -> memref<20000x128xf32, #tpu.memory_space<hbm>>
        tpu.enqueue_indirect_dma source(%dma_start3A_207 : memref<20000x128xf32, #tpu.memory_space<hbm>>) target(%arg14 : memref<80x128xf32, #tpu.memory_space<vmem>>) offsets(%arg8 : memref<80xi32, #tpu.memory_space<vmem>>) semaphore(%arg18 : memref<!tpu.dma_semaphore, #tpu.memory_space<semaphore_mem>>)
      } else {
      }
    }
    %scan3A_121 = arith.constant 83 : i32
    %dma_wait3A = arith.constant 0 : i32
    %dma_wait3A_122 = arith.constant 0 : i32
    %dma_wait3A_123 = tpu.memref_slice %arg2[%dma_wait3A, %dma_wait3A_122] : memref<20000x128xf32, #tpu.memory_space<hbm>> -> memref<20000x128xf32, #tpu.memory_space<hbm>>
    tpu.wait_indirect_dma semaphore(%arg16 : memref<!tpu.dma_semaphore, #tpu.memory_space<semaphore_mem>>) src(%dma_wait3A_123 : memref<20000x128xf32, #tpu.memory_space<hbm>>) dst(%arg12 : memref<80x128xf32, #tpu.memory_space<vmem>>)
    "tpu.region"() ({
      %run_scoped3A = tpu.sem_alloc : memref<!tpu.dma_semaphore, #tpu.memory_space<semaphore_mem>>
      %dma_start3A_125 = arith.constant 0 : i32
      %dma_start3A_126 = arith.constant 0 : i32
      %dma_start3A_127 = tpu.memref_slice %arg15[%dma_start3A_125, %dma_start3A_126] : memref<10112x128xf32, #tpu.memory_space<vmem_shared>> -> memref<10112x128xf32, #tpu.memory_space<vmem_shared>>
      tpu.enqueue_indirect_dma source(%arg12 : memref<80x128xf32, #tpu.memory_space<vmem>>) target(%dma_start3A_127 : memref<10112x128xf32, #tpu.memory_space<vmem_shared>>) offsets(%arg9 : memref<80xi32, #tpu.memory_space<vmem>>) semaphore(%run_scoped3A : memref<!tpu.dma_semaphore, #tpu.memory_space<semaphore_mem>>) {add = true}
      %dma_wait3A_128 = arith.constant 0 : i32
      %dma_wait3A_129 = arith.constant 0 : i32
      %dma_wait3A_130 = tpu.memref_slice %arg15[%dma_wait3A_128, %dma_wait3A_129] : memref<10112x128xf32, #tpu.memory_space<vmem_shared>> -> memref<10112x128xf32, #tpu.memory_space<vmem_shared>>
      tpu.wait_indirect_dma semaphore(%run_scoped3A : memref<!tpu.dma_semaphore, #tpu.memory_space<semaphore_mem>>) src(%arg12 : memref<80x128xf32, #tpu.memory_space<vmem>>) dst(%dma_wait3A_130 : memref<10112x128xf32, #tpu.memory_space<vmem_shared>>)
      tpu.yield
    }) : () -> ()
    %barrier3A_124 = arith.constant 0 : index
    tpu.barrier barrier_id(%barrier3A_124)
    "tpu.region"() ({
      %run_scoped3A = tpu.sem_alloc : memref<!tpu.dma_semaphore, #tpu.memory_space<semaphore_mem>>
      %dma_start3A_125 = arith.constant 0 : i32
      %dma_start3A_126 = tpu.memref_slice %arg5[%arg0, %mul3A_0, %dma_start3A_125] : memref<2x10112x128xf32, #tpu.memory_space<hbm>> -> memref<1x632x128xf32, #tpu.memory_space<hbm>>
      %dma_start3A_127 = tpu.memref_squeeze %dma_start3A_126 : memref<1x632x128xf32, #tpu.memory_space<hbm>> -> memref<632x128xf32, #tpu.memory_space<hbm>>
      %dma_start3A_128 = arith.constant 0 : i32
      %dma_start3A_129 = tpu.memref_slice %arg15[%mul3A_0, %dma_start3A_128] : memref<10112x128xf32, #tpu.memory_space<vmem_shared>> -> memref<632x128xf32, #tpu.memory_space<vmem_shared>>
      tpu.enqueue_dma source(%dma_start3A_129 : memref<632x128xf32, #tpu.memory_space<vmem_shared>>) target(%dma_start3A_127 : memref<632x128xf32, #tpu.memory_space<hbm>>) target_semaphore(%run_scoped3A : memref<!tpu.dma_semaphore, #tpu.memory_space<semaphore_mem>>)
      %dma_wait3A_130 = arith.constant 0 : i32
      %dma_wait3A_131 = tpu.memref_slice %arg5[%arg0, %mul3A_0, %dma_wait3A_130] : memref<2x10112x128xf32, #tpu.memory_space<hbm>> -> memref<1x632x128xf32, #tpu.memory_space<hbm>>
      %dma_wait3A_132 = tpu.memref_squeeze %dma_wait3A_131 : memref<1x632x128xf32, #tpu.memory_space<hbm>> -> memref<632x128xf32, #tpu.memory_space<hbm>>
      %dma_wait3A_133 = arith.constant 0 : i32
      %dma_wait3A_134 = tpu.memref_slice %arg15[%mul3A_0, %dma_wait3A_133] : memref<10112x128xf32, #tpu.memory_space<vmem_shared>> -> memref<632x128xf32, #tpu.memory_space<vmem_shared>>
      tpu.wait_dma2 semaphore(%run_scoped3A : memref<!tpu.dma_semaphore, #tpu.memory_space<semaphore_mem>>) src(%dma_wait3A_134 : memref<632x128xf32, #tpu.memory_space<vmem_shared>>) dst(%dma_wait3A_132 : memref<632x128xf32, #tpu.memory_space<hbm>>)
      tpu.yield
    }) : () -> ()
    return
  }
}

#map = affine_map<(d0, d1) -> (0)>
#map1 = affine_map<(d0, d1) -> (0, 0)>
module attributes {stable_mosaic.version = 14 : i64} {
  func.func @k(%arg0: i32, %arg1: i32, %arg2: memref<640000xi32, #tpu.memory_space<hbm>>, %arg3: memref<10112xf32, #tpu.memory_space<hbm>>, %arg4: memref<32x10112xf32, #tpu.memory_space<hbm>>, %arg5: memref<10000xi32, #tpu.memory_space<vmem>>, %arg6: memref<10112xf32, #tpu.memory_space<vmem>>) attributes {dimension_semantics = [#tpu.dimension_semantics<core_parallel>, #tpu.dimension_semantics<subcore_parallel>], iteration_bounds = array<i64: 2, 16>, scalar_prefetch = 0 : i64, scratch_operands = 2 : i64, tpu.core_type = #tpu.core_type<sc_vector_subcore>, window_params = [{transform_indices = #map}, {transform_indices = #map}, {transform_indices = #map1}]} {
    %mul3A = arith.constant 16 : i32
    %mul3A_0 = arith.muli %arg0, %mul3A : i32
    %add3A = arith.addi %mul3A_0, %arg1 : i32
    "tpu.region"() ({
      %run_scoped3A = tpu.sem_alloc : memref<!tpu.dma_semaphore, #tpu.memory_space<semaphore_mem>>
      tpu.enqueue_dma source(%arg3 : memref<10112xf32, #tpu.memory_space<hbm>>) target(%arg6 : memref<10112xf32, #tpu.memory_space<vmem>>) target_semaphore(%run_scoped3A : memref<!tpu.dma_semaphore, #tpu.memory_space<semaphore_mem>>)
      tpu.wait_dma2 semaphore(%run_scoped3A : memref<!tpu.dma_semaphore, #tpu.memory_space<semaphore_mem>>) src(%arg3 : memref<10112xf32, #tpu.memory_space<hbm>>) dst(%arg6 : memref<10112xf32, #tpu.memory_space<vmem>>)
      tpu.yield
    }) : () -> ()
    %mul3A_1 = arith.constant 10000 : i32
    %mul3A_2 = arith.muli %add3A, %mul3A_1 : i32
    %add3A_3 = arith.constant 320000 : i32
    %add3A_4 = arith.addi %add3A_3, %mul3A_2 : i32
    "tpu.region"() ({
      %run_scoped3A = tpu.sem_alloc : memref<!tpu.dma_semaphore, #tpu.memory_space<semaphore_mem>>
      %dma_start3A = tpu.memref_slice %arg2[%add3A_4] : memref<640000xi32, #tpu.memory_space<hbm>> -> memref<10000xi32, #tpu.memory_space<hbm>>
      %dma_start3A_10 = tpu.memref_slice %arg2[%add3A_4] : memref<640000xi32, #tpu.memory_space<hbm>> -> memref<10000xi32, #tpu.memory_space<hbm>>
      tpu.enqueue_dma source(%dma_start3A_10 : memref<10000xi32, #tpu.memory_space<hbm>>) target(%arg5 : memref<10000xi32, #tpu.memory_space<vmem>>) target_semaphore(%run_scoped3A : memref<!tpu.dma_semaphore, #tpu.memory_space<semaphore_mem>>)
      %dma_wait3A = tpu.memref_slice %arg2[%add3A_4] : memref<640000xi32, #tpu.memory_space<hbm>> -> memref<10000xi32, #tpu.memory_space<hbm>>
      %dma_wait3A_11 = tpu.memref_slice %arg2[%add3A_4] : memref<640000xi32, #tpu.memory_space<hbm>> -> memref<10000xi32, #tpu.memory_space<hbm>>
      tpu.wait_dma2 semaphore(%run_scoped3A : memref<!tpu.dma_semaphore, #tpu.memory_space<semaphore_mem>>) src(%dma_wait3A_11 : memref<10000xi32, #tpu.memory_space<hbm>>) dst(%arg5 : memref<10000xi32, #tpu.memory_space<vmem>>)
      tpu.yield
    }) : () -> ()
    %broadcast_in_dim3A = arith.constant 1.000000e+00 : f32
    %broadcast_in_dim3A_5 = vector.broadcast %broadcast_in_dim3A : f32 to vector<16xf32>
    %iota3A = tpu.iota {dimensions = array<i32: 0>} : vector<16xi32>
    %scan3A = arith.constant 0 : i32
    %scan3A_6 = arith.constant 625 : i32
    %scan3A_7 = arith.addi %scan3A, %scan3A_6 : i32
    %scan3A_8 = arith.constant 1 : i32
    scf.for %scan3A_10 = %scan3A to %scan3A_7 step %scan3A_8  : i32 {
      %mul3A_11 = arith.constant 16 : i32
      %mul3A_12 = arith.muli %scan3A_10, %mul3A_11 : i32
      %get3A = arith.index_cast %mul3A_12 : i32 to index
      %get3A_13 = tpu.vector_load %arg5[%get3A] {strides = array<i32>} : memref<10000xi32, #tpu.memory_space<vmem>>, vector<16xi32>,
      %eq3A = arith.constant 0 : i32
      %eq3A_14 = vector.broadcast %eq3A : i32 to vector<16xi32>
      %eq3A_15 = arith.cmpi eq, %iota3A, %eq3A_14 : vector<16xi32>
      tpu.vector_store_idx %arg6[%get3A_13], %broadcast_in_dim3A_5 masked %eq3A_15 {add = true} : memref<10112xf32, #tpu.memory_space<vmem>>[vector<16xi32>], vector<16xf32>, vector<16xi1>
      %eq3A_16 = arith.constant 1 : i32
      %eq3A_17 = vector.broadcast %eq3A_16 : i32 to vector<16xi32>
      %eq3A_18 = arith.cmpi eq, %iota3A, %eq3A_17 : vector<16xi32>
      tpu.vector_store_idx %arg6[%get3A_13], %broadcast_in_dim3A_5 masked %eq3A_18 {add = true} : memref<10112xf32, #tpu.memory_space<vmem>>[vector<16xi32>], vector<16xf32>, vector<16xi1>
      %eq3A_19 = arith.constant 2 : i32
      %eq3A_20 = vector.broadcast %eq3A_19 : i32 to vector<16xi32>
      %eq3A_21 = arith.cmpi eq, %iota3A, %eq3A_20 : vector<16xi32>
      tpu.vector_store_idx %arg6[%get3A_13], %broadcast_in_dim3A_5 masked %eq3A_21 {add = true} : memref<10112xf32, #tpu.memory_space<vmem>>[vector<16xi32>], vector<16xf32>, vector<16xi1>
      %eq3A_22 = arith.constant 3 : i32
      %eq3A_23 = vector.broadcast %eq3A_22 : i32 to vector<16xi32>
      %eq3A_24 = arith.cmpi eq, %iota3A, %eq3A_23 : vector<16xi32>
      tpu.vector_store_idx %arg6[%get3A_13], %broadcast_in_dim3A_5 masked %eq3A_24 {add = true} : memref<10112xf32, #tpu.memory_space<vmem>>[vector<16xi32>], vector<16xf32>, vector<16xi1>
      %eq3A_25 = arith.constant 4 : i32
      %eq3A_26 = vector.broadcast %eq3A_25 : i32 to vector<16xi32>
      %eq3A_27 = arith.cmpi eq, %iota3A, %eq3A_26 : vector<16xi32>
      tpu.vector_store_idx %arg6[%get3A_13], %broadcast_in_dim3A_5 masked %eq3A_27 {add = true} : memref<10112xf32, #tpu.memory_space<vmem>>[vector<16xi32>], vector<16xf32>, vector<16xi1>
      %eq3A_28 = arith.constant 5 : i32
      %eq3A_29 = vector.broadcast %eq3A_28 : i32 to vector<16xi32>
      %eq3A_30 = arith.cmpi eq, %iota3A, %eq3A_29 : vector<16xi32>
      tpu.vector_store_idx %arg6[%get3A_13], %broadcast_in_dim3A_5 masked %eq3A_30 {add = true} : memref<10112xf32, #tpu.memory_space<vmem>>[vector<16xi32>], vector<16xf32>, vector<16xi1>
      %eq3A_31 = arith.constant 6 : i32
      %eq3A_32 = vector.broadcast %eq3A_31 : i32 to vector<16xi32>
      %eq3A_33 = arith.cmpi eq, %iota3A, %eq3A_32 : vector<16xi32>
      tpu.vector_store_idx %arg6[%get3A_13], %broadcast_in_dim3A_5 masked %eq3A_33 {add = true} : memref<10112xf32, #tpu.memory_space<vmem>>[vector<16xi32>], vector<16xf32>, vector<16xi1>
      %eq3A_34 = arith.constant 7 : i32
      %eq3A_35 = vector.broadcast %eq3A_34 : i32 to vector<16xi32>
      %eq3A_36 = arith.cmpi eq, %iota3A, %eq3A_35 : vector<16xi32>
      tpu.vector_store_idx %arg6[%get3A_13], %broadcast_in_dim3A_5 masked %eq3A_36 {add = true} : memref<10112xf32, #tpu.memory_space<vmem>>[vector<16xi32>], vector<16xf32>, vector<16xi1>
      %eq3A_37 = arith.constant 8 : i32
      %eq3A_38 = vector.broadcast %eq3A_37 : i32 to vector<16xi32>
      %eq3A_39 = arith.cmpi eq, %iota3A, %eq3A_38 : vector<16xi32>
      tpu.vector_store_idx %arg6[%get3A_13], %broadcast_in_dim3A_5 masked %eq3A_39 {add = true} : memref<10112xf32, #tpu.memory_space<vmem>>[vector<16xi32>], vector<16xf32>, vector<16xi1>
      %eq3A_40 = arith.constant 9 : i32
      %eq3A_41 = vector.broadcast %eq3A_40 : i32 to vector<16xi32>
      %eq3A_42 = arith.cmpi eq, %iota3A, %eq3A_41 : vector<16xi32>
      tpu.vector_store_idx %arg6[%get3A_13], %broadcast_in_dim3A_5 masked %eq3A_42 {add = true} : memref<10112xf32, #tpu.memory_space<vmem>>[vector<16xi32>], vector<16xf32>, vector<16xi1>
      %eq3A_43 = arith.constant 10 : i32
      %eq3A_44 = vector.broadcast %eq3A_43 : i32 to vector<16xi32>
      %eq3A_45 = arith.cmpi eq, %iota3A, %eq3A_44 : vector<16xi32>
      tpu.vector_store_idx %arg6[%get3A_13], %broadcast_in_dim3A_5 masked %eq3A_45 {add = true} : memref<10112xf32, #tpu.memory_space<vmem>>[vector<16xi32>], vector<16xf32>, vector<16xi1>
      %eq3A_46 = arith.constant 11 : i32
      %eq3A_47 = vector.broadcast %eq3A_46 : i32 to vector<16xi32>
      %eq3A_48 = arith.cmpi eq, %iota3A, %eq3A_47 : vector<16xi32>
      tpu.vector_store_idx %arg6[%get3A_13], %broadcast_in_dim3A_5 masked %eq3A_48 {add = true} : memref<10112xf32, #tpu.memory_space<vmem>>[vector<16xi32>], vector<16xf32>, vector<16xi1>
      %eq3A_49 = arith.constant 12 : i32
      %eq3A_50 = vector.broadcast %eq3A_49 : i32 to vector<16xi32>
      %eq3A_51 = arith.cmpi eq, %iota3A, %eq3A_50 : vector<16xi32>
      tpu.vector_store_idx %arg6[%get3A_13], %broadcast_in_dim3A_5 masked %eq3A_51 {add = true} : memref<10112xf32, #tpu.memory_space<vmem>>[vector<16xi32>], vector<16xf32>, vector<16xi1>
      %eq3A_52 = arith.constant 13 : i32
      %eq3A_53 = vector.broadcast %eq3A_52 : i32 to vector<16xi32>
      %eq3A_54 = arith.cmpi eq, %iota3A, %eq3A_53 : vector<16xi32>
      tpu.vector_store_idx %arg6[%get3A_13], %broadcast_in_dim3A_5 masked %eq3A_54 {add = true} : memref<10112xf32, #tpu.memory_space<vmem>>[vector<16xi32>], vector<16xf32>, vector<16xi1>
      %eq3A_55 = arith.constant 14 : i32
      %eq3A_56 = vector.broadcast %eq3A_55 : i32 to vector<16xi32>
      %eq3A_57 = arith.cmpi eq, %iota3A, %eq3A_56 : vector<16xi32>
      tpu.vector_store_idx %arg6[%get3A_13], %broadcast_in_dim3A_5 masked %eq3A_57 {add = true} : memref<10112xf32, #tpu.memory_space<vmem>>[vector<16xi32>], vector<16xf32>, vector<16xi1>
      %eq3A_58 = arith.constant 15 : i32
      %eq3A_59 = vector.broadcast %eq3A_58 : i32 to vector<16xi32>
      %eq3A_60 = arith.cmpi eq, %iota3A, %eq3A_59 : vector<16xi32>
      tpu.vector_store_idx %arg6[%get3A_13], %broadcast_in_dim3A_5 masked %eq3A_60 {add = true} : memref<10112xf32, #tpu.memory_space<vmem>>[vector<16xi32>], vector<16xf32>, vector<16xi1>
    }
    %scan3A_9 = arith.constant 625 : i32
    "tpu.region"() ({
      %run_scoped3A = tpu.sem_alloc : memref<!tpu.dma_semaphore, #tpu.memory_space<semaphore_mem>>
      %dma_start3A = arith.constant 0 : i32
      %dma_start3A_10 = tpu.memref_slice %arg4[%add3A, %dma_start3A] : memref<32x10112xf32, #tpu.memory_space<hbm>> -> memref<1x10112xf32, #tpu.memory_space<hbm>>
      %dma_start3A_11 = tpu.memref_squeeze %dma_start3A_10 : memref<1x10112xf32, #tpu.memory_space<hbm>> -> memref<10112xf32, #tpu.memory_space<hbm>>
      %dma_start3A_12 = arith.constant 0 : i32
      %dma_start3A_13 = tpu.memref_slice %arg4[%add3A, %dma_start3A_12] : memref<32x10112xf32, #tpu.memory_space<hbm>> -> memref<1x10112xf32, #tpu.memory_space<hbm>>
      %dma_start3A_14 = tpu.memref_squeeze %dma_start3A_13 : memref<1x10112xf32, #tpu.memory_space<hbm>> -> memref<10112xf32, #tpu.memory_space<hbm>>
      tpu.enqueue_dma source(%arg6 : memref<10112xf32, #tpu.memory_space<vmem>>) target(%dma_start3A_14 : memref<10112xf32, #tpu.memory_space<hbm>>) target_semaphore(%run_scoped3A : memref<!tpu.dma_semaphore, #tpu.memory_space<semaphore_mem>>)
      %dma_wait3A = arith.constant 0 : i32
      %dma_wait3A_15 = tpu.memref_slice %arg4[%add3A, %dma_wait3A] : memref<32x10112xf32, #tpu.memory_space<hbm>> -> memref<1x10112xf32, #tpu.memory_space<hbm>>
      %dma_wait3A_16 = tpu.memref_squeeze %dma_wait3A_15 : memref<1x10112xf32, #tpu.memory_space<hbm>> -> memref<10112xf32, #tpu.memory_space<hbm>>
      %dma_wait3A_17 = arith.constant 0 : i32
      %dma_wait3A_18 = tpu.memref_slice %arg4[%add3A, %dma_wait3A_17] : memref<32x10112xf32, #tpu.memory_space<hbm>> -> memref<1x10112xf32, #tpu.memory_space<hbm>>
      %dma_wait3A_19 = tpu.memref_squeeze %dma_wait3A_18 : memref<1x10112xf32, #tpu.memory_space<hbm>> -> memref<10112xf32, #tpu.memory_space<hbm>>
      tpu.wait_dma2 semaphore(%run_scoped3A : memref<!tpu.dma_semaphore, #tpu.memory_space<semaphore_mem>>) src(%arg6 : memref<10112xf32, #tpu.memory_space<vmem>>) dst(%dma_wait3A_19 : memref<10112xf32, #tpu.memory_space<hbm>>)
      tpu.yield
    }) : () -> ()
    return
  }
}

#map = affine_map<(d0, d1) -> (0, 0)>
#map1 = affine_map<(d0, d1) -> (0)>
module attributes {stable_mosaic.version = 14 : i64} {
  func.func @k(%arg0: i32, %arg1: i32, %arg2: memref<10000x128xf32, #tpu.memory_space<hbm>>, %arg3: memref<10000x128xf32, #tpu.memory_space<hbm>>, %arg4: memref<640000xi32, #tpu.memory_space<hbm>>, %arg5: memref<320000x128xf32, #tpu.memory_space<hbm>>, %arg6: memref<10000xi32, #tpu.memory_space<vmem>>, %arg7: memref<10000xi32, #tpu.memory_space<vmem>>, %arg8: memref<80x128xf32, #tpu.memory_space<vmem>>, %arg9: memref<80x128xf32, #tpu.memory_space<vmem>>, %arg10: memref<80x128xf32, #tpu.memory_space<vmem>>, %arg11: memref<80x128xf32, #tpu.memory_space<vmem>>, %arg12: memref<80x128xf32, #tpu.memory_space<vmem>>, %arg13: memref<80x128xf32, #tpu.memory_space<vmem>>, %arg14: memref<!tpu.dma_semaphore, #tpu.memory_space<semaphore_mem>>, %arg15: memref<!tpu.dma_semaphore, #tpu.memory_space<semaphore_mem>>, %arg16: memref<!tpu.dma_semaphore, #tpu.memory_space<semaphore_mem>>, %arg17: memref<!tpu.dma_semaphore, #tpu.memory_space<semaphore_mem>>, %arg18: memref<!tpu.dma_semaphore, #tpu.memory_space<semaphore_mem>>, %arg19: memref<!tpu.dma_semaphore, #tpu.memory_space<semaphore_mem>>) attributes {dimension_semantics = [#tpu.dimension_semantics<core_parallel>, #tpu.dimension_semantics<subcore_parallel>], iteration_bounds = array<i64: 2, 16>, scalar_prefetch = 0 : i64, scratch_operands = 14 : i64, tpu.core_type = #tpu.core_type<sc_vector_subcore>, window_params = [{transform_indices = #map}, {transform_indices = #map}, {transform_indices = #map1}, {transform_indices = #map}]} {
    %mul3A = arith.constant 16 : i32
    %mul3A_0 = arith.muli %arg0, %mul3A : i32
    %add3A = arith.addi %mul3A_0, %arg1 : i32
    %mul3A_1 = arith.constant 10000 : i32
    %mul3A_2 = arith.muli %add3A, %mul3A_1 : i32
    "tpu.region"() ({
      %run_scoped3A = tpu.sem_alloc : memref<!tpu.dma_semaphore, #tpu.memory_space<semaphore_mem>>
      %dma_start3A_60 = tpu.memref_slice %arg4[%mul3A_2] : memref<640000xi32, #tpu.memory_space<hbm>> -> memref<10000xi32, #tpu.memory_space<hbm>>
      %dma_start3A_61 = tpu.memref_slice %arg4[%mul3A_2] : memref<640000xi32, #tpu.memory_space<hbm>> -> memref<10000xi32, #tpu.memory_space<hbm>>
      tpu.enqueue_dma source(%dma_start3A_61 : memref<10000xi32, #tpu.memory_space<hbm>>) target(%arg6 : memref<10000xi32, #tpu.memory_space<vmem>>) target_semaphore(%run_scoped3A : memref<!tpu.dma_semaphore, #tpu.memory_space<semaphore_mem>>)
      %dma_wait3A_62 = tpu.memref_slice %arg4[%mul3A_2] : memref<640000xi32, #tpu.memory_space<hbm>> -> memref<10000xi32, #tpu.memory_space<hbm>>
      %dma_wait3A_63 = tpu.memref_slice %arg4[%mul3A_2] : memref<640000xi32, #tpu.memory_space<hbm>> -> memref<10000xi32, #tpu.memory_space<hbm>>
      tpu.wait_dma2 semaphore(%run_scoped3A : memref<!tpu.dma_semaphore, #tpu.memory_space<semaphore_mem>>) src(%dma_wait3A_63 : memref<10000xi32, #tpu.memory_space<hbm>>) dst(%arg6 : memref<10000xi32, #tpu.memory_space<vmem>>)
      tpu.yield
    }) : () -> ()
    %add3A_3 = arith.constant 320000 : i32
    %add3A_4 = arith.addi %add3A_3, %mul3A_2 : i32
    "tpu.region"() ({
      %run_scoped3A = tpu.sem_alloc : memref<!tpu.dma_semaphore, #tpu.memory_space<semaphore_mem>>
      %dma_start3A_60 = tpu.memref_slice %arg4[%add3A_4] : memref<640000xi32, #tpu.memory_space<hbm>> -> memref<10000xi32, #tpu.memory_space<hbm>>
      %dma_start3A_61 = tpu.memref_slice %arg4[%add3A_4] : memref<640000xi32, #tpu.memory_space<hbm>> -> memref<10000xi32, #tpu.memory_space<hbm>>
      tpu.enqueue_dma source(%dma_start3A_61 : memref<10000xi32, #tpu.memory_space<hbm>>) target(%arg7 : memref<10000xi32, #tpu.memory_space<vmem>>) target_semaphore(%run_scoped3A : memref<!tpu.dma_semaphore, #tpu.memory_space<semaphore_mem>>)
      %dma_wait3A_62 = tpu.memref_slice %arg4[%add3A_4] : memref<640000xi32, #tpu.memory_space<hbm>> -> memref<10000xi32, #tpu.memory_space<hbm>>
      %dma_wait3A_63 = tpu.memref_slice %arg4[%add3A_4] : memref<640000xi32, #tpu.memory_space<hbm>> -> memref<10000xi32, #tpu.memory_space<hbm>>
      tpu.wait_dma2 semaphore(%run_scoped3A : memref<!tpu.dma_semaphore, #tpu.memory_space<semaphore_mem>>) src(%dma_wait3A_63 : memref<10000xi32, #tpu.memory_space<hbm>>) dst(%arg7 : memref<10000xi32, #tpu.memory_space<vmem>>)
      tpu.yield
    }) : () -> ()
    %dma_start3A = arith.constant 0 : i32
    %dma_start3A_5 = tpu.memref_slice %arg6[%dma_start3A] : memref<10000xi32, #tpu.memory_space<vmem>> -> memref<80xi32, #tpu.memory_space<vmem>>
    %dma_start3A_6 = arith.constant 0 : i32
    %dma_start3A_7 = arith.constant 0 : i32
    %dma_start3A_8 = tpu.memref_slice %arg2[%dma_start3A_6, %dma_start3A_7] : memref<10000x128xf32, #tpu.memory_space<hbm>> -> memref<10000x128xf32, #tpu.memory_space<hbm>>
    tpu.enqueue_indirect_dma source(%dma_start3A_8 : memref<10000x128xf32, #tpu.memory_space<hbm>>) target(%arg8 : memref<80x128xf32, #tpu.memory_space<vmem>>) offsets(%dma_start3A_5 : memref<80xi32, #tpu.memory_space<vmem>>) semaphore(%arg14 : memref<!tpu.dma_semaphore, #tpu.memory_space<semaphore_mem>>)
    %dma_start3A_9 = arith.constant 0 : i32
    %dma_start3A_10 = tpu.memref_slice %arg7[%dma_start3A_9] : memref<10000xi32, #tpu.memory_space<vmem>> -> memref<80xi32, #tpu.memory_space<vmem>>
    %dma_start3A_11 = arith.constant 0 : i32
    %dma_start3A_12 = arith.constant 0 : i32
    %dma_start3A_13 = tpu.memref_slice %arg3[%dma_start3A_11, %dma_start3A_12] : memref<10000x128xf32, #tpu.memory_space<hbm>> -> memref<10000x128xf32, #tpu.memory_space<hbm>>
    tpu.enqueue_indirect_dma source(%dma_start3A_13 : memref<10000x128xf32, #tpu.memory_space<hbm>>) target(%arg10 : memref<80x128xf32, #tpu.memory_space<vmem>>) offsets(%dma_start3A_10 : memref<80xi32, #tpu.memory_space<vmem>>) semaphore(%arg16 : memref<!tpu.dma_semaphore, #tpu.memory_space<semaphore_mem>>)
    %dma_start3A_14 = arith.constant 80 : i32
    %dma_start3A_15 = tpu.memref_slice %arg6[%dma_start3A_14] : memref<10000xi32, #tpu.memory_space<vmem>> -> memref<80xi32, #tpu.memory_space<vmem>>
    %dma_start3A_16 = arith.constant 0 : i32
    %dma_start3A_17 = arith.constant 0 : i32
    %dma_start3A_18 = tpu.memref_slice %arg2[%dma_start3A_16, %dma_start3A_17] : memref<10000x128xf32, #tpu.memory_space<hbm>> -> memref<10000x128xf32, #tpu.memory_space<hbm>>
    tpu.enqueue_indirect_dma source(%dma_start3A_18 : memref<10000x128xf32, #tpu.memory_space<hbm>>) target(%arg9 : memref<80x128xf32, #tpu.memory_space<vmem>>) offsets(%dma_start3A_15 : memref<80xi32, #tpu.memory_space<vmem>>) semaphore(%arg15 : memref<!tpu.dma_semaphore, #tpu.memory_space<semaphore_mem>>)
    %dma_start3A_19 = arith.constant 80 : i32
    %dma_start3A_20 = tpu.memref_slice %arg7[%dma_start3A_19] : memref<10000xi32, #tpu.memory_space<vmem>> -> memref<80xi32, #tpu.memory_space<vmem>>
    %dma_start3A_21 = arith.constant 0 : i32
    %dma_start3A_22 = arith.constant 0 : i32
    %dma_start3A_23 = tpu.memref_slice %arg3[%dma_start3A_21, %dma_start3A_22] : memref<10000x128xf32, #tpu.memory_space<hbm>> -> memref<10000x128xf32, #tpu.memory_space<hbm>>
    tpu.enqueue_indirect_dma source(%dma_start3A_23 : memref<10000x128xf32, #tpu.memory_space<hbm>>) target(%arg11 : memref<80x128xf32, #tpu.memory_space<vmem>>) offsets(%dma_start3A_20 : memref<80xi32, #tpu.memory_space<vmem>>) semaphore(%arg17 : memref<!tpu.dma_semaphore, #tpu.memory_space<semaphore_mem>>)
    %scan3A = arith.constant 0 : i32
    %scan3A_24 = arith.constant 62 : i32
    %scan3A_25 = arith.addi %scan3A, %scan3A_24 : i32
    %scan3A_26 = arith.constant 1 : i32
    scf.for %scan3A_60 = %scan3A to %scan3A_25 step %scan3A_26  : i32 {
      %mul3A_61 = arith.constant 2 : i32
      %mul3A_62 = arith.muli %scan3A_60, %mul3A_61 : i32
      %add3A_63 = arith.constant 0 : i32
      %add3A_64 = arith.addi %mul3A_62, %add3A_63 : i32
      %dma_wait3A_65 = arith.constant 0 : i32
      %dma_wait3A_66 = tpu.memref_slice %arg6[%dma_wait3A_65] : memref<10000xi32, #tpu.memory_space<vmem>> -> memref<80xi32, #tpu.memory_space<vmem>>
      %dma_wait3A_67 = arith.constant 0 : i32
      %dma_wait3A_68 = arith.constant 0 : i32
      %dma_wait3A_69 = tpu.memref_slice %arg2[%dma_wait3A_67, %dma_wait3A_68] : memref<10000x128xf32, #tpu.memory_space<hbm>> -> memref<10000x128xf32, #tpu.memory_space<hbm>>
      tpu.wait_indirect_dma semaphore(%arg14 : memref<!tpu.dma_semaphore, #tpu.memory_space<semaphore_mem>>) src(%dma_wait3A_69 : memref<10000x128xf32, #tpu.memory_space<hbm>>) dst(%arg8 : memref<80x128xf32, #tpu.memory_space<vmem>>)
      %dma_wait3A_70 = arith.constant 0 : i32
      %dma_wait3A_71 = tpu.memref_slice %arg7[%dma_wait3A_70] : memref<10000xi32, #tpu.memory_space<vmem>> -> memref<80xi32, #tpu.memory_space<vmem>>
      %dma_wait3A_72 = arith.constant 0 : i32
      %dma_wait3A_73 = arith.constant 0 : i32
      %dma_wait3A_74 = tpu.memref_slice %arg3[%dma_wait3A_72, %dma_wait3A_73] : memref<10000x128xf32, #tpu.memory_space<hbm>> -> memref<10000x128xf32, #tpu.memory_space<hbm>>
      tpu.wait_indirect_dma semaphore(%arg16 : memref<!tpu.dma_semaphore, #tpu.memory_space<semaphore_mem>>) src(%dma_wait3A_74 : memref<10000x128xf32, #tpu.memory_space<hbm>>) dst(%arg10 : memref<80x128xf32, #tpu.memory_space<vmem>>)
      %ge3A = arith.constant 2 : i32
      %ge3A_75 = arith.cmpi sge, %add3A_64, %ge3A : i32
      %convert_element_type3A = arith.extui %ge3A_75 : i1 to i32
      %cond3A = arith.constant 0 : i32
      %cond3A_76 = arith.cmpi ne, %convert_element_type3A, %cond3A : i32
      scf.if %cond3A_76 {
        %dma_wait3A_133 = arith.constant 0 : i32
        %dma_wait3A_134 = tpu.memref_slice %arg5[%mul3A_2, %dma_wait3A_133] : memref<320000x128xf32, #tpu.memory_space<hbm>> -> memref<80x128xf32, #tpu.memory_space<hbm>>
        %dma_wait3A_135 = arith.constant 0 : i32
        %dma_wait3A_136 = tpu.memref_slice %arg5[%mul3A_2, %dma_wait3A_135] : memref<320000x128xf32, #tpu.memory_space<hbm>> -> memref<80x128xf32, #tpu.memory_space<hbm>>
        tpu.wait_dma2 semaphore(%arg18 : memref<!tpu.dma_semaphore, #tpu.memory_space<semaphore_mem>>) src(%arg12 : memref<80x128xf32, #tpu.memory_space<vmem>>) dst(%dma_wait3A_136 : memref<80x128xf32, #tpu.memory_space<hbm>>)
      } else {
      }
      %scan3A_77 = arith.constant 0 : i32
      %scan3A_78 = arith.constant 80 : i32
      %scan3A_79 = arith.addi %scan3A_77, %scan3A_78 : i32
      %scan3A_80 = arith.constant 1 : i32
      scf.for %scan3A_133 = %scan3A_77 to %scan3A_79 step %scan3A_80  : i32 {
        %get3A = arith.index_cast %scan3A_133 : i32 to index
        %get3A_134 = arith.constant 0 : index
        %get3A_135 = tpu.vector_load %arg8[%get3A, %get3A_134] {strides = array<i32>} : memref<80x128xf32, #tpu.memory_space<vmem>>, vector<1x16xf32>,
        %get3A_136 = vector.shape_cast %get3A_135 : vector<1x16xf32> to vector<16xf32>
        %get3A_137 = arith.index_cast %scan3A_133 : i32 to index
        %get3A_138 = arith.constant 0 : index
        %get3A_139 = tpu.vector_load %arg10[%get3A_137, %get3A_138] {strides = array<i32>} : memref<80x128xf32, #tpu.memory_space<vmem>>, vector<1x16xf32>,
        %get3A_140 = vector.shape_cast %get3A_139 : vector<1x16xf32> to vector<16xf32>
        %add3A_141 = arith.addf %get3A_136, %get3A_140 : vector<16xf32>
        %swap3A = arith.index_cast %scan3A_133 : i32 to index
        %swap3A_142 = arith.constant 0 : index
        %swap3A_143 = tpu.vector_load %arg12[%swap3A, %swap3A_142] {strides = array<i32>} : memref<80x128xf32, #tpu.memory_space<vmem>>, vector<1x16xf32>,
        %swap3A_144 = vector.shape_cast %swap3A_143 : vector<1x16xf32> to vector<16xf32>
        %swap3A_145 = vector.shape_cast %add3A_141 : vector<16xf32> to vector<1x16xf32>
        tpu.vector_store %arg12[%swap3A, %swap3A_142], %swap3A_145 {strides = array<i32>} : memref<80x128xf32, #tpu.memory_space<vmem>>, vector<1x16xf32>,
        %get3A_146 = arith.index_cast %scan3A_133 : i32 to index
        %get3A_147 = arith.constant 16 : index
        %get3A_148 = tpu.vector_load %arg8[%get3A_146, %get3A_147] {strides = array<i32>} : memref<80x128xf32, #tpu.memory_space<vmem>>, vector<1x16xf32>,
        %get3A_149 = vector.shape_cast %get3A_148 : vector<1x16xf32> to vector<16xf32>
        %get3A_150 = arith.index_cast %scan3A_133 : i32 to index
        %get3A_151 = arith.constant 16 : index
        %get3A_152 = tpu.vector_load %arg10[%get3A_150, %get3A_151] {strides = array<i32>} : memref<80x128xf32, #tpu.memory_space<vmem>>, vector<1x16xf32>,
        %get3A_153 = vector.shape_cast %get3A_152 : vector<1x16xf32> to vector<16xf32>
        %add3A_154 = arith.addf %get3A_149, %get3A_153 : vector<16xf32>
        %swap3A_155 = arith.index_cast %scan3A_133 : i32 to index
        %swap3A_156 = arith.constant 16 : index
        %swap3A_157 = tpu.vector_load %arg12[%swap3A_155, %swap3A_156] {strides = array<i32>} : memref<80x128xf32, #tpu.memory_space<vmem>>, vector<1x16xf32>,
        %swap3A_158 = vector.shape_cast %swap3A_157 : vector<1x16xf32> to vector<16xf32>
        %swap3A_159 = vector.shape_cast %add3A_154 : vector<16xf32> to vector<1x16xf32>
        tpu.vector_store %arg12[%swap3A_155, %swap3A_156], %swap3A_159 {strides = array<i32>} : memref<80x128xf32, #tpu.memory_space<vmem>>, vector<1x16xf32>,
        %get3A_160 = arith.index_cast %scan3A_133 : i32 to index
        %get3A_161 = arith.constant 32 : index
        %get3A_162 = tpu.vector_load %arg8[%get3A_160, %get3A_161] {strides = array<i32>} : memref<80x128xf32, #tpu.memory_space<vmem>>, vector<1x16xf32>,
        %get3A_163 = vector.shape_cast %get3A_162 : vector<1x16xf32> to vector<16xf32>
        %get3A_164 = arith.index_cast %scan3A_133 : i32 to index
        %get3A_165 = arith.constant 32 : index
        %get3A_166 = tpu.vector_load %arg10[%get3A_164, %get3A_165] {strides = array<i32>} : memref<80x128xf32, #tpu.memory_space<vmem>>, vector<1x16xf32>,
        %get3A_167 = vector.shape_cast %get3A_166 : vector<1x16xf32> to vector<16xf32>
        %add3A_168 = arith.addf %get3A_163, %get3A_167 : vector<16xf32>
        %swap3A_169 = arith.index_cast %scan3A_133 : i32 to index
        %swap3A_170 = arith.constant 32 : index
        %swap3A_171 = tpu.vector_load %arg12[%swap3A_169, %swap3A_170] {strides = array<i32>} : memref<80x128xf32, #tpu.memory_space<vmem>>, vector<1x16xf32>,
        %swap3A_172 = vector.shape_cast %swap3A_171 : vector<1x16xf32> to vector<16xf32>
        %swap3A_173 = vector.shape_cast %add3A_168 : vector<16xf32> to vector<1x16xf32>
        tpu.vector_store %arg12[%swap3A_169, %swap3A_170], %swap3A_173 {strides = array<i32>} : memref<80x128xf32, #tpu.memory_space<vmem>>, vector<1x16xf32>,
        %get3A_174 = arith.index_cast %scan3A_133 : i32 to index
        %get3A_175 = arith.constant 48 : index
        %get3A_176 = tpu.vector_load %arg8[%get3A_174, %get3A_175] {strides = array<i32>} : memref<80x128xf32, #tpu.memory_space<vmem>>, vector<1x16xf32>,
        %get3A_177 = vector.shape_cast %get3A_176 : vector<1x16xf32> to vector<16xf32>
        %get3A_178 = arith.index_cast %scan3A_133 : i32 to index
        %get3A_179 = arith.constant 48 : index
        %get3A_180 = tpu.vector_load %arg10[%get3A_178, %get3A_179] {strides = array<i32>} : memref<80x128xf32, #tpu.memory_space<vmem>>, vector<1x16xf32>,
        %get3A_181 = vector.shape_cast %get3A_180 : vector<1x16xf32> to vector<16xf32>
        %add3A_182 = arith.addf %get3A_177, %get3A_181 : vector<16xf32>
        %swap3A_183 = arith.index_cast %scan3A_133 : i32 to index
        %swap3A_184 = arith.constant 48 : index
        %swap3A_185 = tpu.vector_load %arg12[%swap3A_183, %swap3A_184] {strides = array<i32>} : memref<80x128xf32, #tpu.memory_space<vmem>>, vector<1x16xf32>,
        %swap3A_186 = vector.shape_cast %swap3A_185 : vector<1x16xf32> to vector<16xf32>
        %swap3A_187 = vector.shape_cast %add3A_182 : vector<16xf32> to vector<1x16xf32>
        tpu.vector_store %arg12[%swap3A_183, %swap3A_184], %swap3A_187 {strides = array<i32>} : memref<80x128xf32, #tpu.memory_space<vmem>>, vector<1x16xf32>,
        %get3A_188 = arith.index_cast %scan3A_133 : i32 to index
        %get3A_189 = arith.constant 64 : index
        %get3A_190 = tpu.vector_load %arg8[%get3A_188, %get3A_189] {strides = array<i32>} : memref<80x128xf32, #tpu.memory_space<vmem>>, vector<1x16xf32>,
        %get3A_191 = vector.shape_cast %get3A_190 : vector<1x16xf32> to vector<16xf32>
        %get3A_192 = arith.index_cast %scan3A_133 : i32 to index
        %get3A_193 = arith.constant 64 : index
        %get3A_194 = tpu.vector_load %arg10[%get3A_192, %get3A_193] {strides = array<i32>} : memref<80x128xf32, #tpu.memory_space<vmem>>, vector<1x16xf32>,
        %get3A_195 = vector.shape_cast %get3A_194 : vector<1x16xf32> to vector<16xf32>
        %add3A_196 = arith.addf %get3A_191, %get3A_195 : vector<16xf32>
        %swap3A_197 = arith.index_cast %scan3A_133 : i32 to index
        %swap3A_198 = arith.constant 64 : index
        %swap3A_199 = tpu.vector_load %arg12[%swap3A_197, %swap3A_198] {strides = array<i32>} : memref<80x128xf32, #tpu.memory_space<vmem>>, vector<1x16xf32>,
        %swap3A_200 = vector.shape_cast %swap3A_199 : vector<1x16xf32> to vector<16xf32>
        %swap3A_201 = vector.shape_cast %add3A_196 : vector<16xf32> to vector<1x16xf32>
        tpu.vector_store %arg12[%swap3A_197, %swap3A_198], %swap3A_201 {strides = array<i32>} : memref<80x128xf32, #tpu.memory_space<vmem>>, vector<1x16xf32>,
        %get3A_202 = arith.index_cast %scan3A_133 : i32 to index
        %get3A_203 = arith.constant 80 : index
        %get3A_204 = tpu.vector_load %arg8[%get3A_202, %get3A_203] {strides = array<i32>} : memref<80x128xf32, #tpu.memory_space<vmem>>, vector<1x16xf32>,
        %get3A_205 = vector.shape_cast %get3A_204 : vector<1x16xf32> to vector<16xf32>
        %get3A_206 = arith.index_cast %scan3A_133 : i32 to index
        %get3A_207 = arith.constant 80 : index
        %get3A_208 = tpu.vector_load %arg10[%get3A_206, %get3A_207] {strides = array<i32>} : memref<80x128xf32, #tpu.memory_space<vmem>>, vector<1x16xf32>,
        %get3A_209 = vector.shape_cast %get3A_208 : vector<1x16xf32> to vector<16xf32>
        %add3A_210 = arith.addf %get3A_205, %get3A_209 : vector<16xf32>
        %swap3A_211 = arith.index_cast %scan3A_133 : i32 to index
        %swap3A_212 = arith.constant 80 : index
        %swap3A_213 = tpu.vector_load %arg12[%swap3A_211, %swap3A_212] {strides = array<i32>} : memref<80x128xf32, #tpu.memory_space<vmem>>, vector<1x16xf32>,
        %swap3A_214 = vector.shape_cast %swap3A_213 : vector<1x16xf32> to vector<16xf32>
        %swap3A_215 = vector.shape_cast %add3A_210 : vector<16xf32> to vector<1x16xf32>
        tpu.vector_store %arg12[%swap3A_211, %swap3A_212], %swap3A_215 {strides = array<i32>} : memref<80x128xf32, #tpu.memory_space<vmem>>, vector<1x16xf32>,
        %get3A_216 = arith.index_cast %scan3A_133 : i32 to index
        %get3A_217 = arith.constant 96 : index
        %get3A_218 = tpu.vector_load %arg8[%get3A_216, %get3A_217] {strides = array<i32>} : memref<80x128xf32, #tpu.memory_space<vmem>>, vector<1x16xf32>,
        %get3A_219 = vector.shape_cast %get3A_218 : vector<1x16xf32> to vector<16xf32>
        %get3A_220 = arith.index_cast %scan3A_133 : i32 to index
        %get3A_221 = arith.constant 96 : index
        %get3A_222 = tpu.vector_load %arg10[%get3A_220, %get3A_221] {strides = array<i32>} : memref<80x128xf32, #tpu.memory_space<vmem>>, vector<1x16xf32>,
        %get3A_223 = vector.shape_cast %get3A_222 : vector<1x16xf32> to vector<16xf32>
        %add3A_224 = arith.addf %get3A_219, %get3A_223 : vector<16xf32>
        %swap3A_225 = arith.index_cast %scan3A_133 : i32 to index
        %swap3A_226 = arith.constant 96 : index
        %swap3A_227 = tpu.vector_load %arg12[%swap3A_225, %swap3A_226] {strides = array<i32>} : memref<80x128xf32, #tpu.memory_space<vmem>>, vector<1x16xf32>,
        %swap3A_228 = vector.shape_cast %swap3A_227 : vector<1x16xf32> to vector<16xf32>
        %swap3A_229 = vector.shape_cast %add3A_224 : vector<16xf32> to vector<1x16xf32>
        tpu.vector_store %arg12[%swap3A_225, %swap3A_226], %swap3A_229 {strides = array<i32>} : memref<80x128xf32, #tpu.memory_space<vmem>>, vector<1x16xf32>,
        %get3A_230 = arith.index_cast %scan3A_133 : i32 to index
        %get3A_231 = arith.constant 112 : index
        %get3A_232 = tpu.vector_load %arg8[%get3A_230, %get3A_231] {strides = array<i32>} : memref<80x128xf32, #tpu.memory_space<vmem>>, vector<1x16xf32>,
        %get3A_233 = vector.shape_cast %get3A_232 : vector<1x16xf32> to vector<16xf32>
        %get3A_234 = arith.index_cast %scan3A_133 : i32 to index
        %get3A_235 = arith.constant 112 : index
        %get3A_236 = tpu.vector_load %arg10[%get3A_234, %get3A_235] {strides = array<i32>} : memref<80x128xf32, #tpu.memory_space<vmem>>, vector<1x16xf32>,
        %get3A_237 = vector.shape_cast %get3A_236 : vector<1x16xf32> to vector<16xf32>
        %add3A_238 = arith.addf %get3A_233, %get3A_237 : vector<16xf32>
        %swap3A_239 = arith.index_cast %scan3A_133 : i32 to index
        %swap3A_240 = arith.constant 112 : index
        %swap3A_241 = tpu.vector_load %arg12[%swap3A_239, %swap3A_240] {strides = array<i32>} : memref<80x128xf32, #tpu.memory_space<vmem>>, vector<1x16xf32>,
        %swap3A_242 = vector.shape_cast %swap3A_241 : vector<1x16xf32> to vector<16xf32>
        %swap3A_243 = vector.shape_cast %add3A_238 : vector<16xf32> to vector<1x16xf32>
        tpu.vector_store %arg12[%swap3A_239, %swap3A_240], %swap3A_243 {strides = array<i32>} : memref<80x128xf32, #tpu.memory_space<vmem>>, vector<1x16xf32>,
      }
      %scan3A_81 = arith.constant 80 : i32
      %mul3A_82 = arith.constant 80 : i32
      %mul3A_83 = arith.muli %add3A_64, %mul3A_82 : i32
      %add3A_84 = arith.addi %mul3A_2, %mul3A_83 : i32
      %dma_start3A_85 = arith.constant 0 : i32
      %dma_start3A_86 = tpu.memref_slice %arg5[%add3A_84, %dma_start3A_85] : memref<320000x128xf32, #tpu.memory_space<hbm>> -> memref<80x128xf32, #tpu.memory_space<hbm>>
      %dma_start3A_87 = arith.constant 0 : i32
      %dma_start3A_88 = tpu.memref_slice %arg5[%add3A_84, %dma_start3A_87] : memref<320000x128xf32, #tpu.memory_space<hbm>> -> memref<80x128xf32, #tpu.memory_space<hbm>>
      tpu.enqueue_dma source(%arg12 : memref<80x128xf32, #tpu.memory_space<vmem>>) target(%dma_start3A_88 : memref<80x128xf32, #tpu.memory_space<hbm>>) target_semaphore(%arg18 : memref<!tpu.dma_semaphore, #tpu.memory_space<semaphore_mem>>)
      %add3A_89 = arith.constant 2 : i32
      %add3A_90 = arith.addi %add3A_64, %add3A_89 : i32
      %lt3A = arith.constant 125 : i32
      %lt3A_91 = arith.cmpi slt, %add3A_90, %lt3A : i32
      %convert_element_type3A_92 = arith.extui %lt3A_91 : i1 to i32
      %cond3A_93 = arith.constant 0 : i32
      %cond3A_94 = arith.cmpi ne, %convert_element_type3A_92, %cond3A_93 : i32
      scf.if %cond3A_94 {
        %add3A_133 = arith.constant 2 : i32
        %add3A_134 = arith.addi %add3A_64, %add3A_133 : i32
        %mul3A_135 = arith.constant 80 : i32
        %mul3A_136 = arith.muli %add3A_134, %mul3A_135 : i32
        %dma_start3A_137 = tpu.memref_slice %arg6[%mul3A_136] : memref<10000xi32, #tpu.memory_space<vmem>> -> memref<80xi32, #tpu.memory_space<vmem>>
        %dma_start3A_138 = arith.constant 0 : i32
        %dma_start3A_139 = arith.constant 0 : i32
        %dma_start3A_140 = tpu.memref_slice %arg2[%dma_start3A_138, %dma_start3A_139] : memref<10000x128xf32, #tpu.memory_space<hbm>> -> memref<10000x128xf32, #tpu.memory_space<hbm>>
        tpu.enqueue_indirect_dma source(%dma_start3A_140 : memref<10000x128xf32, #tpu.memory_space<hbm>>) target(%arg8 : memref<80x128xf32, #tpu.memory_space<vmem>>) offsets(%dma_start3A_137 : memref<80xi32, #tpu.memory_space<vmem>>) semaphore(%arg14 : memref<!tpu.dma_semaphore, #tpu.memory_space<semaphore_mem>>)
        %mul3A_141 = arith.constant 80 : i32
        %mul3A_142 = arith.muli %add3A_134, %mul3A_141 : i32
        %dma_start3A_143 = tpu.memref_slice %arg7[%mul3A_142] : memref<10000xi32, #tpu.memory_space<vmem>> -> memref<80xi32, #tpu.memory_space<vmem>>
        %dma_start3A_144 = arith.constant 0 : i32
        %dma_start3A_145 = arith.constant 0 : i32
        %dma_start3A_146 = tpu.memref_slice %arg3[%dma_start3A_144, %dma_start3A_145] : memref<10000x128xf32, #tpu.memory_space<hbm>> -> memref<10000x128xf32, #tpu.memory_space<hbm>>
        tpu.enqueue_indirect_dma source(%dma_start3A_146 : memref<10000x128xf32, #tpu.memory_space<hbm>>) target(%arg10 : memref<80x128xf32, #tpu.memory_space<vmem>>) offsets(%dma_start3A_143 : memref<80xi32, #tpu.memory_space<vmem>>) semaphore(%arg16 : memref<!tpu.dma_semaphore, #tpu.memory_space<semaphore_mem>>)
      } else {
      }
      %mul3A_95 = arith.constant 2 : i32
      %mul3A_96 = arith.muli %scan3A_60, %mul3A_95 : i32
      %add3A_97 = arith.constant 1 : i32
      %add3A_98 = arith.addi %mul3A_96, %add3A_97 : i32
      %dma_wait3A_99 = arith.constant 0 : i32
      %dma_wait3A_100 = tpu.memref_slice %arg6[%dma_wait3A_99] : memref<10000xi32, #tpu.memory_space<vmem>> -> memref<80xi32, #tpu.memory_space<vmem>>
      %dma_wait3A_101 = arith.constant 0 : i32
      %dma_wait3A_102 = arith.constant 0 : i32
      %dma_wait3A_103 = tpu.memref_slice %arg2[%dma_wait3A_101, %dma_wait3A_102] : memref<10000x128xf32, #tpu.memory_space<hbm>> -> memref<10000x128xf32, #tpu.memory_space<hbm>>
      tpu.wait_indirect_dma semaphore(%arg15 : memref<!tpu.dma_semaphore, #tpu.memory_space<semaphore_mem>>) src(%dma_wait3A_103 : memref<10000x128xf32, #tpu.memory_space<hbm>>) dst(%arg9 : memref<80x128xf32, #tpu.memory_space<vmem>>)
      %dma_wait3A_104 = arith.constant 0 : i32
      %dma_wait3A_105 = tpu.memref_slice %arg7[%dma_wait3A_104] : memref<10000xi32, #tpu.memory_space<vmem>> -> memref<80xi32, #tpu.memory_space<vmem>>
      %dma_wait3A_106 = arith.constant 0 : i32
      %dma_wait3A_107 = arith.constant 0 : i32
      %dma_wait3A_108 = tpu.memref_slice %arg3[%dma_wait3A_106, %dma_wait3A_107] : memref<10000x128xf32, #tpu.memory_space<hbm>> -> memref<10000x128xf32, #tpu.memory_space<hbm>>
      tpu.wait_indirect_dma semaphore(%arg17 : memref<!tpu.dma_semaphore, #tpu.memory_space<semaphore_mem>>) src(%dma_wait3A_108 : memref<10000x128xf32, #tpu.memory_space<hbm>>) dst(%arg11 : memref<80x128xf32, #tpu.memory_space<vmem>>)
      %ge3A_109 = arith.constant 2 : i32
      %ge3A_110 = arith.cmpi sge, %add3A_98, %ge3A_109 : i32
      %convert_element_type3A_111 = arith.extui %ge3A_110 : i1 to i32
      %cond3A_112 = arith.constant 0 : i32
      %cond3A_113 = arith.cmpi ne, %convert_element_type3A_111, %cond3A_112 : i32
      scf.if %cond3A_113 {
        %dma_wait3A_133 = arith.constant 0 : i32
        %dma_wait3A_134 = tpu.memref_slice %arg5[%mul3A_2, %dma_wait3A_133] : memref<320000x128xf32, #tpu.memory_space<hbm>> -> memref<80x128xf32, #tpu.memory_space<hbm>>
        %dma_wait3A_135 = arith.constant 0 : i32
        %dma_wait3A_136 = tpu.memref_slice %arg5[%mul3A_2, %dma_wait3A_135] : memref<320000x128xf32, #tpu.memory_space<hbm>> -> memref<80x128xf32, #tpu.memory_space<hbm>>
        tpu.wait_dma2 semaphore(%arg19 : memref<!tpu.dma_semaphore, #tpu.memory_space<semaphore_mem>>) src(%arg13 : memref<80x128xf32, #tpu.memory_space<vmem>>) dst(%dma_wait3A_136 : memref<80x128xf32, #tpu.memory_space<hbm>>)
      } else {
      }
      %scan3A_114 = arith.constant 0 : i32
      %scan3A_115 = arith.constant 80 : i32
      %scan3A_116 = arith.addi %scan3A_114, %scan3A_115 : i32
      %scan3A_117 = arith.constant 1 : i32
      scf.for %scan3A_133 = %scan3A_114 to %scan3A_116 step %scan3A_117  : i32 {
        %get3A = arith.index_cast %scan3A_133 : i32 to index
        %get3A_134 = arith.constant 0 : index
        %get3A_135 = tpu.vector_load %arg9[%get3A, %get3A_134] {strides = array<i32>} : memref<80x128xf32, #tpu.memory_space<vmem>>, vector<1x16xf32>,
        %get3A_136 = vector.shape_cast %get3A_135 : vector<1x16xf32> to vector<16xf32>
        %get3A_137 = arith.index_cast %scan3A_133 : i32 to index
        %get3A_138 = arith.constant 0 : index
        %get3A_139 = tpu.vector_load %arg11[%get3A_137, %get3A_138] {strides = array<i32>} : memref<80x128xf32, #tpu.memory_space<vmem>>, vector<1x16xf32>,
        %get3A_140 = vector.shape_cast %get3A_139 : vector<1x16xf32> to vector<16xf32>
        %add3A_141 = arith.addf %get3A_136, %get3A_140 : vector<16xf32>
        %swap3A = arith.index_cast %scan3A_133 : i32 to index
        %swap3A_142 = arith.constant 0 : index
        %swap3A_143 = tpu.vector_load %arg13[%swap3A, %swap3A_142] {strides = array<i32>} : memref<80x128xf32, #tpu.memory_space<vmem>>, vector<1x16xf32>,
        %swap3A_144 = vector.shape_cast %swap3A_143 : vector<1x16xf32> to vector<16xf32>
        %swap3A_145 = vector.shape_cast %add3A_141 : vector<16xf32> to vector<1x16xf32>
        tpu.vector_store %arg13[%swap3A, %swap3A_142], %swap3A_145 {strides = array<i32>} : memref<80x128xf32, #tpu.memory_space<vmem>>, vector<1x16xf32>,
        %get3A_146 = arith.index_cast %scan3A_133 : i32 to index
        %get3A_147 = arith.constant 16 : index
        %get3A_148 = tpu.vector_load %arg9[%get3A_146, %get3A_147] {strides = array<i32>} : memref<80x128xf32, #tpu.memory_space<vmem>>, vector<1x16xf32>,
        %get3A_149 = vector.shape_cast %get3A_148 : vector<1x16xf32> to vector<16xf32>
        %get3A_150 = arith.index_cast %scan3A_133 : i32 to index
        %get3A_151 = arith.constant 16 : index
        %get3A_152 = tpu.vector_load %arg11[%get3A_150, %get3A_151] {strides = array<i32>} : memref<80x128xf32, #tpu.memory_space<vmem>>, vector<1x16xf32>,
        %get3A_153 = vector.shape_cast %get3A_152 : vector<1x16xf32> to vector<16xf32>
        %add3A_154 = arith.addf %get3A_149, %get3A_153 : vector<16xf32>
        %swap3A_155 = arith.index_cast %scan3A_133 : i32 to index
        %swap3A_156 = arith.constant 16 : index
        %swap3A_157 = tpu.vector_load %arg13[%swap3A_155, %swap3A_156] {strides = array<i32>} : memref<80x128xf32, #tpu.memory_space<vmem>>, vector<1x16xf32>,
        %swap3A_158 = vector.shape_cast %swap3A_157 : vector<1x16xf32> to vector<16xf32>
        %swap3A_159 = vector.shape_cast %add3A_154 : vector<16xf32> to vector<1x16xf32>
        tpu.vector_store %arg13[%swap3A_155, %swap3A_156], %swap3A_159 {strides = array<i32>} : memref<80x128xf32, #tpu.memory_space<vmem>>, vector<1x16xf32>,
        %get3A_160 = arith.index_cast %scan3A_133 : i32 to index
        %get3A_161 = arith.constant 32 : index
        %get3A_162 = tpu.vector_load %arg9[%get3A_160, %get3A_161] {strides = array<i32>} : memref<80x128xf32, #tpu.memory_space<vmem>>, vector<1x16xf32>,
        %get3A_163 = vector.shape_cast %get3A_162 : vector<1x16xf32> to vector<16xf32>
        %get3A_164 = arith.index_cast %scan3A_133 : i32 to index
        %get3A_165 = arith.constant 32 : index
        %get3A_166 = tpu.vector_load %arg11[%get3A_164, %get3A_165] {strides = array<i32>} : memref<80x128xf32, #tpu.memory_space<vmem>>, vector<1x16xf32>,
        %get3A_167 = vector.shape_cast %get3A_166 : vector<1x16xf32> to vector<16xf32>
        %add3A_168 = arith.addf %get3A_163, %get3A_167 : vector<16xf32>
        %swap3A_169 = arith.index_cast %scan3A_133 : i32 to index
        %swap3A_170 = arith.constant 32 : index
        %swap3A_171 = tpu.vector_load %arg13[%swap3A_169, %swap3A_170] {strides = array<i32>} : memref<80x128xf32, #tpu.memory_space<vmem>>, vector<1x16xf32>,
        %swap3A_172 = vector.shape_cast %swap3A_171 : vector<1x16xf32> to vector<16xf32>
        %swap3A_173 = vector.shape_cast %add3A_168 : vector<16xf32> to vector<1x16xf32>
        tpu.vector_store %arg13[%swap3A_169, %swap3A_170], %swap3A_173 {strides = array<i32>} : memref<80x128xf32, #tpu.memory_space<vmem>>, vector<1x16xf32>,
        %get3A_174 = arith.index_cast %scan3A_133 : i32 to index
        %get3A_175 = arith.constant 48 : index
        %get3A_176 = tpu.vector_load %arg9[%get3A_174, %get3A_175] {strides = array<i32>} : memref<80x128xf32, #tpu.memory_space<vmem>>, vector<1x16xf32>,
        %get3A_177 = vector.shape_cast %get3A_176 : vector<1x16xf32> to vector<16xf32>
        %get3A_178 = arith.index_cast %scan3A_133 : i32 to index
        %get3A_179 = arith.constant 48 : index
        %get3A_180 = tpu.vector_load %arg11[%get3A_178, %get3A_179] {strides = array<i32>} : memref<80x128xf32, #tpu.memory_space<vmem>>, vector<1x16xf32>,
        %get3A_181 = vector.shape_cast %get3A_180 : vector<1x16xf32> to vector<16xf32>
        %add3A_182 = arith.addf %get3A_177, %get3A_181 : vector<16xf32>
        %swap3A_183 = arith.index_cast %scan3A_133 : i32 to index
        %swap3A_184 = arith.constant 48 : index
        %swap3A_185 = tpu.vector_load %arg13[%swap3A_183, %swap3A_184] {strides = array<i32>} : memref<80x128xf32, #tpu.memory_space<vmem>>, vector<1x16xf32>,
        %swap3A_186 = vector.shape_cast %swap3A_185 : vector<1x16xf32> to vector<16xf32>
        %swap3A_187 = vector.shape_cast %add3A_182 : vector<16xf32> to vector<1x16xf32>
        tpu.vector_store %arg13[%swap3A_183, %swap3A_184], %swap3A_187 {strides = array<i32>} : memref<80x128xf32, #tpu.memory_space<vmem>>, vector<1x16xf32>,
        %get3A_188 = arith.index_cast %scan3A_133 : i32 to index
        %get3A_189 = arith.constant 64 : index
        %get3A_190 = tpu.vector_load %arg9[%get3A_188, %get3A_189] {strides = array<i32>} : memref<80x128xf32, #tpu.memory_space<vmem>>, vector<1x16xf32>,
        %get3A_191 = vector.shape_cast %get3A_190 : vector<1x16xf32> to vector<16xf32>
        %get3A_192 = arith.index_cast %scan3A_133 : i32 to index
        %get3A_193 = arith.constant 64 : index
        %get3A_194 = tpu.vector_load %arg11[%get3A_192, %get3A_193] {strides = array<i32>} : memref<80x128xf32, #tpu.memory_space<vmem>>, vector<1x16xf32>,
        %get3A_195 = vector.shape_cast %get3A_194 : vector<1x16xf32> to vector<16xf32>
        %add3A_196 = arith.addf %get3A_191, %get3A_195 : vector<16xf32>
        %swap3A_197 = arith.index_cast %scan3A_133 : i32 to index
        %swap3A_198 = arith.constant 64 : index
        %swap3A_199 = tpu.vector_load %arg13[%swap3A_197, %swap3A_198] {strides = array<i32>} : memref<80x128xf32, #tpu.memory_space<vmem>>, vector<1x16xf32>,
        %swap3A_200 = vector.shape_cast %swap3A_199 : vector<1x16xf32> to vector<16xf32>
        %swap3A_201 = vector.shape_cast %add3A_196 : vector<16xf32> to vector<1x16xf32>
        tpu.vector_store %arg13[%swap3A_197, %swap3A_198], %swap3A_201 {strides = array<i32>} : memref<80x128xf32, #tpu.memory_space<vmem>>, vector<1x16xf32>,
        %get3A_202 = arith.index_cast %scan3A_133 : i32 to index
        %get3A_203 = arith.constant 80 : index
        %get3A_204 = tpu.vector_load %arg9[%get3A_202, %get3A_203] {strides = array<i32>} : memref<80x128xf32, #tpu.memory_space<vmem>>, vector<1x16xf32>,
        %get3A_205 = vector.shape_cast %get3A_204 : vector<1x16xf32> to vector<16xf32>
        %get3A_206 = arith.index_cast %scan3A_133 : i32 to index
        %get3A_207 = arith.constant 80 : index
        %get3A_208 = tpu.vector_load %arg11[%get3A_206, %get3A_207] {strides = array<i32>} : memref<80x128xf32, #tpu.memory_space<vmem>>, vector<1x16xf32>,
        %get3A_209 = vector.shape_cast %get3A_208 : vector<1x16xf32> to vector<16xf32>
        %add3A_210 = arith.addf %get3A_205, %get3A_209 : vector<16xf32>
        %swap3A_211 = arith.index_cast %scan3A_133 : i32 to index
        %swap3A_212 = arith.constant 80 : index
        %swap3A_213 = tpu.vector_load %arg13[%swap3A_211, %swap3A_212] {strides = array<i32>} : memref<80x128xf32, #tpu.memory_space<vmem>>, vector<1x16xf32>,
        %swap3A_214 = vector.shape_cast %swap3A_213 : vector<1x16xf32> to vector<16xf32>
        %swap3A_215 = vector.shape_cast %add3A_210 : vector<16xf32> to vector<1x16xf32>
        tpu.vector_store %arg13[%swap3A_211, %swap3A_212], %swap3A_215 {strides = array<i32>} : memref<80x128xf32, #tpu.memory_space<vmem>>, vector<1x16xf32>,
        %get3A_216 = arith.index_cast %scan3A_133 : i32 to index
        %get3A_217 = arith.constant 96 : index
        %get3A_218 = tpu.vector_load %arg9[%get3A_216, %get3A_217] {strides = array<i32>} : memref<80x128xf32, #tpu.memory_space<vmem>>, vector<1x16xf32>,
        %get3A_219 = vector.shape_cast %get3A_218 : vector<1x16xf32> to vector<16xf32>
        %get3A_220 = arith.index_cast %scan3A_133 : i32 to index
        %get3A_221 = arith.constant 96 : index
        %get3A_222 = tpu.vector_load %arg11[%get3A_220, %get3A_221] {strides = array<i32>} : memref<80x128xf32, #tpu.memory_space<vmem>>, vector<1x16xf32>,
        %get3A_223 = vector.shape_cast %get3A_222 : vector<1x16xf32> to vector<16xf32>
        %add3A_224 = arith.addf %get3A_219, %get3A_223 : vector<16xf32>
        %swap3A_225 = arith.index_cast %scan3A_133 : i32 to index
        %swap3A_226 = arith.constant 96 : index
        %swap3A_227 = tpu.vector_load %arg13[%swap3A_225, %swap3A_226] {strides = array<i32>} : memref<80x128xf32, #tpu.memory_space<vmem>>, vector<1x16xf32>,
        %swap3A_228 = vector.shape_cast %swap3A_227 : vector<1x16xf32> to vector<16xf32>
        %swap3A_229 = vector.shape_cast %add3A_224 : vector<16xf32> to vector<1x16xf32>
        tpu.vector_store %arg13[%swap3A_225, %swap3A_226], %swap3A_229 {strides = array<i32>} : memref<80x128xf32, #tpu.memory_space<vmem>>, vector<1x16xf32>,
        %get3A_230 = arith.index_cast %scan3A_133 : i32 to index
        %get3A_231 = arith.constant 112 : index
        %get3A_232 = tpu.vector_load %arg9[%get3A_230, %get3A_231] {strides = array<i32>} : memref<80x128xf32, #tpu.memory_space<vmem>>, vector<1x16xf32>,
        %get3A_233 = vector.shape_cast %get3A_232 : vector<1x16xf32> to vector<16xf32>
        %get3A_234 = arith.index_cast %scan3A_133 : i32 to index
        %get3A_235 = arith.constant 112 : index
        %get3A_236 = tpu.vector_load %arg11[%get3A_234, %get3A_235] {strides = array<i32>} : memref<80x128xf32, #tpu.memory_space<vmem>>, vector<1x16xf32>,
        %get3A_237 = vector.shape_cast %get3A_236 : vector<1x16xf32> to vector<16xf32>
        %add3A_238 = arith.addf %get3A_233, %get3A_237 : vector<16xf32>
        %swap3A_239 = arith.index_cast %scan3A_133 : i32 to index
        %swap3A_240 = arith.constant 112 : index
        %swap3A_241 = tpu.vector_load %arg13[%swap3A_239, %swap3A_240] {strides = array<i32>} : memref<80x128xf32, #tpu.memory_space<vmem>>, vector<1x16xf32>,
        %swap3A_242 = vector.shape_cast %swap3A_241 : vector<1x16xf32> to vector<16xf32>
        %swap3A_243 = vector.shape_cast %add3A_238 : vector<16xf32> to vector<1x16xf32>
        tpu.vector_store %arg13[%swap3A_239, %swap3A_240], %swap3A_243 {strides = array<i32>} : memref<80x128xf32, #tpu.memory_space<vmem>>, vector<1x16xf32>,
      }
      %scan3A_118 = arith.constant 80 : i32
      %mul3A_119 = arith.constant 80 : i32
      %mul3A_120 = arith.muli %add3A_98, %mul3A_119 : i32
      %add3A_121 = arith.addi %mul3A_2, %mul3A_120 : i32
      %dma_start3A_122 = arith.constant 0 : i32
      %dma_start3A_123 = tpu.memref_slice %arg5[%add3A_121, %dma_start3A_122] : memref<320000x128xf32, #tpu.memory_space<hbm>> -> memref<80x128xf32, #tpu.memory_space<hbm>>
      %dma_start3A_124 = arith.constant 0 : i32
      %dma_start3A_125 = tpu.memref_slice %arg5[%add3A_121, %dma_start3A_124] : memref<320000x128xf32, #tpu.memory_space<hbm>> -> memref<80x128xf32, #tpu.memory_space<hbm>>
      tpu.enqueue_dma source(%arg13 : memref<80x128xf32, #tpu.memory_space<vmem>>) target(%dma_start3A_125 : memref<80x128xf32, #tpu.memory_space<hbm>>) target_semaphore(%arg19 : memref<!tpu.dma_semaphore, #tpu.memory_space<semaphore_mem>>)
      %add3A_126 = arith.constant 2 : i32
      %add3A_127 = arith.addi %add3A_98, %add3A_126 : i32
      %lt3A_128 = arith.constant 125 : i32
      %lt3A_129 = arith.cmpi slt, %add3A_127, %lt3A_128 : i32
      %convert_element_type3A_130 = arith.extui %lt3A_129 : i1 to i32
      %cond3A_131 = arith.constant 0 : i32
      %cond3A_132 = arith.cmpi ne, %convert_element_type3A_130, %cond3A_131 : i32
      scf.if %cond3A_132 {
        %add3A_133 = arith.constant 2 : i32
        %add3A_134 = arith.addi %add3A_98, %add3A_133 : i32
        %mul3A_135 = arith.constant 80 : i32
        %mul3A_136 = arith.muli %add3A_134, %mul3A_135 : i32
        %dma_start3A_137 = tpu.memref_slice %arg6[%mul3A_136] : memref<10000xi32, #tpu.memory_space<vmem>> -> memref<80xi32, #tpu.memory_space<vmem>>
        %dma_start3A_138 = arith.constant 0 : i32
        %dma_start3A_139 = arith.constant 0 : i32
        %dma_start3A_140 = tpu.memref_slice %arg2[%dma_start3A_138, %dma_start3A_139] : memref<10000x128xf32, #tpu.memory_space<hbm>> -> memref<10000x128xf32, #tpu.memory_space<hbm>>
        tpu.enqueue_indirect_dma source(%dma_start3A_140 : memref<10000x128xf32, #tpu.memory_space<hbm>>) target(%arg9 : memref<80x128xf32, #tpu.memory_space<vmem>>) offsets(%dma_start3A_137 : memref<80xi32, #tpu.memory_space<vmem>>) semaphore(%arg15 : memref<!tpu.dma_semaphore, #tpu.memory_space<semaphore_mem>>)
        %mul3A_141 = arith.constant 80 : i32
        %mul3A_142 = arith.muli %add3A_134, %mul3A_141 : i32
        %dma_start3A_143 = tpu.memref_slice %arg7[%mul3A_142] : memref<10000xi32, #tpu.memory_space<vmem>> -> memref<80xi32, #tpu.memory_space<vmem>>
        %dma_start3A_144 = arith.constant 0 : i32
        %dma_start3A_145 = arith.constant 0 : i32
        %dma_start3A_146 = tpu.memref_slice %arg3[%dma_start3A_144, %dma_start3A_145] : memref<10000x128xf32, #tpu.memory_space<hbm>> -> memref<10000x128xf32, #tpu.memory_space<hbm>>
        tpu.enqueue_indirect_dma source(%dma_start3A_146 : memref<10000x128xf32, #tpu.memory_space<hbm>>) target(%arg11 : memref<80x128xf32, #tpu.memory_space<vmem>>) offsets(%dma_start3A_143 : memref<80xi32, #tpu.memory_space<vmem>>) semaphore(%arg17 : memref<!tpu.dma_semaphore, #tpu.memory_space<semaphore_mem>>)
      } else {
      }
    }
    %scan3A_27 = arith.constant 62 : i32
    %dma_wait3A = arith.constant 0 : i32
    %dma_wait3A_28 = tpu.memref_slice %arg6[%dma_wait3A] : memref<10000xi32, #tpu.memory_space<vmem>> -> memref<80xi32, #tpu.memory_space<vmem>>
    %dma_wait3A_29 = arith.constant 0 : i32
    %dma_wait3A_30 = arith.constant 0 : i32
    %dma_wait3A_31 = tpu.memref_slice %arg2[%dma_wait3A_29, %dma_wait3A_30] : memref<10000x128xf32, #tpu.memory_space<hbm>> -> memref<10000x128xf32, #tpu.memory_space<hbm>>
    tpu.wait_indirect_dma semaphore(%arg14 : memref<!tpu.dma_semaphore, #tpu.memory_space<semaphore_mem>>) src(%dma_wait3A_31 : memref<10000x128xf32, #tpu.memory_space<hbm>>) dst(%arg8 : memref<80x128xf32, #tpu.memory_space<vmem>>)
    %dma_wait3A_32 = arith.constant 0 : i32
    %dma_wait3A_33 = tpu.memref_slice %arg7[%dma_wait3A_32] : memref<10000xi32, #tpu.memory_space<vmem>> -> memref<80xi32, #tpu.memory_space<vmem>>
    %dma_wait3A_34 = arith.constant 0 : i32
    %dma_wait3A_35 = arith.constant 0 : i32
    %dma_wait3A_36 = tpu.memref_slice %arg3[%dma_wait3A_34, %dma_wait3A_35] : memref<10000x128xf32, #tpu.memory_space<hbm>> -> memref<10000x128xf32, #tpu.memory_space<hbm>>
    tpu.wait_indirect_dma semaphore(%arg16 : memref<!tpu.dma_semaphore, #tpu.memory_space<semaphore_mem>>) src(%dma_wait3A_36 : memref<10000x128xf32, #tpu.memory_space<hbm>>) dst(%arg10 : memref<80x128xf32, #tpu.memory_space<vmem>>)
    %dma_wait3A_37 = arith.constant 0 : i32
    %dma_wait3A_38 = tpu.memref_slice %arg5[%mul3A_2, %dma_wait3A_37] : memref<320000x128xf32, #tpu.memory_space<hbm>> -> memref<80x128xf32, #tpu.memory_space<hbm>>
    %dma_wait3A_39 = arith.constant 0 : i32
    %dma_wait3A_40 = tpu.memref_slice %arg5[%mul3A_2, %dma_wait3A_39] : memref<320000x128xf32, #tpu.memory_space<hbm>> -> memref<80x128xf32, #tpu.memory_space<hbm>>
    tpu.wait_dma2 semaphore(%arg18 : memref<!tpu.dma_semaphore, #tpu.memory_space<semaphore_mem>>) src(%arg12 : memref<80x128xf32, #tpu.memory_space<vmem>>) dst(%dma_wait3A_40 : memref<80x128xf32, #tpu.memory_space<hbm>>)
    %scan3A_41 = arith.constant 0 : i32
    %scan3A_42 = arith.constant 80 : i32
    %scan3A_43 = arith.addi %scan3A_41, %scan3A_42 : i32
    %scan3A_44 = arith.constant 1 : i32
    scf.for %scan3A_60 = %scan3A_41 to %scan3A_43 step %scan3A_44  : i32 {
      %get3A = arith.index_cast %scan3A_60 : i32 to index
      %get3A_61 = arith.constant 0 : index
      %get3A_62 = tpu.vector_load %arg8[%get3A, %get3A_61] {strides = array<i32>} : memref<80x128xf32, #tpu.memory_space<vmem>>, vector<1x16xf32>,
      %get3A_63 = vector.shape_cast %get3A_62 : vector<1x16xf32> to vector<16xf32>
      %get3A_64 = arith.index_cast %scan3A_60 : i32 to index
      %get3A_65 = arith.constant 0 : index
      %get3A_66 = tpu.vector_load %arg10[%get3A_64, %get3A_65] {strides = array<i32>} : memref<80x128xf32, #tpu.memory_space<vmem>>, vector<1x16xf32>,
      %get3A_67 = vector.shape_cast %get3A_66 : vector<1x16xf32> to vector<16xf32>
      %add3A_68 = arith.addf %get3A_63, %get3A_67 : vector<16xf32>
      %swap3A = arith.index_cast %scan3A_60 : i32 to index
      %swap3A_69 = arith.constant 0 : index
      %swap3A_70 = tpu.vector_load %arg12[%swap3A, %swap3A_69] {strides = array<i32>} : memref<80x128xf32, #tpu.memory_space<vmem>>, vector<1x16xf32>,
      %swap3A_71 = vector.shape_cast %swap3A_70 : vector<1x16xf32> to vector<16xf32>
      %swap3A_72 = vector.shape_cast %add3A_68 : vector<16xf32> to vector<1x16xf32>
      tpu.vector_store %arg12[%swap3A, %swap3A_69], %swap3A_72 {strides = array<i32>} : memref<80x128xf32, #tpu.memory_space<vmem>>, vector<1x16xf32>,
      %get3A_73 = arith.index_cast %scan3A_60 : i32 to index
      %get3A_74 = arith.constant 16 : index
      %get3A_75 = tpu.vector_load %arg8[%get3A_73, %get3A_74] {strides = array<i32>} : memref<80x128xf32, #tpu.memory_space<vmem>>, vector<1x16xf32>,
      %get3A_76 = vector.shape_cast %get3A_75 : vector<1x16xf32> to vector<16xf32>
      %get3A_77 = arith.index_cast %scan3A_60 : i32 to index
      %get3A_78 = arith.constant 16 : index
      %get3A_79 = tpu.vector_load %arg10[%get3A_77, %get3A_78] {strides = array<i32>} : memref<80x128xf32, #tpu.memory_space<vmem>>, vector<1x16xf32>,
      %get3A_80 = vector.shape_cast %get3A_79 : vector<1x16xf32> to vector<16xf32>
      %add3A_81 = arith.addf %get3A_76, %get3A_80 : vector<16xf32>
      %swap3A_82 = arith.index_cast %scan3A_60 : i32 to index
      %swap3A_83 = arith.constant 16 : index
      %swap3A_84 = tpu.vector_load %arg12[%swap3A_82, %swap3A_83] {strides = array<i32>} : memref<80x128xf32, #tpu.memory_space<vmem>>, vector<1x16xf32>,
      %swap3A_85 = vector.shape_cast %swap3A_84 : vector<1x16xf32> to vector<16xf32>
      %swap3A_86 = vector.shape_cast %add3A_81 : vector<16xf32> to vector<1x16xf32>
      tpu.vector_store %arg12[%swap3A_82, %swap3A_83], %swap3A_86 {strides = array<i32>} : memref<80x128xf32, #tpu.memory_space<vmem>>, vector<1x16xf32>,
      %get3A_87 = arith.index_cast %scan3A_60 : i32 to index
      %get3A_88 = arith.constant 32 : index
      %get3A_89 = tpu.vector_load %arg8[%get3A_87, %get3A_88] {strides = array<i32>} : memref<80x128xf32, #tpu.memory_space<vmem>>, vector<1x16xf32>,
      %get3A_90 = vector.shape_cast %get3A_89 : vector<1x16xf32> to vector<16xf32>
      %get3A_91 = arith.index_cast %scan3A_60 : i32 to index
      %get3A_92 = arith.constant 32 : index
      %get3A_93 = tpu.vector_load %arg10[%get3A_91, %get3A_92] {strides = array<i32>} : memref<80x128xf32, #tpu.memory_space<vmem>>, vector<1x16xf32>,
      %get3A_94 = vector.shape_cast %get3A_93 : vector<1x16xf32> to vector<16xf32>
      %add3A_95 = arith.addf %get3A_90, %get3A_94 : vector<16xf32>
      %swap3A_96 = arith.index_cast %scan3A_60 : i32 to index
      %swap3A_97 = arith.constant 32 : index
      %swap3A_98 = tpu.vector_load %arg12[%swap3A_96, %swap3A_97] {strides = array<i32>} : memref<80x128xf32, #tpu.memory_space<vmem>>, vector<1x16xf32>,
      %swap3A_99 = vector.shape_cast %swap3A_98 : vector<1x16xf32> to vector<16xf32>
      %swap3A_100 = vector.shape_cast %add3A_95 : vector<16xf32> to vector<1x16xf32>
      tpu.vector_store %arg12[%swap3A_96, %swap3A_97], %swap3A_100 {strides = array<i32>} : memref<80x128xf32, #tpu.memory_space<vmem>>, vector<1x16xf32>,
      %get3A_101 = arith.index_cast %scan3A_60 : i32 to index
      %get3A_102 = arith.constant 48 : index
      %get3A_103 = tpu.vector_load %arg8[%get3A_101, %get3A_102] {strides = array<i32>} : memref<80x128xf32, #tpu.memory_space<vmem>>, vector<1x16xf32>,
      %get3A_104 = vector.shape_cast %get3A_103 : vector<1x16xf32> to vector<16xf32>
      %get3A_105 = arith.index_cast %scan3A_60 : i32 to index
      %get3A_106 = arith.constant 48 : index
      %get3A_107 = tpu.vector_load %arg10[%get3A_105, %get3A_106] {strides = array<i32>} : memref<80x128xf32, #tpu.memory_space<vmem>>, vector<1x16xf32>,
      %get3A_108 = vector.shape_cast %get3A_107 : vector<1x16xf32> to vector<16xf32>
      %add3A_109 = arith.addf %get3A_104, %get3A_108 : vector<16xf32>
      %swap3A_110 = arith.index_cast %scan3A_60 : i32 to index
      %swap3A_111 = arith.constant 48 : index
      %swap3A_112 = tpu.vector_load %arg12[%swap3A_110, %swap3A_111] {strides = array<i32>} : memref<80x128xf32, #tpu.memory_space<vmem>>, vector<1x16xf32>,
      %swap3A_113 = vector.shape_cast %swap3A_112 : vector<1x16xf32> to vector<16xf32>
      %swap3A_114 = vector.shape_cast %add3A_109 : vector<16xf32> to vector<1x16xf32>
      tpu.vector_store %arg12[%swap3A_110, %swap3A_111], %swap3A_114 {strides = array<i32>} : memref<80x128xf32, #tpu.memory_space<vmem>>, vector<1x16xf32>,
      %get3A_115 = arith.index_cast %scan3A_60 : i32 to index
      %get3A_116 = arith.constant 64 : index
      %get3A_117 = tpu.vector_load %arg8[%get3A_115, %get3A_116] {strides = array<i32>} : memref<80x128xf32, #tpu.memory_space<vmem>>, vector<1x16xf32>,
      %get3A_118 = vector.shape_cast %get3A_117 : vector<1x16xf32> to vector<16xf32>
      %get3A_119 = arith.index_cast %scan3A_60 : i32 to index
      %get3A_120 = arith.constant 64 : index
      %get3A_121 = tpu.vector_load %arg10[%get3A_119, %get3A_120] {strides = array<i32>} : memref<80x128xf32, #tpu.memory_space<vmem>>, vector<1x16xf32>,
      %get3A_122 = vector.shape_cast %get3A_121 : vector<1x16xf32> to vector<16xf32>
      %add3A_123 = arith.addf %get3A_118, %get3A_122 : vector<16xf32>
      %swap3A_124 = arith.index_cast %scan3A_60 : i32 to index
      %swap3A_125 = arith.constant 64 : index
      %swap3A_126 = tpu.vector_load %arg12[%swap3A_124, %swap3A_125] {strides = array<i32>} : memref<80x128xf32, #tpu.memory_space<vmem>>, vector<1x16xf32>,
      %swap3A_127 = vector.shape_cast %swap3A_126 : vector<1x16xf32> to vector<16xf32>
      %swap3A_128 = vector.shape_cast %add3A_123 : vector<16xf32> to vector<1x16xf32>
      tpu.vector_store %arg12[%swap3A_124, %swap3A_125], %swap3A_128 {strides = array<i32>} : memref<80x128xf32, #tpu.memory_space<vmem>>, vector<1x16xf32>,
      %get3A_129 = arith.index_cast %scan3A_60 : i32 to index
      %get3A_130 = arith.constant 80 : index
      %get3A_131 = tpu.vector_load %arg8[%get3A_129, %get3A_130] {strides = array<i32>} : memref<80x128xf32, #tpu.memory_space<vmem>>, vector<1x16xf32>,
      %get3A_132 = vector.shape_cast %get3A_131 : vector<1x16xf32> to vector<16xf32>
      %get3A_133 = arith.index_cast %scan3A_60 : i32 to index
      %get3A_134 = arith.constant 80 : index
      %get3A_135 = tpu.vector_load %arg10[%get3A_133, %get3A_134] {strides = array<i32>} : memref<80x128xf32, #tpu.memory_space<vmem>>, vector<1x16xf32>,
      %get3A_136 = vector.shape_cast %get3A_135 : vector<1x16xf32> to vector<16xf32>
      %add3A_137 = arith.addf %get3A_132, %get3A_136 : vector<16xf32>
      %swap3A_138 = arith.index_cast %scan3A_60 : i32 to index
      %swap3A_139 = arith.constant 80 : index
      %swap3A_140 = tpu.vector_load %arg12[%swap3A_138, %swap3A_139] {strides = array<i32>} : memref<80x128xf32, #tpu.memory_space<vmem>>, vector<1x16xf32>,
      %swap3A_141 = vector.shape_cast %swap3A_140 : vector<1x16xf32> to vector<16xf32>
      %swap3A_142 = vector.shape_cast %add3A_137 : vector<16xf32> to vector<1x16xf32>
      tpu.vector_store %arg12[%swap3A_138, %swap3A_139], %swap3A_142 {strides = array<i32>} : memref<80x128xf32, #tpu.memory_space<vmem>>, vector<1x16xf32>,
      %get3A_143 = arith.index_cast %scan3A_60 : i32 to index
      %get3A_144 = arith.constant 96 : index
      %get3A_145 = tpu.vector_load %arg8[%get3A_143, %get3A_144] {strides = array<i32>} : memref<80x128xf32, #tpu.memory_space<vmem>>, vector<1x16xf32>,
      %get3A_146 = vector.shape_cast %get3A_145 : vector<1x16xf32> to vector<16xf32>
      %get3A_147 = arith.index_cast %scan3A_60 : i32 to index
      %get3A_148 = arith.constant 96 : index
      %get3A_149 = tpu.vector_load %arg10[%get3A_147, %get3A_148] {strides = array<i32>} : memref<80x128xf32, #tpu.memory_space<vmem>>, vector<1x16xf32>,
      %get3A_150 = vector.shape_cast %get3A_149 : vector<1x16xf32> to vector<16xf32>
      %add3A_151 = arith.addf %get3A_146, %get3A_150 : vector<16xf32>
      %swap3A_152 = arith.index_cast %scan3A_60 : i32 to index
      %swap3A_153 = arith.constant 96 : index
      %swap3A_154 = tpu.vector_load %arg12[%swap3A_152, %swap3A_153] {strides = array<i32>} : memref<80x128xf32, #tpu.memory_space<vmem>>, vector<1x16xf32>,
      %swap3A_155 = vector.shape_cast %swap3A_154 : vector<1x16xf32> to vector<16xf32>
      %swap3A_156 = vector.shape_cast %add3A_151 : vector<16xf32> to vector<1x16xf32>
      tpu.vector_store %arg12[%swap3A_152, %swap3A_153], %swap3A_156 {strides = array<i32>} : memref<80x128xf32, #tpu.memory_space<vmem>>, vector<1x16xf32>,
      %get3A_157 = arith.index_cast %scan3A_60 : i32 to index
      %get3A_158 = arith.constant 112 : index
      %get3A_159 = tpu.vector_load %arg8[%get3A_157, %get3A_158] {strides = array<i32>} : memref<80x128xf32, #tpu.memory_space<vmem>>, vector<1x16xf32>,
      %get3A_160 = vector.shape_cast %get3A_159 : vector<1x16xf32> to vector<16xf32>
      %get3A_161 = arith.index_cast %scan3A_60 : i32 to index
      %get3A_162 = arith.constant 112 : index
      %get3A_163 = tpu.vector_load %arg10[%get3A_161, %get3A_162] {strides = array<i32>} : memref<80x128xf32, #tpu.memory_space<vmem>>, vector<1x16xf32>,
      %get3A_164 = vector.shape_cast %get3A_163 : vector<1x16xf32> to vector<16xf32>
      %add3A_165 = arith.addf %get3A_160, %get3A_164 : vector<16xf32>
      %swap3A_166 = arith.index_cast %scan3A_60 : i32 to index
      %swap3A_167 = arith.constant 112 : index
      %swap3A_168 = tpu.vector_load %arg12[%swap3A_166, %swap3A_167] {strides = array<i32>} : memref<80x128xf32, #tpu.memory_space<vmem>>, vector<1x16xf32>,
      %swap3A_169 = vector.shape_cast %swap3A_168 : vector<1x16xf32> to vector<16xf32>
      %swap3A_170 = vector.shape_cast %add3A_165 : vector<16xf32> to vector<1x16xf32>
      tpu.vector_store %arg12[%swap3A_166, %swap3A_167], %swap3A_170 {strides = array<i32>} : memref<80x128xf32, #tpu.memory_space<vmem>>, vector<1x16xf32>,
    }
    %scan3A_45 = arith.constant 80 : i32
    %add3A_46 = arith.constant 9920 : i32
    %add3A_47 = arith.addi %mul3A_2, %add3A_46 : i32
    %dma_start3A_48 = arith.constant 0 : i32
    %dma_start3A_49 = tpu.memref_slice %arg5[%add3A_47, %dma_start3A_48] : memref<320000x128xf32, #tpu.memory_space<hbm>> -> memref<80x128xf32, #tpu.memory_space<hbm>>
    %dma_start3A_50 = arith.constant 0 : i32
    %dma_start3A_51 = tpu.memref_slice %arg5[%add3A_47, %dma_start3A_50] : memref<320000x128xf32, #tpu.memory_space<hbm>> -> memref<80x128xf32, #tpu.memory_space<hbm>>
    tpu.enqueue_dma source(%arg12 : memref<80x128xf32, #tpu.memory_space<vmem>>) target(%dma_start3A_51 : memref<80x128xf32, #tpu.memory_space<hbm>>) target_semaphore(%arg18 : memref<!tpu.dma_semaphore, #tpu.memory_space<semaphore_mem>>)
    %dma_wait3A_52 = arith.constant 0 : i32
    %dma_wait3A_53 = tpu.memref_slice %arg5[%mul3A_2, %dma_wait3A_52] : memref<320000x128xf32, #tpu.memory_space<hbm>> -> memref<80x128xf32, #tpu.memory_space<hbm>>
    %dma_wait3A_54 = arith.constant 0 : i32
    %dma_wait3A_55 = tpu.memref_slice %arg5[%mul3A_2, %dma_wait3A_54] : memref<320000x128xf32, #tpu.memory_space<hbm>> -> memref<80x128xf32, #tpu.memory_space<hbm>>
    tpu.wait_dma2 semaphore(%arg18 : memref<!tpu.dma_semaphore, #tpu.memory_space<semaphore_mem>>) src(%arg12 : memref<80x128xf32, #tpu.memory_space<vmem>>) dst(%dma_wait3A_55 : memref<80x128xf32, #tpu.memory_space<hbm>>)
    %dma_wait3A_56 = arith.constant 0 : i32
    %dma_wait3A_57 = tpu.memref_slice %arg5[%mul3A_2, %dma_wait3A_56] : memref<320000x128xf32, #tpu.memory_space<hbm>> -> memref<80x128xf32, #tpu.memory_space<hbm>>
    %dma_wait3A_58 = arith.constant 0 : i32
    %dma_wait3A_59 = tpu.memref_slice %arg5[%mul3A_2, %dma_wait3A_58] : memref<320000x128xf32, #tpu.memory_space<hbm>> -> memref<80x128xf32, #tpu.memory_space<hbm>>
    tpu.wait_dma2 semaphore(%arg19 : memref<!tpu.dma_semaphore, #tpu.memory_space<semaphore_mem>>) src(%arg13 : memref<80x128xf32, #tpu.memory_space<vmem>>) dst(%dma_wait3A_59 : memref<80x128xf32, #tpu.memory_space<hbm>>)
    return
  }
}

#map = affine_map<(d0, d1) -> (0, 0)>
#map1 = affine_map<(d0, d1) -> (0)>
#map2 = affine_map<(d0, d1) -> (0, 0, 0)>
module attributes {stable_mosaic.version = 14 : i64} {
  func.func @k(%arg0: i32, %arg1: i32, %arg2: memref<10000x128xf32, #tpu.memory_space<hbm>>, %arg3: memref<640000xi32, #tpu.memory_space<hbm>>, %arg4: memref<10112x128xf32, #tpu.memory_space<hbm>>, %arg5: memref<2x10112x128xf32, #tpu.memory_space<hbm>>, %arg6: memref<80xi32, #tpu.memory_space<vmem>>, %arg7: memref<80xi32, #tpu.memory_space<vmem>>, %arg8: memref<80xi32, #tpu.memory_space<vmem>>, %arg9: memref<80xi32, #tpu.memory_space<vmem>>, %arg10: memref<80xi32, #tpu.memory_space<vmem>>, %arg11: memref<80xi32, #tpu.memory_space<vmem>>, %arg12: memref<80x128xf32, #tpu.memory_space<vmem>>, %arg13: memref<80x128xf32, #tpu.memory_space<vmem>>, %arg14: memref<80x128xf32, #tpu.memory_space<vmem>>, %arg15: memref<10112x128xf32, #tpu.memory_space<vmem_shared>>, %arg16: memref<!tpu.dma_semaphore, #tpu.memory_space<semaphore_mem>>, %arg17: memref<!tpu.dma_semaphore, #tpu.memory_space<semaphore_mem>>, %arg18: memref<!tpu.dma_semaphore, #tpu.memory_space<semaphore_mem>>) attributes {dimension_semantics = [#tpu.dimension_semantics<core_parallel>, #tpu.dimension_semantics<subcore_parallel>], iteration_bounds = array<i64: 2, 16>, scalar_prefetch = 0 : i64, scratch_operands = 13 : i64, tpu.core_type = #tpu.core_type<sc_vector_subcore>, window_params = [{transform_indices = #map}, {transform_indices = #map1}, {transform_indices = #map}, {transform_indices = #map2}]} {
    %mul3A = arith.constant 632 : i32
    %mul3A_0 = arith.muli %arg1, %mul3A : i32
    %mul3A_1 = arith.constant 16 : i32
    %mul3A_2 = arith.muli %arg0, %mul3A_1 : i32
    %add3A = arith.addi %mul3A_2, %arg1 : i32
    %mul3A_3 = arith.constant 10000 : i32
    %mul3A_4 = arith.muli %add3A, %mul3A_3 : i32
    %mul3A_5 = arith.constant 0 : i32
    %mul3A_6 = arith.muli %arg0, %mul3A_5 : i32
    "tpu.region"() ({
      %run_scoped3A = tpu.sem_alloc : memref<!tpu.dma_semaphore, #tpu.memory_space<semaphore_mem>>
      %dma_start3A_43 = arith.constant 0 : i32
      %dma_start3A_44 = tpu.memref_slice %arg15[%mul3A_0, %dma_start3A_43] : memref<10112x128xf32, #tpu.memory_space<vmem_shared>> -> memref<632x128xf32, #tpu.memory_space<vmem_shared>>
      %dma_start3A_45 = arith.constant 0 : i32
      %dma_start3A_46 = tpu.memref_slice %arg4[%mul3A_0, %dma_start3A_45] : memref<10112x128xf32, #tpu.memory_space<hbm>> -> memref<632x128xf32, #tpu.memory_space<hbm>>
      tpu.enqueue_dma source(%dma_start3A_46 : memref<632x128xf32, #tpu.memory_space<hbm>>) target(%dma_start3A_44 : memref<632x128xf32, #tpu.memory_space<vmem_shared>>) target_semaphore(%run_scoped3A : memref<!tpu.dma_semaphore, #tpu.memory_space<semaphore_mem>>)
      %dma_wait3A_47 = arith.constant 0 : i32
      %dma_wait3A_48 = tpu.memref_slice %arg15[%mul3A_0, %dma_wait3A_47] : memref<10112x128xf32, #tpu.memory_space<vmem_shared>> -> memref<632x128xf32, #tpu.memory_space<vmem_shared>>
      %dma_wait3A_49 = arith.constant 0 : i32
      %dma_wait3A_50 = tpu.memref_slice %arg4[%mul3A_0, %dma_wait3A_49] : memref<10112x128xf32, #tpu.memory_space<hbm>> -> memref<632x128xf32, #tpu.memory_space<hbm>>
      tpu.wait_dma2 semaphore(%run_scoped3A : memref<!tpu.dma_semaphore, #tpu.memory_space<semaphore_mem>>) src(%dma_wait3A_50 : memref<632x128xf32, #tpu.memory_space<hbm>>) dst(%dma_wait3A_48 : memref<632x128xf32, #tpu.memory_space<vmem_shared>>)
      tpu.yield
    }) : () -> ()
    %add3A_7 = arith.constant 0 : i32
    %add3A_8 = arith.addi %mul3A_4, %add3A_7 : i32
    "tpu.region"() ({
      %run_scoped3A = tpu.sem_alloc : memref<!tpu.dma_semaphore, #tpu.memory_space<semaphore_mem>>
      %dma_start3A_43 = tpu.memref_slice %arg3[%add3A_8] : memref<640000xi32, #tpu.memory_space<hbm>> -> memref<80xi32, #tpu.memory_space<hbm>>
      %dma_start3A_44 = tpu.memref_slice %arg3[%add3A_8] : memref<640000xi32, #tpu.memory_space<hbm>> -> memref<80xi32, #tpu.memory_space<hbm>>
      tpu.enqueue_dma source(%dma_start3A_44 : memref<80xi32, #tpu.memory_space<hbm>>) target(%arg6 : memref<80xi32, #tpu.memory_space<vmem>>) target_semaphore(%run_scoped3A : memref<!tpu.dma_semaphore, #tpu.memory_space<semaphore_mem>>)
      %dma_wait3A_45 = tpu.memref_slice %arg3[%add3A_8] : memref<640000xi32, #tpu.memory_space<hbm>> -> memref<80xi32, #tpu.memory_space<hbm>>
      %dma_wait3A_46 = tpu.memref_slice %arg3[%add3A_8] : memref<640000xi32, #tpu.memory_space<hbm>> -> memref<80xi32, #tpu.memory_space<hbm>>
      tpu.wait_dma2 semaphore(%run_scoped3A : memref<!tpu.dma_semaphore, #tpu.memory_space<semaphore_mem>>) src(%dma_wait3A_46 : memref<80xi32, #tpu.memory_space<hbm>>) dst(%arg6 : memref<80xi32, #tpu.memory_space<vmem>>)
      tpu.yield
    }) : () -> ()
    %add3A_9 = arith.constant 320000 : i32
    %add3A_10 = arith.addi %add3A_9, %mul3A_4 : i32
    %add3A_11 = arith.constant 0 : i32
    %add3A_12 = arith.addi %add3A_10, %add3A_11 : i32
    "tpu.region"() ({
      %run_scoped3A = tpu.sem_alloc : memref<!tpu.dma_semaphore, #tpu.memory_space<semaphore_mem>>
      %dma_start3A_43 = tpu.memref_slice %arg3[%add3A_12] : memref<640000xi32, #tpu.memory_space<hbm>> -> memref<80xi32, #tpu.memory_space<hbm>>
      %dma_start3A_44 = tpu.memref_slice %arg3[%add3A_12] : memref<640000xi32, #tpu.memory_space<hbm>> -> memref<80xi32, #tpu.memory_space<hbm>>
      tpu.enqueue_dma source(%dma_start3A_44 : memref<80xi32, #tpu.memory_space<hbm>>) target(%arg9 : memref<80xi32, #tpu.memory_space<vmem>>) target_semaphore(%run_scoped3A : memref<!tpu.dma_semaphore, #tpu.memory_space<semaphore_mem>>)
      %dma_wait3A_45 = tpu.memref_slice %arg3[%add3A_12] : memref<640000xi32, #tpu.memory_space<hbm>> -> memref<80xi32, #tpu.memory_space<hbm>>
      %dma_wait3A_46 = tpu.memref_slice %arg3[%add3A_12] : memref<640000xi32, #tpu.memory_space<hbm>> -> memref<80xi32, #tpu.memory_space<hbm>>
      tpu.wait_dma2 semaphore(%run_scoped3A : memref<!tpu.dma_semaphore, #tpu.memory_space<semaphore_mem>>) src(%dma_wait3A_46 : memref<80xi32, #tpu.memory_space<hbm>>) dst(%arg9 : memref<80xi32, #tpu.memory_space<vmem>>)
      tpu.yield
    }) : () -> ()
    %add3A_13 = arith.constant 80 : i32
    %add3A_14 = arith.addi %mul3A_4, %add3A_13 : i32
    "tpu.region"() ({
      %run_scoped3A = tpu.sem_alloc : memref<!tpu.dma_semaphore, #tpu.memory_space<semaphore_mem>>
      %dma_start3A_43 = tpu.memref_slice %arg3[%add3A_14] : memref<640000xi32, #tpu.memory_space<hbm>> -> memref<80xi32, #tpu.memory_space<hbm>>
      %dma_start3A_44 = tpu.memref_slice %arg3[%add3A_14] : memref<640000xi32, #tpu.memory_space<hbm>> -> memref<80xi32, #tpu.memory_space<hbm>>
      tpu.enqueue_dma source(%dma_start3A_44 : memref<80xi32, #tpu.memory_space<hbm>>) target(%arg7 : memref<80xi32, #tpu.memory_space<vmem>>) target_semaphore(%run_scoped3A : memref<!tpu.dma_semaphore, #tpu.memory_space<semaphore_mem>>)
      %dma_wait3A_45 = tpu.memref_slice %arg3[%add3A_14] : memref<640000xi32, #tpu.memory_space<hbm>> -> memref<80xi32, #tpu.memory_space<hbm>>
      %dma_wait3A_46 = tpu.memref_slice %arg3[%add3A_14] : memref<640000xi32, #tpu.memory_space<hbm>> -> memref<80xi32, #tpu.memory_space<hbm>>
      tpu.wait_dma2 semaphore(%run_scoped3A : memref<!tpu.dma_semaphore, #tpu.memory_space<semaphore_mem>>) src(%dma_wait3A_46 : memref<80xi32, #tpu.memory_space<hbm>>) dst(%arg7 : memref<80xi32, #tpu.memory_space<vmem>>)
      tpu.yield
    }) : () -> ()
    %add3A_15 = arith.constant 320000 : i32
    %add3A_16 = arith.addi %add3A_15, %mul3A_4 : i32
    %add3A_17 = arith.constant 80 : i32
    %add3A_18 = arith.addi %add3A_16, %add3A_17 : i32
    "tpu.region"() ({
      %run_scoped3A = tpu.sem_alloc : memref<!tpu.dma_semaphore, #tpu.memory_space<semaphore_mem>>
      %dma_start3A_43 = tpu.memref_slice %arg3[%add3A_18] : memref<640000xi32, #tpu.memory_space<hbm>> -> memref<80xi32, #tpu.memory_space<hbm>>
      %dma_start3A_44 = tpu.memref_slice %arg3[%add3A_18] : memref<640000xi32, #tpu.memory_space<hbm>> -> memref<80xi32, #tpu.memory_space<hbm>>
      tpu.enqueue_dma source(%dma_start3A_44 : memref<80xi32, #tpu.memory_space<hbm>>) target(%arg10 : memref<80xi32, #tpu.memory_space<vmem>>) target_semaphore(%run_scoped3A : memref<!tpu.dma_semaphore, #tpu.memory_space<semaphore_mem>>)
      %dma_wait3A_45 = tpu.memref_slice %arg3[%add3A_18] : memref<640000xi32, #tpu.memory_space<hbm>> -> memref<80xi32, #tpu.memory_space<hbm>>
      %dma_wait3A_46 = tpu.memref_slice %arg3[%add3A_18] : memref<640000xi32, #tpu.memory_space<hbm>> -> memref<80xi32, #tpu.memory_space<hbm>>
      tpu.wait_dma2 semaphore(%run_scoped3A : memref<!tpu.dma_semaphore, #tpu.memory_space<semaphore_mem>>) src(%dma_wait3A_46 : memref<80xi32, #tpu.memory_space<hbm>>) dst(%arg10 : memref<80xi32, #tpu.memory_space<vmem>>)
      tpu.yield
    }) : () -> ()
    %add3A_19 = arith.constant 160 : i32
    %add3A_20 = arith.addi %mul3A_4, %add3A_19 : i32
    "tpu.region"() ({
      %run_scoped3A = tpu.sem_alloc : memref<!tpu.dma_semaphore, #tpu.memory_space<semaphore_mem>>
      %dma_start3A_43 = tpu.memref_slice %arg3[%add3A_20] : memref<640000xi32, #tpu.memory_space<hbm>> -> memref<80xi32, #tpu.memory_space<hbm>>
      %dma_start3A_44 = tpu.memref_slice %arg3[%add3A_20] : memref<640000xi32, #tpu.memory_space<hbm>> -> memref<80xi32, #tpu.memory_space<hbm>>
      tpu.enqueue_dma source(%dma_start3A_44 : memref<80xi32, #tpu.memory_space<hbm>>) target(%arg8 : memref<80xi32, #tpu.memory_space<vmem>>) target_semaphore(%run_scoped3A : memref<!tpu.dma_semaphore, #tpu.memory_space<semaphore_mem>>)
      %dma_wait3A_45 = tpu.memref_slice %arg3[%add3A_20] : memref<640000xi32, #tpu.memory_space<hbm>> -> memref<80xi32, #tpu.memory_space<hbm>>
      %dma_wait3A_46 = tpu.memref_slice %arg3[%add3A_20] : memref<640000xi32, #tpu.memory_space<hbm>> -> memref<80xi32, #tpu.memory_space<hbm>>
      tpu.wait_dma2 semaphore(%run_scoped3A : memref<!tpu.dma_semaphore, #tpu.memory_space<semaphore_mem>>) src(%dma_wait3A_46 : memref<80xi32, #tpu.memory_space<hbm>>) dst(%arg8 : memref<80xi32, #tpu.memory_space<vmem>>)
      tpu.yield
    }) : () -> ()
    %add3A_21 = arith.constant 320000 : i32
    %add3A_22 = arith.addi %add3A_21, %mul3A_4 : i32
    %add3A_23 = arith.constant 160 : i32
    %add3A_24 = arith.addi %add3A_22, %add3A_23 : i32
    "tpu.region"() ({
      %run_scoped3A = tpu.sem_alloc : memref<!tpu.dma_semaphore, #tpu.memory_space<semaphore_mem>>
      %dma_start3A_43 = tpu.memref_slice %arg3[%add3A_24] : memref<640000xi32, #tpu.memory_space<hbm>> -> memref<80xi32, #tpu.memory_space<hbm>>
      %dma_start3A_44 = tpu.memref_slice %arg3[%add3A_24] : memref<640000xi32, #tpu.memory_space<hbm>> -> memref<80xi32, #tpu.memory_space<hbm>>
      tpu.enqueue_dma source(%dma_start3A_44 : memref<80xi32, #tpu.memory_space<hbm>>) target(%arg11 : memref<80xi32, #tpu.memory_space<vmem>>) target_semaphore(%run_scoped3A : memref<!tpu.dma_semaphore, #tpu.memory_space<semaphore_mem>>)
      %dma_wait3A_45 = tpu.memref_slice %arg3[%add3A_24] : memref<640000xi32, #tpu.memory_space<hbm>> -> memref<80xi32, #tpu.memory_space<hbm>>
      %dma_wait3A_46 = tpu.memref_slice %arg3[%add3A_24] : memref<640000xi32, #tpu.memory_space<hbm>> -> memref<80xi32, #tpu.memory_space<hbm>>
      tpu.wait_dma2 semaphore(%run_scoped3A : memref<!tpu.dma_semaphore, #tpu.memory_space<semaphore_mem>>) src(%dma_wait3A_46 : memref<80xi32, #tpu.memory_space<hbm>>) dst(%arg11 : memref<80xi32, #tpu.memory_space<vmem>>)
      tpu.yield
    }) : () -> ()
    %barrier3A = arith.constant 0 : index
    tpu.barrier barrier_id(%barrier3A)
    %dma_start3A = arith.constant 0 : i32
    %dma_start3A_25 = arith.constant 0 : i32
    %dma_start3A_26 = tpu.memref_slice %arg2[%dma_start3A, %dma_start3A_25] : memref<10000x128xf32, #tpu.memory_space<hbm>> -> memref<10000x128xf32, #tpu.memory_space<hbm>>
    tpu.enqueue_indirect_dma source(%dma_start3A_26 : memref<10000x128xf32, #tpu.memory_space<hbm>>) target(%arg12 : memref<80x128xf32, #tpu.memory_space<vmem>>) offsets(%arg6 : memref<80xi32, #tpu.memory_space<vmem>>) semaphore(%arg16 : memref<!tpu.dma_semaphore, #tpu.memory_space<semaphore_mem>>)
    %dma_start3A_27 = arith.constant 0 : i32
    %dma_start3A_28 = arith.constant 0 : i32
    %dma_start3A_29 = tpu.memref_slice %arg2[%dma_start3A_27, %dma_start3A_28] : memref<10000x128xf32, #tpu.memory_space<hbm>> -> memref<10000x128xf32, #tpu.memory_space<hbm>>
    tpu.enqueue_indirect_dma source(%dma_start3A_29 : memref<10000x128xf32, #tpu.memory_space<hbm>>) target(%arg13 : memref<80x128xf32, #tpu.memory_space<vmem>>) offsets(%arg7 : memref<80xi32, #tpu.memory_space<vmem>>) semaphore(%arg17 : memref<!tpu.dma_semaphore, #tpu.memory_space<semaphore_mem>>)
    %dma_start3A_30 = arith.constant 0 : i32
    %dma_start3A_31 = arith.constant 0 : i32
    %dma_start3A_32 = tpu.memref_slice %arg2[%dma_start3A_30, %dma_start3A_31] : memref<10000x128xf32, #tpu.memory_space<hbm>> -> memref<10000x128xf32, #tpu.memory_space<hbm>>
    tpu.enqueue_indirect_dma source(%dma_start3A_32 : memref<10000x128xf32, #tpu.memory_space<hbm>>) target(%arg14 : memref<80x128xf32, #tpu.memory_space<vmem>>) offsets(%arg8 : memref<80xi32, #tpu.memory_space<vmem>>) semaphore(%arg18 : memref<!tpu.dma_semaphore, #tpu.memory_space<semaphore_mem>>)
    %scan3A = arith.constant 0 : i32
    %scan3A_33 = arith.constant 41 : i32
    %scan3A_34 = arith.addi %scan3A, %scan3A_33 : i32
    %scan3A_35 = arith.constant 1 : i32
    scf.for %scan3A_43 = %scan3A to %scan3A_34 step %scan3A_35  : i32 {
      %mul3A_44 = arith.constant 3 : i32
      %mul3A_45 = arith.muli %scan3A_43, %mul3A_44 : i32
      %add3A_46 = arith.constant 0 : i32
      %add3A_47 = arith.addi %mul3A_45, %add3A_46 : i32
      %dma_wait3A_48 = arith.constant 0 : i32
      %dma_wait3A_49 = arith.constant 0 : i32
      %dma_wait3A_50 = tpu.memref_slice %arg2[%dma_wait3A_48, %dma_wait3A_49] : memref<10000x128xf32, #tpu.memory_space<hbm>> -> memref<10000x128xf32, #tpu.memory_space<hbm>>
      tpu.wait_indirect_dma semaphore(%arg16 : memref<!tpu.dma_semaphore, #tpu.memory_space<semaphore_mem>>) src(%dma_wait3A_50 : memref<10000x128xf32, #tpu.memory_space<hbm>>) dst(%arg12 : memref<80x128xf32, #tpu.memory_space<vmem>>)
      "tpu.region"() ({
        %run_scoped3A = tpu.sem_alloc : memref<!tpu.dma_semaphore, #tpu.memory_space<semaphore_mem>>
        %dma_start3A_83 = arith.constant 0 : i32
        %dma_start3A_84 = arith.constant 0 : i32
        %dma_start3A_85 = tpu.memref_slice %arg15[%dma_start3A_83, %dma_start3A_84] : memref<10112x128xf32, #tpu.memory_space<vmem_shared>> -> memref<10112x128xf32, #tpu.memory_space<vmem_shared>>
        tpu.enqueue_indirect_dma source(%arg12 : memref<80x128xf32, #tpu.memory_space<vmem>>) target(%dma_start3A_85 : memref<10112x128xf32, #tpu.memory_space<vmem_shared>>) offsets(%arg9 : memref<80xi32, #tpu.memory_space<vmem>>) semaphore(%run_scoped3A : memref<!tpu.dma_semaphore, #tpu.memory_space<semaphore_mem>>) {add = true}
        %dma_wait3A_86 = arith.constant 0 : i32
        %dma_wait3A_87 = arith.constant 0 : i32
        %dma_wait3A_88 = tpu.memref_slice %arg15[%dma_wait3A_86, %dma_wait3A_87] : memref<10112x128xf32, #tpu.memory_space<vmem_shared>> -> memref<10112x128xf32, #tpu.memory_space<vmem_shared>>
        tpu.wait_indirect_dma semaphore(%run_scoped3A : memref<!tpu.dma_semaphore, #tpu.memory_space<semaphore_mem>>) src(%arg12 : memref<80x128xf32, #tpu.memory_space<vmem>>) dst(%dma_wait3A_88 : memref<10112x128xf32, #tpu.memory_space<vmem_shared>>)
        tpu.yield
      }) : () -> ()
      %add3A_51 = arith.constant 3 : i32
      %add3A_52 = arith.addi %add3A_47, %add3A_51 : i32
      %lt3A = arith.constant 125 : i32
      %lt3A_53 = arith.cmpi slt, %add3A_52, %lt3A : i32
      %convert_element_type3A = arith.extui %lt3A_53 : i1 to i32
      %cond3A = arith.constant 0 : i32
      %cond3A_54 = arith.cmpi ne, %convert_element_type3A, %cond3A : i32
      scf.if %cond3A_54 {
        %add3A_83 = arith.constant 3 : i32
        %add3A_84 = arith.addi %add3A_47, %add3A_83 : i32
        %mul3A_85 = arith.constant 80 : i32
        %mul3A_86 = arith.muli %add3A_84, %mul3A_85 : i32
        %add3A_87 = arith.addi %mul3A_4, %mul3A_86 : i32
        "tpu.region"() ({
          %run_scoped3A = tpu.sem_alloc : memref<!tpu.dma_semaphore, #tpu.memory_space<semaphore_mem>>
          %dma_start3A_96 = tpu.memref_slice %arg3[%add3A_87] : memref<640000xi32, #tpu.memory_space<hbm>> -> memref<80xi32, #tpu.memory_space<hbm>>
          %dma_start3A_97 = tpu.memref_slice %arg3[%add3A_87] : memref<640000xi32, #tpu.memory_space<hbm>> -> memref<80xi32, #tpu.memory_space<hbm>>
          tpu.enqueue_dma source(%dma_start3A_97 : memref<80xi32, #tpu.memory_space<hbm>>) target(%arg6 : memref<80xi32, #tpu.memory_space<vmem>>) target_semaphore(%run_scoped3A : memref<!tpu.dma_semaphore, #tpu.memory_space<semaphore_mem>>)
          %dma_wait3A_98 = tpu.memref_slice %arg3[%add3A_87] : memref<640000xi32, #tpu.memory_space<hbm>> -> memref<80xi32, #tpu.memory_space<hbm>>
          %dma_wait3A_99 = tpu.memref_slice %arg3[%add3A_87] : memref<640000xi32, #tpu.memory_space<hbm>> -> memref<80xi32, #tpu.memory_space<hbm>>
          tpu.wait_dma2 semaphore(%run_scoped3A : memref<!tpu.dma_semaphore, #tpu.memory_space<semaphore_mem>>) src(%dma_wait3A_99 : memref<80xi32, #tpu.memory_space<hbm>>) dst(%arg6 : memref<80xi32, #tpu.memory_space<vmem>>)
          tpu.yield
        }) : () -> ()
        %add3A_88 = arith.constant 320000 : i32
        %add3A_89 = arith.addi %add3A_88, %mul3A_4 : i32
        %mul3A_90 = arith.constant 80 : i32
        %mul3A_91 = arith.muli %add3A_84, %mul3A_90 : i32
        %add3A_92 = arith.addi %add3A_89, %mul3A_91 : i32
        "tpu.region"() ({
          %run_scoped3A = tpu.sem_alloc : memref<!tpu.dma_semaphore, #tpu.memory_space<semaphore_mem>>
          %dma_start3A_96 = tpu.memref_slice %arg3[%add3A_92] : memref<640000xi32, #tpu.memory_space<hbm>> -> memref<80xi32, #tpu.memory_space<hbm>>
          %dma_start3A_97 = tpu.memref_slice %arg3[%add3A_92] : memref<640000xi32, #tpu.memory_space<hbm>> -> memref<80xi32, #tpu.memory_space<hbm>>
          tpu.enqueue_dma source(%dma_start3A_97 : memref<80xi32, #tpu.memory_space<hbm>>) target(%arg9 : memref<80xi32, #tpu.memory_space<vmem>>) target_semaphore(%run_scoped3A : memref<!tpu.dma_semaphore, #tpu.memory_space<semaphore_mem>>)
          %dma_wait3A_98 = tpu.memref_slice %arg3[%add3A_92] : memref<640000xi32, #tpu.memory_space<hbm>> -> memref<80xi32, #tpu.memory_space<hbm>>
          %dma_wait3A_99 = tpu.memref_slice %arg3[%add3A_92] : memref<640000xi32, #tpu.memory_space<hbm>> -> memref<80xi32, #tpu.memory_space<hbm>>
          tpu.wait_dma2 semaphore(%run_scoped3A : memref<!tpu.dma_semaphore, #tpu.memory_space<semaphore_mem>>) src(%dma_wait3A_99 : memref<80xi32, #tpu.memory_space<hbm>>) dst(%arg9 : memref<80xi32, #tpu.memory_space<vmem>>)
          tpu.yield
        }) : () -> ()
        %dma_start3A_93 = arith.constant 0 : i32
        %dma_start3A_94 = arith.constant 0 : i32
        %dma_start3A_95 = tpu.memref_slice %arg2[%dma_start3A_93, %dma_start3A_94] : memref<10000x128xf32, #tpu.memory_space<hbm>> -> memref<10000x128xf32, #tpu.memory_space<hbm>>
        tpu.enqueue_indirect_dma source(%dma_start3A_95 : memref<10000x128xf32, #tpu.memory_space<hbm>>) target(%arg12 : memref<80x128xf32, #tpu.memory_space<vmem>>) offsets(%arg6 : memref<80xi32, #tpu.memory_space<vmem>>) semaphore(%arg16 : memref<!tpu.dma_semaphore, #tpu.memory_space<semaphore_mem>>)
      } else {
      }
      %mul3A_55 = arith.constant 3 : i32
      %mul3A_56 = arith.muli %scan3A_43, %mul3A_55 : i32
      %add3A_57 = arith.constant 1 : i32
      %add3A_58 = arith.addi %mul3A_56, %add3A_57 : i32
      %dma_wait3A_59 = arith.constant 0 : i32
      %dma_wait3A_60 = arith.constant 0 : i32
      %dma_wait3A_61 = tpu.memref_slice %arg2[%dma_wait3A_59, %dma_wait3A_60] : memref<10000x128xf32, #tpu.memory_space<hbm>> -> memref<10000x128xf32, #tpu.memory_space<hbm>>
      tpu.wait_indirect_dma semaphore(%arg17 : memref<!tpu.dma_semaphore, #tpu.memory_space<semaphore_mem>>) src(%dma_wait3A_61 : memref<10000x128xf32, #tpu.memory_space<hbm>>) dst(%arg13 : memref<80x128xf32, #tpu.memory_space<vmem>>)
      "tpu.region"() ({
        %run_scoped3A = tpu.sem_alloc : memref<!tpu.dma_semaphore, #tpu.memory_space<semaphore_mem>>
        %dma_start3A_83 = arith.constant 0 : i32
        %dma_start3A_84 = arith.constant 0 : i32
        %dma_start3A_85 = tpu.memref_slice %arg15[%dma_start3A_83, %dma_start3A_84] : memref<10112x128xf32, #tpu.memory_space<vmem_shared>> -> memref<10112x128xf32, #tpu.memory_space<vmem_shared>>
        tpu.enqueue_indirect_dma source(%arg13 : memref<80x128xf32, #tpu.memory_space<vmem>>) target(%dma_start3A_85 : memref<10112x128xf32, #tpu.memory_space<vmem_shared>>) offsets(%arg10 : memref<80xi32, #tpu.memory_space<vmem>>) semaphore(%run_scoped3A : memref<!tpu.dma_semaphore, #tpu.memory_space<semaphore_mem>>) {add = true}
        %dma_wait3A_86 = arith.constant 0 : i32
        %dma_wait3A_87 = arith.constant 0 : i32
        %dma_wait3A_88 = tpu.memref_slice %arg15[%dma_wait3A_86, %dma_wait3A_87] : memref<10112x128xf32, #tpu.memory_space<vmem_shared>> -> memref<10112x128xf32, #tpu.memory_space<vmem_shared>>
        tpu.wait_indirect_dma semaphore(%run_scoped3A : memref<!tpu.dma_semaphore, #tpu.memory_space<semaphore_mem>>) src(%arg13 : memref<80x128xf32, #tpu.memory_space<vmem>>) dst(%dma_wait3A_88 : memref<10112x128xf32, #tpu.memory_space<vmem_shared>>)
        tpu.yield
      }) : () -> ()
      %add3A_62 = arith.constant 3 : i32
      %add3A_63 = arith.addi %add3A_58, %add3A_62 : i32
      %lt3A_64 = arith.constant 125 : i32
      %lt3A_65 = arith.cmpi slt, %add3A_63, %lt3A_64 : i32
      %convert_element_type3A_66 = arith.extui %lt3A_65 : i1 to i32
      %cond3A_67 = arith.constant 0 : i32
      %cond3A_68 = arith.cmpi ne, %convert_element_type3A_66, %cond3A_67 : i32
      scf.if %cond3A_68 {
        %add3A_83 = arith.constant 3 : i32
        %add3A_84 = arith.addi %add3A_58, %add3A_83 : i32
        %mul3A_85 = arith.constant 80 : i32
        %mul3A_86 = arith.muli %add3A_84, %mul3A_85 : i32
        %add3A_87 = arith.addi %mul3A_4, %mul3A_86 : i32
        "tpu.region"() ({
          %run_scoped3A = tpu.sem_alloc : memref<!tpu.dma_semaphore, #tpu.memory_space<semaphore_mem>>
          %dma_start3A_96 = tpu.memref_slice %arg3[%add3A_87] : memref<640000xi32, #tpu.memory_space<hbm>> -> memref<80xi32, #tpu.memory_space<hbm>>
          %dma_start3A_97 = tpu.memref_slice %arg3[%add3A_87] : memref<640000xi32, #tpu.memory_space<hbm>> -> memref<80xi32, #tpu.memory_space<hbm>>
          tpu.enqueue_dma source(%dma_start3A_97 : memref<80xi32, #tpu.memory_space<hbm>>) target(%arg7 : memref<80xi32, #tpu.memory_space<vmem>>) target_semaphore(%run_scoped3A : memref<!tpu.dma_semaphore, #tpu.memory_space<semaphore_mem>>)
          %dma_wait3A_98 = tpu.memref_slice %arg3[%add3A_87] : memref<640000xi32, #tpu.memory_space<hbm>> -> memref<80xi32, #tpu.memory_space<hbm>>
          %dma_wait3A_99 = tpu.memref_slice %arg3[%add3A_87] : memref<640000xi32, #tpu.memory_space<hbm>> -> memref<80xi32, #tpu.memory_space<hbm>>
          tpu.wait_dma2 semaphore(%run_scoped3A : memref<!tpu.dma_semaphore, #tpu.memory_space<semaphore_mem>>) src(%dma_wait3A_99 : memref<80xi32, #tpu.memory_space<hbm>>) dst(%arg7 : memref<80xi32, #tpu.memory_space<vmem>>)
          tpu.yield
        }) : () -> ()
        %add3A_88 = arith.constant 320000 : i32
        %add3A_89 = arith.addi %add3A_88, %mul3A_4 : i32
        %mul3A_90 = arith.constant 80 : i32
        %mul3A_91 = arith.muli %add3A_84, %mul3A_90 : i32
        %add3A_92 = arith.addi %add3A_89, %mul3A_91 : i32
        "tpu.region"() ({
          %run_scoped3A = tpu.sem_alloc : memref<!tpu.dma_semaphore, #tpu.memory_space<semaphore_mem>>
          %dma_start3A_96 = tpu.memref_slice %arg3[%add3A_92] : memref<640000xi32, #tpu.memory_space<hbm>> -> memref<80xi32, #tpu.memory_space<hbm>>
          %dma_start3A_97 = tpu.memref_slice %arg3[%add3A_92] : memref<640000xi32, #tpu.memory_space<hbm>> -> memref<80xi32, #tpu.memory_space<hbm>>
          tpu.enqueue_dma source(%dma_start3A_97 : memref<80xi32, #tpu.memory_space<hbm>>) target(%arg10 : memref<80xi32, #tpu.memory_space<vmem>>) target_semaphore(%run_scoped3A : memref<!tpu.dma_semaphore, #tpu.memory_space<semaphore_mem>>)
          %dma_wait3A_98 = tpu.memref_slice %arg3[%add3A_92] : memref<640000xi32, #tpu.memory_space<hbm>> -> memref<80xi32, #tpu.memory_space<hbm>>
          %dma_wait3A_99 = tpu.memref_slice %arg3[%add3A_92] : memref<640000xi32, #tpu.memory_space<hbm>> -> memref<80xi32, #tpu.memory_space<hbm>>
          tpu.wait_dma2 semaphore(%run_scoped3A : memref<!tpu.dma_semaphore, #tpu.memory_space<semaphore_mem>>) src(%dma_wait3A_99 : memref<80xi32, #tpu.memory_space<hbm>>) dst(%arg10 : memref<80xi32, #tpu.memory_space<vmem>>)
          tpu.yield
        }) : () -> ()
        %dma_start3A_93 = arith.constant 0 : i32
        %dma_start3A_94 = arith.constant 0 : i32
        %dma_start3A_95 = tpu.memref_slice %arg2[%dma_start3A_93, %dma_start3A_94] : memref<10000x128xf32, #tpu.memory_space<hbm>> -> memref<10000x128xf32, #tpu.memory_space<hbm>>
        tpu.enqueue_indirect_dma source(%dma_start3A_95 : memref<10000x128xf32, #tpu.memory_space<hbm>>) target(%arg13 : memref<80x128xf32, #tpu.memory_space<vmem>>) offsets(%arg7 : memref<80xi32, #tpu.memory_space<vmem>>) semaphore(%arg17 : memref<!tpu.dma_semaphore, #tpu.memory_space<semaphore_mem>>)
      } else {
      }
      %mul3A_69 = arith.constant 3 : i32
      %mul3A_70 = arith.muli %scan3A_43, %mul3A_69 : i32
      %add3A_71 = arith.constant 2 : i32
      %add3A_72 = arith.addi %mul3A_70, %add3A_71 : i32
      %dma_wait3A_73 = arith.constant 0 : i32
      %dma_wait3A_74 = arith.constant 0 : i32
      %dma_wait3A_75 = tpu.memref_slice %arg2[%dma_wait3A_73, %dma_wait3A_74] : memref<10000x128xf32, #tpu.memory_space<hbm>> -> memref<10000x128xf32, #tpu.memory_space<hbm>>
      tpu.wait_indirect_dma semaphore(%arg18 : memref<!tpu.dma_semaphore, #tpu.memory_space<semaphore_mem>>) src(%dma_wait3A_75 : memref<10000x128xf32, #tpu.memory_space<hbm>>) dst(%arg14 : memref<80x128xf32, #tpu.memory_space<vmem>>)
      "tpu.region"() ({
        %run_scoped3A = tpu.sem_alloc : memref<!tpu.dma_semaphore, #tpu.memory_space<semaphore_mem>>
        %dma_start3A_83 = arith.constant 0 : i32
        %dma_start3A_84 = arith.constant 0 : i32
        %dma_start3A_85 = tpu.memref_slice %arg15[%dma_start3A_83, %dma_start3A_84] : memref<10112x128xf32, #tpu.memory_space<vmem_shared>> -> memref<10112x128xf32, #tpu.memory_space<vmem_shared>>
        tpu.enqueue_indirect_dma source(%arg14 : memref<80x128xf32, #tpu.memory_space<vmem>>) target(%dma_start3A_85 : memref<10112x128xf32, #tpu.memory_space<vmem_shared>>) offsets(%arg11 : memref<80xi32, #tpu.memory_space<vmem>>) semaphore(%run_scoped3A : memref<!tpu.dma_semaphore, #tpu.memory_space<semaphore_mem>>) {add = true}
        %dma_wait3A_86 = arith.constant 0 : i32
        %dma_wait3A_87 = arith.constant 0 : i32
        %dma_wait3A_88 = tpu.memref_slice %arg15[%dma_wait3A_86, %dma_wait3A_87] : memref<10112x128xf32, #tpu.memory_space<vmem_shared>> -> memref<10112x128xf32, #tpu.memory_space<vmem_shared>>
        tpu.wait_indirect_dma semaphore(%run_scoped3A : memref<!tpu.dma_semaphore, #tpu.memory_space<semaphore_mem>>) src(%arg14 : memref<80x128xf32, #tpu.memory_space<vmem>>) dst(%dma_wait3A_88 : memref<10112x128xf32, #tpu.memory_space<vmem_shared>>)
        tpu.yield
      }) : () -> ()
      %add3A_76 = arith.constant 3 : i32
      %add3A_77 = arith.addi %add3A_72, %add3A_76 : i32
      %lt3A_78 = arith.constant 125 : i32
      %lt3A_79 = arith.cmpi slt, %add3A_77, %lt3A_78 : i32
      %convert_element_type3A_80 = arith.extui %lt3A_79 : i1 to i32
      %cond3A_81 = arith.constant 0 : i32
      %cond3A_82 = arith.cmpi ne, %convert_element_type3A_80, %cond3A_81 : i32
      scf.if %cond3A_82 {
        %add3A_83 = arith.constant 3 : i32
        %add3A_84 = arith.addi %add3A_72, %add3A_83 : i32
        %mul3A_85 = arith.constant 80 : i32
        %mul3A_86 = arith.muli %add3A_84, %mul3A_85 : i32
        %add3A_87 = arith.addi %mul3A_4, %mul3A_86 : i32
        "tpu.region"() ({
          %run_scoped3A = tpu.sem_alloc : memref<!tpu.dma_semaphore, #tpu.memory_space<semaphore_mem>>
          %dma_start3A_96 = tpu.memref_slice %arg3[%add3A_87] : memref<640000xi32, #tpu.memory_space<hbm>> -> memref<80xi32, #tpu.memory_space<hbm>>
          %dma_start3A_97 = tpu.memref_slice %arg3[%add3A_87] : memref<640000xi32, #tpu.memory_space<hbm>> -> memref<80xi32, #tpu.memory_space<hbm>>
          tpu.enqueue_dma source(%dma_start3A_97 : memref<80xi32, #tpu.memory_space<hbm>>) target(%arg8 : memref<80xi32, #tpu.memory_space<vmem>>) target_semaphore(%run_scoped3A : memref<!tpu.dma_semaphore, #tpu.memory_space<semaphore_mem>>)
          %dma_wait3A_98 = tpu.memref_slice %arg3[%add3A_87] : memref<640000xi32, #tpu.memory_space<hbm>> -> memref<80xi32, #tpu.memory_space<hbm>>
          %dma_wait3A_99 = tpu.memref_slice %arg3[%add3A_87] : memref<640000xi32, #tpu.memory_space<hbm>> -> memref<80xi32, #tpu.memory_space<hbm>>
          tpu.wait_dma2 semaphore(%run_scoped3A : memref<!tpu.dma_semaphore, #tpu.memory_space<semaphore_mem>>) src(%dma_wait3A_99 : memref<80xi32, #tpu.memory_space<hbm>>) dst(%arg8 : memref<80xi32, #tpu.memory_space<vmem>>)
          tpu.yield
        }) : () -> ()
        %add3A_88 = arith.constant 320000 : i32
        %add3A_89 = arith.addi %add3A_88, %mul3A_4 : i32
        %mul3A_90 = arith.constant 80 : i32
        %mul3A_91 = arith.muli %add3A_84, %mul3A_90 : i32
        %add3A_92 = arith.addi %add3A_89, %mul3A_91 : i32
        "tpu.region"() ({
          %run_scoped3A = tpu.sem_alloc : memref<!tpu.dma_semaphore, #tpu.memory_space<semaphore_mem>>
          %dma_start3A_96 = tpu.memref_slice %arg3[%add3A_92] : memref<640000xi32, #tpu.memory_space<hbm>> -> memref<80xi32, #tpu.memory_space<hbm>>
          %dma_start3A_97 = tpu.memref_slice %arg3[%add3A_92] : memref<640000xi32, #tpu.memory_space<hbm>> -> memref<80xi32, #tpu.memory_space<hbm>>
          tpu.enqueue_dma source(%dma_start3A_97 : memref<80xi32, #tpu.memory_space<hbm>>) target(%arg11 : memref<80xi32, #tpu.memory_space<vmem>>) target_semaphore(%run_scoped3A : memref<!tpu.dma_semaphore, #tpu.memory_space<semaphore_mem>>)
          %dma_wait3A_98 = tpu.memref_slice %arg3[%add3A_92] : memref<640000xi32, #tpu.memory_space<hbm>> -> memref<80xi32, #tpu.memory_space<hbm>>
          %dma_wait3A_99 = tpu.memref_slice %arg3[%add3A_92] : memref<640000xi32, #tpu.memory_space<hbm>> -> memref<80xi32, #tpu.memory_space<hbm>>
          tpu.wait_dma2 semaphore(%run_scoped3A : memref<!tpu.dma_semaphore, #tpu.memory_space<semaphore_mem>>) src(%dma_wait3A_99 : memref<80xi32, #tpu.memory_space<hbm>>) dst(%arg11 : memref<80xi32, #tpu.memory_space<vmem>>)
          tpu.yield
        }) : () -> ()
        %dma_start3A_93 = arith.constant 0 : i32
        %dma_start3A_94 = arith.constant 0 : i32
        %dma_start3A_95 = tpu.memref_slice %arg2[%dma_start3A_93, %dma_start3A_94] : memref<10000x128xf32, #tpu.memory_space<hbm>> -> memref<10000x128xf32, #tpu.memory_space<hbm>>
        tpu.enqueue_indirect_dma source(%dma_start3A_95 : memref<10000x128xf32, #tpu.memory_space<hbm>>) target(%arg14 : memref<80x128xf32, #tpu.memory_space<vmem>>) offsets(%arg8 : memref<80xi32, #tpu.memory_space<vmem>>) semaphore(%arg18 : memref<!tpu.dma_semaphore, #tpu.memory_space<semaphore_mem>>)
      } else {
      }
    }
    %scan3A_36 = arith.constant 41 : i32
    %dma_wait3A = arith.constant 0 : i32
    %dma_wait3A_37 = arith.constant 0 : i32
    %dma_wait3A_38 = tpu.memref_slice %arg2[%dma_wait3A, %dma_wait3A_37] : memref<10000x128xf32, #tpu.memory_space<hbm>> -> memref<10000x128xf32, #tpu.memory_space<hbm>>
    tpu.wait_indirect_dma semaphore(%arg16 : memref<!tpu.dma_semaphore, #tpu.memory_space<semaphore_mem>>) src(%dma_wait3A_38 : memref<10000x128xf32, #tpu.memory_space<hbm>>) dst(%arg12 : memref<80x128xf32, #tpu.memory_space<vmem>>)
    "tpu.region"() ({
      %run_scoped3A = tpu.sem_alloc : memref<!tpu.dma_semaphore, #tpu.memory_space<semaphore_mem>>
      %dma_start3A_43 = arith.constant 0 : i32
      %dma_start3A_44 = arith.constant 0 : i32
      %dma_start3A_45 = tpu.memref_slice %arg15[%dma_start3A_43, %dma_start3A_44] : memref<10112x128xf32, #tpu.memory_space<vmem_shared>> -> memref<10112x128xf32, #tpu.memory_space<vmem_shared>>
      tpu.enqueue_indirect_dma source(%arg12 : memref<80x128xf32, #tpu.memory_space<vmem>>) target(%dma_start3A_45 : memref<10112x128xf32, #tpu.memory_space<vmem_shared>>) offsets(%arg9 : memref<80xi32, #tpu.memory_space<vmem>>) semaphore(%run_scoped3A : memref<!tpu.dma_semaphore, #tpu.memory_space<semaphore_mem>>) {add = true}
      %dma_wait3A_46 = arith.constant 0 : i32
      %dma_wait3A_47 = arith.constant 0 : i32
      %dma_wait3A_48 = tpu.memref_slice %arg15[%dma_wait3A_46, %dma_wait3A_47] : memref<10112x128xf32, #tpu.memory_space<vmem_shared>> -> memref<10112x128xf32, #tpu.memory_space<vmem_shared>>
      tpu.wait_indirect_dma semaphore(%run_scoped3A : memref<!tpu.dma_semaphore, #tpu.memory_space<semaphore_mem>>) src(%arg12 : memref<80x128xf32, #tpu.memory_space<vmem>>) dst(%dma_wait3A_48 : memref<10112x128xf32, #tpu.memory_space<vmem_shared>>)
      tpu.yield
    }) : () -> ()
    %dma_wait3A_39 = arith.constant 0 : i32
    %dma_wait3A_40 = arith.constant 0 : i32
    %dma_wait3A_41 = tpu.memref_slice %arg2[%dma_wait3A_39, %dma_wait3A_40] : memref<10000x128xf32, #tpu.memory_space<hbm>> -> memref<10000x128xf32, #tpu.memory_space<hbm>>
    tpu.wait_indirect_dma semaphore(%arg17 : memref<!tpu.dma_semaphore, #tpu.memory_space<semaphore_mem>>) src(%dma_wait3A_41 : memref<10000x128xf32, #tpu.memory_space<hbm>>) dst(%arg13 : memref<80x128xf32, #tpu.memory_space<vmem>>)
    "tpu.region"() ({
      %run_scoped3A = tpu.sem_alloc : memref<!tpu.dma_semaphore, #tpu.memory_space<semaphore_mem>>
      %dma_start3A_43 = arith.constant 0 : i32
      %dma_start3A_44 = arith.constant 0 : i32
      %dma_start3A_45 = tpu.memref_slice %arg15[%dma_start3A_43, %dma_start3A_44] : memref<10112x128xf32, #tpu.memory_space<vmem_shared>> -> memref<10112x128xf32, #tpu.memory_space<vmem_shared>>
      tpu.enqueue_indirect_dma source(%arg13 : memref<80x128xf32, #tpu.memory_space<vmem>>) target(%dma_start3A_45 : memref<10112x128xf32, #tpu.memory_space<vmem_shared>>) offsets(%arg10 : memref<80xi32, #tpu.memory_space<vmem>>) semaphore(%run_scoped3A : memref<!tpu.dma_semaphore, #tpu.memory_space<semaphore_mem>>) {add = true}
      %dma_wait3A_46 = arith.constant 0 : i32
      %dma_wait3A_47 = arith.constant 0 : i32
      %dma_wait3A_48 = tpu.memref_slice %arg15[%dma_wait3A_46, %dma_wait3A_47] : memref<10112x128xf32, #tpu.memory_space<vmem_shared>> -> memref<10112x128xf32, #tpu.memory_space<vmem_shared>>
      tpu.wait_indirect_dma semaphore(%run_scoped3A : memref<!tpu.dma_semaphore, #tpu.memory_space<semaphore_mem>>) src(%arg13 : memref<80x128xf32, #tpu.memory_space<vmem>>) dst(%dma_wait3A_48 : memref<10112x128xf32, #tpu.memory_space<vmem_shared>>)
      tpu.yield
    }) : () -> ()
    %barrier3A_42 = arith.constant 0 : index
    tpu.barrier barrier_id(%barrier3A_42)
    "tpu.region"() ({
      %run_scoped3A = tpu.sem_alloc : memref<!tpu.dma_semaphore, #tpu.memory_space<semaphore_mem>>
      %dma_start3A_43 = arith.constant 0 : i32
      %dma_start3A_44 = tpu.memref_slice %arg5[%arg0, %mul3A_0, %dma_start3A_43] : memref<2x10112x128xf32, #tpu.memory_space<hbm>> -> memref<1x632x128xf32, #tpu.memory_space<hbm>>
      %dma_start3A_45 = tpu.memref_squeeze %dma_start3A_44 : memref<1x632x128xf32, #tpu.memory_space<hbm>> -> memref<632x128xf32, #tpu.memory_space<hbm>>
      %dma_start3A_46 = arith.constant 0 : i32
      %dma_start3A_47 = tpu.memref_slice %arg15[%mul3A_0, %dma_start3A_46] : memref<10112x128xf32, #tpu.memory_space<vmem_shared>> -> memref<632x128xf32, #tpu.memory_space<vmem_shared>>
      tpu.enqueue_dma source(%dma_start3A_47 : memref<632x128xf32, #tpu.memory_space<vmem_shared>>) target(%dma_start3A_45 : memref<632x128xf32, #tpu.memory_space<hbm>>) target_semaphore(%run_scoped3A : memref<!tpu.dma_semaphore, #tpu.memory_space<semaphore_mem>>)
      %dma_wait3A_48 = arith.constant 0 : i32
      %dma_wait3A_49 = tpu.memref_slice %arg5[%arg0, %mul3A_0, %dma_wait3A_48] : memref<2x10112x128xf32, #tpu.memory_space<hbm>> -> memref<1x632x128xf32, #tpu.memory_space<hbm>>
      %dma_wait3A_50 = tpu.memref_squeeze %dma_wait3A_49 : memref<1x632x128xf32, #tpu.memory_space<hbm>> -> memref<632x128xf32, #tpu.memory_space<hbm>>
      %dma_wait3A_51 = arith.constant 0 : i32
      %dma_wait3A_52 = tpu.memref_slice %arg15[%mul3A_0, %dma_wait3A_51] : memref<10112x128xf32, #tpu.memory_space<vmem_shared>> -> memref<632x128xf32, #tpu.memory_space<vmem_shared>>
      tpu.wait_dma2 semaphore(%run_scoped3A : memref<!tpu.dma_semaphore, #tpu.memory_space<semaphore_mem>>) src(%dma_wait3A_52 : memref<632x128xf32, #tpu.memory_space<vmem_shared>>) dst(%dma_wait3A_50 : memref<632x128xf32, #tpu.memory_space<hbm>>)
      tpu.yield
    }) : () -> ()
    return
  }
}

module attributes {stable_mosaic.version = 14 : i64} {
  func.func @body(%arg0: i32, %arg1: memref<1000x128xf32, #tpu.memory_space<vmem>>, %arg2: memref<128x256xf32, #tpu.memory_space<vmem>>, %arg3: memref<1000x32xf32, #tpu.memory_space<vmem>>, %arg4: memref<2x1000x128xf32, #tpu.memory_space<vmem>>) attributes {dimension_semantics = [#tpu.dimension_semantics<arbitrary>], iteration_bounds = array<i64: 10>, scalar_prefetch = 0 : i64, scratch_operands = 0 : i64, tpu.core_type = #tpu.core_type<tc>, window_params = [{transform_indices = @transform_0, window_bounds = array<i64: 1000, 128>}, {pipeline_mode = #tpu.pipeline_mode<synchronous>, transform_indices = @transform_1, window_bounds = array<i64: 128, 256>}, {transform_indices = @transform_2, window_bounds = array<i64: 1000, 32>}, {transform_indices = @transform_3, window_bounds = array<i64: 2, 1000, 128>}]} {
    %get3A = arith.constant 0 : index
    %get3A_0 = arith.constant 0 : index
    %get3A_1 = vector.load %arg3[%get3A, %get3A_0] : memref<1000x32xf32, #tpu.memory_space<vmem>>, vector<1000x32xf32>
    %reduce_sum3A = arith.constant dense<0.000000e+00> : vector<1000xf32>
    %reduce_sum3A_2 = vector.multi_reduction <add>, %get3A_1, %reduce_sum3A [1] : vector<1000x32xf32> to vector<1000xf32>
    %add3A = arith.constant 1.000000e+00 : f32
    %add3A_3 = vector.broadcast %add3A : f32 to vector<1000xf32>
    %add3A_4 = arith.addf %reduce_sum3A_2, %add3A_3 : vector<1000xf32>
    %rsqrt3A = math.rsqrt %add3A_4 : vector<1000xf32>
    %broadcast_in_dim3A = vector.shape_cast %rsqrt3A : vector<1000xf32> to vector<1000x1xf32>
    %get3A_5 = arith.constant 0 : index
    %get3A_6 = arith.constant 0 : index
    %get3A_7 = vector.load %arg1[%get3A_5, %get3A_6] : memref<1000x128xf32, #tpu.memory_space<vmem>>, vector<1000x128xf32>
    %get3A_8 = arith.constant 0 : index
    %get3A_9 = arith.constant 0 : index
    %get3A_10 = vector.load %arg2[%get3A_8, %get3A_9] : memref<128x256xf32, #tpu.memory_space<vmem>>, vector<128x256xf32>
    %dot_general3A = arith.constant dense<0.000000e+00> : vector<1000x256xf32>
    %dot_general3A_11 = tpu.matmul %get3A_7, %get3A_10, %dot_general3A {dimension_numbers = #tpu.dot_dimension_numbers<[1], [0], [0], [1], [0, 0, 1, 1], [], []>, transpose_lhs_hint = false} : vector<1000x128xf32>, vector<128x256xf32>, vector<1000x256xf32> -> vector<1000x256xf32>
    %mul3A = vector.broadcast %broadcast_in_dim3A : vector<1000x1xf32> to vector<1000x256xf32>
    %mul3A_12 = arith.mulf %mul3A, %dot_general3A_11 : vector<1000x256xf32>
    %slice3A = vector.extract_strided_slice %mul3A_12 {offsets = [0, 0], sizes = [1000, 128], strides = [1, 1]} : vector<1000x256xf32> to vector<1000x128xf32>
    %swap3A = arith.constant 0 : index
    %swap3A_13 = arith.constant 0 : index
    %swap3A_14 = arith.constant 0 : index
    %swap3A_15 = vector.load %arg4[%swap3A, %swap3A_13, %swap3A_14] : memref<2x1000x128xf32, #tpu.memory_space<vmem>>, vector<1x1000x128xf32>
    %swap3A_16 = vector.shape_cast %swap3A_15 : vector<1x1000x128xf32> to vector<1000x128xf32>
    %swap3A_17 = vector.shape_cast %slice3A : vector<1000x128xf32> to vector<1x1000x128xf32>
    tpu.vector_store %arg4[%swap3A, %swap3A_13, %swap3A_14], %swap3A_17 {strides = array<i32>} : memref<2x1000x128xf32, #tpu.memory_space<vmem>>, vector<1x1000x128xf32>,
    %slice3A_18 = vector.extract_strided_slice %mul3A_12 {offsets = [0, 128], sizes = [1000, 128], strides = [1, 1]} : vector<1000x256xf32> to vector<1000x128xf32>
    %swap3A_19 = arith.constant 1 : index
    %swap3A_20 = arith.constant 0 : index
    %swap3A_21 = arith.constant 0 : index
    %swap3A_22 = vector.load %arg4[%swap3A_19, %swap3A_20, %swap3A_21] : memref<2x1000x128xf32, #tpu.memory_space<vmem>>, vector<1x1000x128xf32>
    %swap3A_23 = vector.shape_cast %swap3A_22 : vector<1x1000x128xf32> to vector<1000x128xf32>
    %swap3A_24 = vector.shape_cast %slice3A_18 : vector<1000x128xf32> to vector<1x1000x128xf32>
    tpu.vector_store %arg4[%swap3A_19, %swap3A_20, %swap3A_21], %swap3A_24 {strides = array<i32>} : memref<2x1000x128xf32, #tpu.memory_space<vmem>>, vector<1x1000x128xf32>,
    return
  }
  func.func @transform_0(%arg0: i32) -> (i32, i32) {
    %c0_i32 = arith.constant 0 : i32
    %c0_i32_0 = arith.constant 0 : i32
    return %arg0, %c0_i32 : i32, i32
  }
  func.func @transform_1(%arg0: i32) -> (i32, i32) {
    %c0_i32 = arith.constant 0 : i32
    %c0_i32_0 = arith.constant 0 : i32
    %c0_i32_1 = arith.constant 0 : i32
    return %c0_i32, %c0_i32_0 : i32, i32
  }
  func.func @transform_2(%arg0: i32) -> (i32, i32) {
    %c0_i32 = arith.constant 0 : i32
    %c0_i32_0 = arith.constant 0 : i32
    return %arg0, %c0_i32 : i32, i32
  }
  func.func @transform_3(%arg0: i32) -> (i32, i32, i32) {
    %c0_i32 = arith.constant 0 : i32
    %c0_i32_0 = arith.constant 0 : i32
    %c0_i32_1 = arith.constant 0 : i32
    return %c0_i32, %arg0, %c0_i32_0 : i32, i32, i32
  }
}

module attributes {stable_mosaic.version = 14 : i64} {
  func.func @body(%arg0: i32, %arg1: memref<2x1000x128xf32, #tpu.memory_space<vmem>>, %arg2: memref<2x1000x128xf32, #tpu.memory_space<vmem>>, %arg3: memref<1000x32xf32, #tpu.memory_space<vmem>>, %arg4: memref<1x256xf32, #tpu.memory_space<vmem>>, %arg5: memref<256x128xf32, #tpu.memory_space<vmem>>, %arg6: memref<1000x128xf32, #tpu.memory_space<vmem>>) attributes {dimension_semantics = [#tpu.dimension_semantics<arbitrary>], iteration_bounds = array<i64: 10>, scalar_prefetch = 0 : i64, scratch_operands = 0 : i64, tpu.core_type = #tpu.core_type<tc>, window_params = [{transform_indices = @transform_0, window_bounds = array<i64: 2, 1000, 128>}, {transform_indices = @transform_1, window_bounds = array<i64: 2, 1000, 128>}, {transform_indices = @transform_2, window_bounds = array<i64: 1000, 32>}, {pipeline_mode = #tpu.pipeline_mode<synchronous>, transform_indices = @transform_3, window_bounds = array<i64: 1, 256>}, {pipeline_mode = #tpu.pipeline_mode<synchronous>, transform_indices = @transform_4, window_bounds = array<i64: 256, 128>}, {transform_indices = @transform_5, window_bounds = array<i64: 1000, 128>}]} {
    %get3A = arith.constant 0 : index
    %get3A_0 = arith.constant 0 : index
    %get3A_1 = vector.load %arg3[%get3A, %get3A_0] : memref<1000x32xf32, #tpu.memory_space<vmem>>, vector<1000x32xf32>
    %reduce_sum3A = arith.constant dense<0.000000e+00> : vector<1000xf32>
    %reduce_sum3A_2 = vector.multi_reduction <add>, %get3A_1, %reduce_sum3A [1] : vector<1000x32xf32> to vector<1000xf32>
    %add3A = arith.constant 1.000000e+00 : f32
    %add3A_3 = vector.broadcast %add3A : f32 to vector<1000xf32>
    %add3A_4 = arith.addf %reduce_sum3A_2, %add3A_3 : vector<1000xf32>
    %rsqrt3A = math.rsqrt %add3A_4 : vector<1000xf32>
    %broadcast_in_dim3A = vector.shape_cast %rsqrt3A : vector<1000xf32> to vector<1000x1xf32>
    %get3A_5 = arith.constant 0 : index
    %get3A_6 = arith.constant 0 : index
    %get3A_7 = arith.constant 0 : index
    %get3A_8 = vector.load %arg1[%get3A_5, %get3A_6, %get3A_7] : memref<2x1000x128xf32, #tpu.memory_space<vmem>>, vector<1x1000x128xf32>
    %get3A_9 = vector.shape_cast %get3A_8 : vector<1x1000x128xf32> to vector<1000x128xf32>
    %get3A_10 = arith.constant 1 : index
    %get3A_11 = arith.constant 0 : index
    %get3A_12 = arith.constant 0 : index
    %get3A_13 = vector.load %arg1[%get3A_10, %get3A_11, %get3A_12] : memref<2x1000x128xf32, #tpu.memory_space<vmem>>, vector<1x1000x128xf32>
    %get3A_14 = vector.shape_cast %get3A_13 : vector<1x1000x128xf32> to vector<1000x128xf32>
    %concatenate3A = tpu.concatenate %get3A_9, %get3A_14 in 1 : vector<1000x128xf32>, vector<1000x128xf32> -> vector<1000x256xf32>
    %get3A_15 = arith.constant 0 : index
    %get3A_16 = arith.constant 0 : index
    %get3A_17 = arith.constant 0 : index
    %get3A_18 = vector.load %arg2[%get3A_15, %get3A_16, %get3A_17] : memref<2x1000x128xf32, #tpu.memory_space<vmem>>, vector<1x1000x128xf32>
    %get3A_19 = vector.shape_cast %get3A_18 : vector<1x1000x128xf32> to vector<1000x128xf32>
    %get3A_20 = arith.constant 1 : index
    %get3A_21 = arith.constant 0 : index
    %get3A_22 = arith.constant 0 : index
    %get3A_23 = vector.load %arg2[%get3A_20, %get3A_21, %get3A_22] : memref<2x1000x128xf32, #tpu.memory_space<vmem>>, vector<1x1000x128xf32>
    %get3A_24 = vector.shape_cast %get3A_23 : vector<1x1000x128xf32> to vector<1000x128xf32>
    %concatenate3A_25 = tpu.concatenate %get3A_19, %get3A_24 in 1 : vector<1000x128xf32>, vector<1000x128xf32> -> vector<1000x256xf32>
    %add3A_26 = arith.addf %concatenate3A, %concatenate3A_25 : vector<1000x256xf32>
    %mul3A = vector.broadcast %broadcast_in_dim3A : vector<1000x1xf32> to vector<1000x256xf32>
    %mul3A_27 = arith.mulf %mul3A, %add3A_26 : vector<1000x256xf32>
    %get3A_28 = arith.constant 0 : index
    %get3A_29 = arith.constant 0 : index
    %get3A_30 = vector.load %arg4[%get3A_28, %get3A_29] : memref<1x256xf32, #tpu.memory_space<vmem>>, vector<1x256xf32>
    %add3A_31 = vector.broadcast %get3A_30 : vector<1x256xf32> to vector<1000x256xf32>
    %add3A_32 = arith.addf %mul3A_27, %add3A_31 : vector<1000x256xf32>
    %max3A = arith.constant 0.000000e+00 : f32
    %max3A_33 = vector.broadcast %max3A : f32 to vector<1000x256xf32>
    %max3A_34 = arith.maximumf %add3A_32, %max3A_33 : vector<1000x256xf32>
    %get3A_35 = arith.constant 0 : index
    %get3A_36 = arith.constant 0 : index
    %get3A_37 = vector.load %arg5[%get3A_35, %get3A_36] : memref<256x128xf32, #tpu.memory_space<vmem>>, vector<256x128xf32>
    %dot_general3A = arith.constant dense<0.000000e+00> : vector<1000x128xf32>
    %dot_general3A_38 = tpu.matmul %max3A_34, %get3A_37, %dot_general3A {dimension_numbers = #tpu.dot_dimension_numbers<[1], [0], [0], [1], [0, 0, 1, 1], [], []>, transpose_lhs_hint = false} : vector<1000x256xf32>, vector<256x128xf32>, vector<1000x128xf32> -> vector<1000x128xf32>
    %mul3A_39 = vector.broadcast %broadcast_in_dim3A : vector<1000x1xf32> to vector<1000x128xf32>
    %mul3A_40 = arith.mulf %mul3A_39, %dot_general3A_38 : vector<1000x128xf32>
    %swap3A = arith.constant 0 : index
    %swap3A_41 = arith.constant 0 : index
    %swap3A_42 = vector.load %arg6[%swap3A, %swap3A_41] : memref<1000x128xf32, #tpu.memory_space<vmem>>, vector<1000x128xf32>
    tpu.vector_store %arg6[%swap3A, %swap3A_41], %mul3A_40 {strides = array<i32>} : memref<1000x128xf32, #tpu.memory_space<vmem>>, vector<1000x128xf32>,
    return
  }
  func.func @transform_0(%arg0: i32) -> (i32, i32, i32) {
    %c0_i32 = arith.constant 0 : i32
    %c0_i32_0 = arith.constant 0 : i32
    %c0_i32_1 = arith.constant 0 : i32
    return %c0_i32, %arg0, %c0_i32_0 : i32, i32, i32
  }
  func.func @transform_1(%arg0: i32) -> (i32, i32, i32) {
    %c0_i32 = arith.constant 0 : i32
    %c0_i32_0 = arith.constant 0 : i32
    %c0_i32_1 = arith.constant 0 : i32
    return %c0_i32, %arg0, %c0_i32_0 : i32, i32, i32
  }
  func.func @transform_2(%arg0: i32) -> (i32, i32) {
    %c0_i32 = arith.constant 0 : i32
    %c0_i32_0 = arith.constant 0 : i32
    return %arg0, %c0_i32 : i32, i32
  }
  func.func @transform_3(%arg0: i32) -> (i32, i32) {
    %c0_i32 = arith.constant 0 : i32
    %c0_i32_0 = arith.constant 0 : i32
    %c0_i32_1 = arith.constant 0 : i32
    return %c0_i32, %c0_i32_0 : i32, i32
  }
  func.func @transform_4(%arg0: i32) -> (i32, i32) {
    %c0_i32 = arith.constant 0 : i32
    %c0_i32_0 = arith.constant 0 : i32
    %c0_i32_1 = arith.constant 0 : i32
    return %c0_i32, %c0_i32_0 : i32, i32
  }
  func.func @transform_5(%arg0: i32) -> (i32, i32) {
    %c0_i32 = arith.constant 0 : i32
    %c0_i32_0 = arith.constant 0 : i32
    return %arg0, %c0_i32 : i32, i32
  }
}

module attributes {stable_mosaic.version = 14 : i64} {
  func.func @body(%arg0: i32, %arg1: memref<2x1000x128xf32, #tpu.memory_space<vmem>>, %arg2: memref<1000x128xf32, #tpu.memory_space<vmem>>, %arg3: memref<1000x32xf32, #tpu.memory_space<vmem>>, %arg4: memref<1x128xf32, #tpu.memory_space<vmem>>, %arg5: memref<128x128xf32, #tpu.memory_space<vmem>>, %arg6: memref<128x128xf32, #tpu.memory_space<vmem>>, %arg7: memref<1000x128xf32, #tpu.memory_space<vmem>>, %arg8: memref<1000x128xf32, #tpu.memory_space<vmem>>) attributes {dimension_semantics = [#tpu.dimension_semantics<arbitrary>], iteration_bounds = array<i64: 10>, scalar_prefetch = 0 : i64, scratch_operands = 0 : i64, tpu.core_type = #tpu.core_type<tc>, window_params = [{transform_indices = @transform_0, window_bounds = array<i64: 2, 1000, 128>}, {transform_indices = @transform_1, window_bounds = array<i64: 1000, 128>}, {transform_indices = @transform_2, window_bounds = array<i64: 1000, 32>}, {pipeline_mode = #tpu.pipeline_mode<synchronous>, transform_indices = @transform_3, window_bounds = array<i64: 1, 128>}, {pipeline_mode = #tpu.pipeline_mode<synchronous>, transform_indices = @transform_4, window_bounds = array<i64: 128, 128>}, {pipeline_mode = #tpu.pipeline_mode<synchronous>, transform_indices = @transform_5, window_bounds = array<i64: 128, 128>}, {transform_indices = @transform_6, window_bounds = array<i64: 1000, 128>}, {transform_indices = @transform_7, window_bounds = array<i64: 1000, 128>}]} {
    %get3A = arith.constant 0 : index
    %get3A_0 = arith.constant 0 : index
    %get3A_1 = vector.load %arg3[%get3A, %get3A_0] : memref<1000x32xf32, #tpu.memory_space<vmem>>, vector<1000x32xf32>
    %reduce_sum3A = arith.constant dense<0.000000e+00> : vector<1000xf32>
    %reduce_sum3A_2 = vector.multi_reduction <add>, %get3A_1, %reduce_sum3A [1] : vector<1000x32xf32> to vector<1000xf32>
    %add3A = arith.constant 1.000000e+00 : f32
    %add3A_3 = vector.broadcast %add3A : f32 to vector<1000xf32>
    %add3A_4 = arith.addf %reduce_sum3A_2, %add3A_3 : vector<1000xf32>
    %rsqrt3A = math.rsqrt %add3A_4 : vector<1000xf32>
    %broadcast_in_dim3A = vector.shape_cast %rsqrt3A : vector<1000xf32> to vector<1000x1xf32>
    %get3A_5 = arith.constant 0 : index
    %get3A_6 = arith.constant 0 : index
    %get3A_7 = arith.constant 0 : index
    %get3A_8 = vector.load %arg1[%get3A_5, %get3A_6, %get3A_7] : memref<2x1000x128xf32, #tpu.memory_space<vmem>>, vector<1x1000x128xf32>
    %get3A_9 = vector.shape_cast %get3A_8 : vector<1x1000x128xf32> to vector<1000x128xf32>
    %get3A_10 = arith.constant 1 : index
    %get3A_11 = arith.constant 0 : index
    %get3A_12 = arith.constant 0 : index
    %get3A_13 = vector.load %arg1[%get3A_10, %get3A_11, %get3A_12] : memref<2x1000x128xf32, #tpu.memory_space<vmem>>, vector<1x1000x128xf32>
    %get3A_14 = vector.shape_cast %get3A_13 : vector<1x1000x128xf32> to vector<1000x128xf32>
    %add3A_15 = arith.addf %get3A_9, %get3A_14 : vector<1000x128xf32>
    %get3A_16 = arith.constant 0 : index
    %get3A_17 = arith.constant 0 : index
    %get3A_18 = vector.load %arg2[%get3A_16, %get3A_17] : memref<1000x128xf32, #tpu.memory_space<vmem>>, vector<1000x128xf32>
    %add3A_19 = arith.addf %add3A_15, %get3A_18 : vector<1000x128xf32>
    %mul3A = vector.broadcast %broadcast_in_dim3A : vector<1000x1xf32> to vector<1000x128xf32>
    %mul3A_20 = arith.mulf %mul3A, %add3A_19 : vector<1000x128xf32>
    %get3A_21 = arith.constant 0 : index
    %get3A_22 = arith.constant 0 : index
    %get3A_23 = vector.load %arg4[%get3A_21, %get3A_22] : memref<1x128xf32, #tpu.memory_space<vmem>>, vector<1x128xf32>
    %add3A_24 = vector.broadcast %get3A_23 : vector<1x128xf32> to vector<1000x128xf32>
    %add3A_25 = arith.addf %mul3A_20, %add3A_24 : vector<1000x128xf32>
    %get3A_26 = arith.constant 0 : index
    %get3A_27 = arith.constant 0 : index
    %get3A_28 = vector.load %arg5[%get3A_26, %get3A_27] : memref<128x128xf32, #tpu.memory_space<vmem>>, vector<128x128xf32>
    %dot_general3A = arith.constant dense<0.000000e+00> : vector<1000x128xf32>
    %dot_general3A_29 = tpu.matmul %add3A_25, %get3A_28, %dot_general3A {dimension_numbers = #tpu.dot_dimension_numbers<[1], [0], [0], [1], [0, 0, 1, 1], [], []>, transpose_lhs_hint = false} : vector<1000x128xf32>, vector<128x128xf32>, vector<1000x128xf32> -> vector<1000x128xf32>
    %swap3A = arith.constant 0 : index
    %swap3A_30 = arith.constant 0 : index
    %swap3A_31 = vector.load %arg7[%swap3A, %swap3A_30] : memref<1000x128xf32, #tpu.memory_space<vmem>>, vector<1000x128xf32>
    tpu.vector_store %arg7[%swap3A, %swap3A_30], %dot_general3A_29 {strides = array<i32>} : memref<1000x128xf32, #tpu.memory_space<vmem>>, vector<1000x128xf32>,
    %get3A_32 = arith.constant 0 : index
    %get3A_33 = arith.constant 0 : index
    %get3A_34 = vector.load %arg6[%get3A_32, %get3A_33] : memref<128x128xf32, #tpu.memory_space<vmem>>, vector<128x128xf32>
    %dot_general3A_35 = arith.constant dense<0.000000e+00> : vector<1000x128xf32>
    %dot_general3A_36 = tpu.matmul %add3A_25, %get3A_34, %dot_general3A_35 {dimension_numbers = #tpu.dot_dimension_numbers<[1], [0], [0], [1], [0, 0, 1, 1], [], []>, transpose_lhs_hint = false} : vector<1000x128xf32>, vector<128x128xf32>, vector<1000x128xf32> -> vector<1000x128xf32>
    %swap3A_37 = arith.constant 0 : index
    %swap3A_38 = arith.constant 0 : index
    %swap3A_39 = vector.load %arg8[%swap3A_37, %swap3A_38] : memref<1000x128xf32, #tpu.memory_space<vmem>>, vector<1000x128xf32>
    tpu.vector_store %arg8[%swap3A_37, %swap3A_38], %dot_general3A_36 {strides = array<i32>} : memref<1000x128xf32, #tpu.memory_space<vmem>>, vector<1000x128xf32>,
    return
  }
  func.func @transform_0(%arg0: i32) -> (i32, i32, i32) {
    %c0_i32 = arith.constant 0 : i32
    %c0_i32_0 = arith.constant 0 : i32
    %c0_i32_1 = arith.constant 0 : i32
    return %c0_i32, %arg0, %c0_i32_0 : i32, i32, i32
  }
  func.func @transform_1(%arg0: i32) -> (i32, i32) {
    %c0_i32 = arith.constant 0 : i32
    %c0_i32_0 = arith.constant 0 : i32
    return %arg0, %c0_i32 : i32, i32
  }
  func.func @transform_2(%arg0: i32) -> (i32, i32) {
    %c0_i32 = arith.constant 0 : i32
    %c0_i32_0 = arith.constant 0 : i32
    return %arg0, %c0_i32 : i32, i32
  }
  func.func @transform_3(%arg0: i32) -> (i32, i32) {
    %c0_i32 = arith.constant 0 : i32
    %c0_i32_0 = arith.constant 0 : i32
    %c0_i32_1 = arith.constant 0 : i32
    return %c0_i32, %c0_i32_0 : i32, i32
  }
  func.func @transform_4(%arg0: i32) -> (i32, i32) {
    %c0_i32 = arith.constant 0 : i32
    %c0_i32_0 = arith.constant 0 : i32
    %c0_i32_1 = arith.constant 0 : i32
    return %c0_i32, %c0_i32_0 : i32, i32
  }
  func.func @transform_5(%arg0: i32) -> (i32, i32) {
    %c0_i32 = arith.constant 0 : i32
    %c0_i32_0 = arith.constant 0 : i32
    %c0_i32_1 = arith.constant 0 : i32
    return %c0_i32, %c0_i32_0 : i32, i32
  }
  func.func @transform_6(%arg0: i32) -> (i32, i32) {
    %c0_i32 = arith.constant 0 : i32
    %c0_i32_0 = arith.constant 0 : i32
    return %arg0, %c0_i32 : i32, i32
  }
  func.func @transform_7(%arg0: i32) -> (i32, i32) {
    %c0_i32 = arith.constant 0 : i32
    %c0_i32_0 = arith.constant 0 : i32
    return %arg0, %c0_i32 : i32, i32
  }
}

module attributes {stable_mosaic.version = 14 : i64} {
  func.func @body(%arg0: i32, %arg1: memref<16000x128xf32, #tpu.memory_space<vmem>>, %arg2: memref<1x128xf32, #tpu.memory_space<vmem>>, %arg3: memref<128x64xf32, #tpu.memory_space<vmem>>, %arg4: memref<1x64xf32, #tpu.memory_space<vmem>>, %arg5: memref<64x32xf32, #tpu.memory_space<vmem>>, %arg6: memref<1x32xf32, #tpu.memory_space<vmem>>, %arg7: memref<32x1xf32, #tpu.memory_space<vmem>>, %arg8: memref<1x1xf32, #tpu.memory_space<vmem>>, %arg9: memref<1x125x128xf32, #tpu.memory_space<vmem>>) attributes {dimension_semantics = [#tpu.dimension_semantics<arbitrary>], iteration_bounds = array<i64: 20>, scalar_prefetch = 0 : i64, scratch_operands = 0 : i64, tpu.core_type = #tpu.core_type<tc>, window_params = [{transform_indices = @transform_0, window_bounds = array<i64: 16000, 128>}, {pipeline_mode = #tpu.pipeline_mode<synchronous>, transform_indices = @transform_1, window_bounds = array<i64: 1, 128>}, {pipeline_mode = #tpu.pipeline_mode<synchronous>, transform_indices = @transform_2, window_bounds = array<i64: 128, 64>}, {pipeline_mode = #tpu.pipeline_mode<synchronous>, transform_indices = @transform_3, window_bounds = array<i64: 1, 64>}, {pipeline_mode = #tpu.pipeline_mode<synchronous>, transform_indices = @transform_4, window_bounds = array<i64: 64, 32>}, {pipeline_mode = #tpu.pipeline_mode<synchronous>, transform_indices = @transform_5, window_bounds = array<i64: 1, 32>}, {pipeline_mode = #tpu.pipeline_mode<synchronous>, transform_indices = @transform_6, window_bounds = array<i64: 32, 1>}, {pipeline_mode = #tpu.pipeline_mode<synchronous>, transform_indices = @transform_7, window_bounds = array<i64: 1, 1>}, {transform_indices = @transform_8, window_bounds = array<i64: 1, 125, 128>}]} {
    %get3A = arith.constant 0 : index
    %get3A_0 = arith.constant 0 : index
    %get3A_1 = vector.load %arg1[%get3A, %get3A_0] : memref<16000x128xf32, #tpu.memory_space<vmem>>, vector<16000x128xf32>
    %get3A_2 = arith.constant 0 : index
    %get3A_3 = arith.constant 0 : index
    %get3A_4 = vector.load %arg2[%get3A_2, %get3A_3] : memref<1x128xf32, #tpu.memory_space<vmem>>, vector<1x128xf32>
    %add3A = vector.broadcast %get3A_4 : vector<1x128xf32> to vector<16000x128xf32>
    %add3A_5 = arith.addf %get3A_1, %add3A : vector<16000x128xf32>
    %max3A = arith.constant 0.000000e+00 : f32
    %max3A_6 = vector.broadcast %max3A : f32 to vector<16000x128xf32>
    %max3A_7 = arith.maximumf %add3A_5, %max3A_6 : vector<16000x128xf32>
    %convert_element_type3A = arith.truncf %max3A_7 : vector<16000x128xf32> to vector<16000x128xbf16>
    %get3A_8 = arith.constant 0 : index
    %get3A_9 = arith.constant 0 : index
    %get3A_10 = vector.load %arg3[%get3A_8, %get3A_9] : memref<128x64xf32, #tpu.memory_space<vmem>>, vector<128x64xf32>
    %convert_element_type3A_11 = arith.truncf %get3A_10 : vector<128x64xf32> to vector<128x64xbf16>
    %dot_general3A = arith.constant dense<0.000000e+00> : vector<16000x64xf32>
    %dot_general3A_12 = tpu.matmul %convert_element_type3A, %convert_element_type3A_11, %dot_general3A {dimension_numbers = #tpu.dot_dimension_numbers<[1], [0], [0], [1], [0, 0, 1, 1], [], []>, transpose_lhs_hint = false} : vector<16000x128xbf16>, vector<128x64xbf16>, vector<16000x64xf32> -> vector<16000x64xf32>
    %get3A_13 = arith.constant 0 : index
    %get3A_14 = arith.constant 0 : index
    %get3A_15 = vector.load %arg4[%get3A_13, %get3A_14] : memref<1x64xf32, #tpu.memory_space<vmem>>, vector<1x64xf32>
    %add3A_16 = vector.broadcast %get3A_15 : vector<1x64xf32> to vector<16000x64xf32>
    %add3A_17 = arith.addf %dot_general3A_12, %add3A_16 : vector<16000x64xf32>
    %max3A_18 = arith.constant 0.000000e+00 : f32
    %max3A_19 = vector.broadcast %max3A_18 : f32 to vector<16000x64xf32>
    %max3A_20 = arith.maximumf %add3A_17, %max3A_19 : vector<16000x64xf32>
    %convert_element_type3A_21 = arith.truncf %max3A_20 : vector<16000x64xf32> to vector<16000x64xbf16>
    %get3A_22 = arith.constant 0 : index
    %get3A_23 = arith.constant 0 : index
    %get3A_24 = vector.load %arg5[%get3A_22, %get3A_23] : memref<64x32xf32, #tpu.memory_space<vmem>>, vector<64x32xf32>
    %convert_element_type3A_25 = arith.truncf %get3A_24 : vector<64x32xf32> to vector<64x32xbf16>
    %dot_general3A_26 = arith.constant dense<0.000000e+00> : vector<16000x32xf32>
    %dot_general3A_27 = tpu.matmul %convert_element_type3A_21, %convert_element_type3A_25, %dot_general3A_26 {dimension_numbers = #tpu.dot_dimension_numbers<[1], [0], [0], [1], [0, 0, 1, 1], [], []>, transpose_lhs_hint = false} : vector<16000x64xbf16>, vector<64x32xbf16>, vector<16000x32xf32> -> vector<16000x32xf32>
    %get3A_28 = arith.constant 0 : index
    %get3A_29 = arith.constant 0 : index
    %get3A_30 = vector.load %arg6[%get3A_28, %get3A_29] : memref<1x32xf32, #tpu.memory_space<vmem>>, vector<1x32xf32>
    %add3A_31 = vector.broadcast %get3A_30 : vector<1x32xf32> to vector<16000x32xf32>
    %add3A_32 = arith.addf %dot_general3A_27, %add3A_31 : vector<16000x32xf32>
    %max3A_33 = arith.constant 0.000000e+00 : f32
    %max3A_34 = vector.broadcast %max3A_33 : f32 to vector<16000x32xf32>
    %max3A_35 = arith.maximumf %add3A_32, %max3A_34 : vector<16000x32xf32>
    %get3A_36 = arith.constant 0 : index
    %get3A_37 = arith.constant 0 : index
    %get3A_38 = vector.load %arg7[%get3A_36, %get3A_37] : memref<32x1xf32, #tpu.memory_space<vmem>>, vector<32x1xf32>
    %reshape3A = vector.shape_cast %get3A_38 : vector<32x1xf32> to vector<1x32xf32>
    %mul3A = vector.broadcast %reshape3A : vector<1x32xf32> to vector<16000x32xf32>
    %mul3A_39 = arith.mulf %max3A_35, %mul3A : vector<16000x32xf32>
    %reduce_sum3A = arith.constant dense<0.000000e+00> : vector<16000xf32>
    %reduce_sum3A_40 = vector.multi_reduction <add>, %mul3A_39, %reduce_sum3A [1] : vector<16000x32xf32> to vector<16000xf32>
    %get3A_41 = arith.constant 0 : index
    %get3A_42 = arith.constant 0 : index
    %get3A_43 = vector.load %arg8[%get3A_41, %get3A_42] : memref<1x1xf32, #tpu.memory_space<vmem>>, vector<1x1xf32>
    %get3A_44 = vector.extract %get3A_43[0, 0] : f32 from vector<1x1xf32>
    %add3A_45 = vector.broadcast %get3A_44 : f32 to vector<16000xf32>
    %add3A_46 = arith.addf %reduce_sum3A_40, %add3A_45 : vector<16000xf32>
    %reshape3A_47 = vector.shape_cast %add3A_46 : vector<16000xf32> to vector<1x125x128xf32>
    %swap3A = arith.constant 0 : index
    %swap3A_48 = arith.constant 0 : index
    %swap3A_49 = arith.constant 0 : index
    %swap3A_50 = vector.load %arg9[%swap3A, %swap3A_48, %swap3A_49] : memref<1x125x128xf32, #tpu.memory_space<vmem>>, vector<1x125x128xf32>
    tpu.vector_store %arg9[%swap3A, %swap3A_48, %swap3A_49], %reshape3A_47 {strides = array<i32>} : memref<1x125x128xf32, #tpu.memory_space<vmem>>, vector<1x125x128xf32>,
    return
  }
  func.func @transform_0(%arg0: i32) -> (i32, i32) {
    %c0_i32 = arith.constant 0 : i32
    %c0_i32_0 = arith.constant 0 : i32
    return %arg0, %c0_i32 : i32, i32
  }
  func.func @transform_1(%arg0: i32) -> (i32, i32) {
    %c0_i32 = arith.constant 0 : i32
    %c0_i32_0 = arith.constant 0 : i32
    %c0_i32_1 = arith.constant 0 : i32
    return %c0_i32, %c0_i32_0 : i32, i32
  }
  func.func @transform_2(%arg0: i32) -> (i32, i32) {
    %c0_i32 = arith.constant 0 : i32
    %c0_i32_0 = arith.constant 0 : i32
    %c0_i32_1 = arith.constant 0 : i32
    return %c0_i32, %c0_i32_0 : i32, i32
  }
  func.func @transform_3(%arg0: i32) -> (i32, i32) {
    %c0_i32 = arith.constant 0 : i32
    %c0_i32_0 = arith.constant 0 : i32
    %c0_i32_1 = arith.constant 0 : i32
    return %c0_i32, %c0_i32_0 : i32, i32
  }
  func.func @transform_4(%arg0: i32) -> (i32, i32) {
    %c0_i32 = arith.constant 0 : i32
    %c0_i32_0 = arith.constant 0 : i32
    %c0_i32_1 = arith.constant 0 : i32
    return %c0_i32, %c0_i32_0 : i32, i32
  }
  func.func @transform_5(%arg0: i32) -> (i32, i32) {
    %c0_i32 = arith.constant 0 : i32
    %c0_i32_0 = arith.constant 0 : i32
    %c0_i32_1 = arith.constant 0 : i32
    return %c0_i32, %c0_i32_0 : i32, i32
  }
  func.func @transform_6(%arg0: i32) -> (i32, i32) {
    %c0_i32 = arith.constant 0 : i32
    %c0_i32_0 = arith.constant 0 : i32
    %c0_i32_1 = arith.constant 0 : i32
    return %c0_i32, %c0_i32_0 : i32, i32
  }
  func.func @transform_7(%arg0: i32) -> (i32, i32) {
    %c0_i32 = arith.constant 0 : i32
    %c0_i32_0 = arith.constant 0 : i32
    %c0_i32_1 = arith.constant 0 : i32
    return %c0_i32, %c0_i32_0 : i32, i32
  }
  func.func @transform_8(%arg0: i32) -> (i32, i32, i32) {
    %c0_i32 = arith.constant 0 : i32
    %c0_i32_0 = arith.constant 0 : i32
    %c0_i32_1 = arith.constant 0 : i32
    return %arg0, %c0_i32, %c0_i32_0 : i32, i32, i32
  }
}

</mosaic_0001>

<sc_bundles>
// kernel: kernel.10.cloned.1.call-start
scs
__scs_entry_jumppad:
0x0: {  	(pc) =	sbr.rel $0x88, $3  }
0x1: {  	(tag) =	ssettag $0x0;
	lr =	simm.s32 $0x1  }
0x2: {  	[smem:$0x3F93] =	sst lr;
	_ =	strace $0xD0000000  }
0x3: {  	_ = 	snop  }
0x4: {  	_ = 	snop  }
0x5: {  	_ = 	snop  }
0x6: {  	_ = 	snop  }
0x7: {  	_ = 	snop  }
__scs_overlays_trampoline_lowered:
0x8: {  	[smem:$0x3FA2] =	sst s0  }
0x9: {  	[smem:$0x3FA3] =	sst s1  }
0xa: {  	[smem:$0x3FA4] =	sst s2  }
0xb: {  	[smem:$0x3FA5] =	sst s3  }
0xc: {  	[smem:$0x3FA6] =	sst s4  }
0xd: {  	[smem:$0x3FA7] =	sst s5  }
0xe: {  	[smem:$0x3FA8] =	sst s6  }
0xf: {  	[smem:$0x3FA9] =	sst s7  }
0x10: {  	[smem:$0x3FAA] =	sst s8  }
0x11: {  	[smem:$0x3FAB] =	sst s9;
	s0 =	simm.s32 @!p0 $0x0  }
0x12: {  	s1 =	sld [smem:$0x3F91];
	s0 =	simm.s32 @p0 $0x1  }
0x13: {  	[smem:$0x3FAC] =	sst s0;
	s0 =	simm.s32 @!p1 $0x0  }
0x14: {  	s2 =	sld [smem:$0x3F90];
	s0 =	simm.s32 @p1 $0x1  }
0x15: {  	[smem:$0x3FAD] =	sst s0;
	s0 =	simm.s32 @!p2 $0x0  }
0x16: {  	s3 =	sld [smem:$0x3FDB];
	s0 =	simm.s32 @p2 $0x1  }
0x17: {  	s4 =	simm.s32 $0x1BF5;
	[smem:$0x3FAF] =	sst s0  }
0x18: {  	s0 =	sld [smem:$0x3F92];
	_ =	swait.ge [sflag:s4], $0x0  }
0x19: {  	s7 =	sld [smem:$0x3F93]  }
0x1a: {  	s8 =	sadd.s32 $0xFFFFE003, lr  }
0x1b: {  	s9 =	sadd.s32 $0xFFFFFEF7, lr;
	s5 =	simm.s32 $0xFFFFFFFF;
	p2 =	slt.u32 s8, $0xFFFFF086  }
0x1c: {  	p1 =	slt.u32 s9, $0xF7A;
	s5 =	simm.s32 @!p2 $0x0  }
0x1d: {  	s5 =	simm.s32 @p1 $0x1;
	p0 =	seq.s32 s7, s2  }
0x1e: {  	s7 =	smul.u32 @!p0 $0xF7A, s2;
	p2 =	seq.s32 @!p0 s5, $0x0  }
0x1f: {  	s9 =	smul.u32 $0xF7A, s1;
	s8 =	simm.s32 @!p0 $0x1BF5;
	p2 =	por !p2, p0  }
0x20: {  	[sflag:s8] =	ssyncset.s32 @!p0 $0xFFFFF086;
	s6 =	sadd.s32 @!p0 s3, s7;
	s7 =	simm.s32 @!p0 $0x108  }
0x21: {  	s3 =	sadd.s32 s3, s9;
	s6 =	sadd.s32 @!p0 $0x88, s6;
	s7 =	simm.s32 @p2 $0x1082  }
0x22: {  	[simem:s7], [sflag:s8] =	dma.local @!p0 [hbm:s6], $0xF7A  }
0x23: {  	s9 =	sor.u32 $0xD0000000, s2;
	s6 =	simm.s32 $0x108;
	_ =	swait.ge @!p0 [sflag:s8], $0x0  }
0x24: {  	s3 =	sadd.s32 $0x88, s3;
	s6 =	simm.s32 @!p1 $0x1082;
	[sflag:s4] =	ssyncset.s32 $0xFFFFF086  }
0x25: {  	[simem:s6], [sflag:s4] =	dma.local [hbm:s3], $0xF7A  }
0x26: {  	[smem:$0x3F93] =	sst s1;
	(tag) =	ssettag s2;
	_ =	strace s9  }
0x27: {  	s1 =	sld [smem:$0x3FA3]  }
0x28: {  	s2 =	sld [smem:$0x3FA4]  }
0x29: {  	s4 =	sld [smem:$0x3FA6]  }
0x2a: {  	p0 =	seq.s32 s5, $0x0;
	s5 =	sld [smem:$0x3FA7]  }
0x2b: {  	s6 =	sld [smem:$0x3FA8]  }
0x2c: {  	s7 =	sld [smem:$0x3FA9]  }
0x2d: {  	s3 =	simm.s32 $0x108;
	s8 =	sld [smem:$0x3FAA]  }
0x2e: {  	s3 =	simm.s32 @!p0 $0x1082;
	s9 =	sld [smem:$0x3FAB]  }
0x2f: {  	lr =	sadd.s32 s0, s3;
	s0 =	sld [smem:$0x3FA2]  }
0x30: {  	s3 =	sld [smem:$0x3FA5]  }
0x31: {  	[smem:$0x3FAE] =	sst s10  }
0x32: {  	s10 =	sld [smem:$0x3FAC];
	_ =	sdelay $0x3  }
0x33: {  	p0 =	seq.s32 s10, $0x1;
	s10 =	sld [smem:$0x3FAE];
	_ =	sdelay $0x3  }
0x34: {  	[smem:$0x3FAE] =	sst s10  }
0x35: {  	s10 =	sld [smem:$0x3FAD];
	_ =	sdelay $0x3  }
0x36: {  	p1 =	seq.s32 s10, $0x1;
	s10 =	sld [smem:$0x3FAE];
	_ =	sdelay $0x3  }
0x37: {  	[smem:$0x3FAE] =	sst s10  }
0x38: {  	s10 =	sld [smem:$0x3FAF]  }
0x39: {  	_ = 	snop;
	(pc) =	sbr.ind lr, $3  }
0x3a: {  	_ = 	snop  }
0x3b: {  	_ = 	snop  }
0x3c: {  	p2 =	seq.s32 s10, $0x1;
	s10 =	sld [smem:$0x3FAE]  }
0x3d: {  	_ =	shalt  }
0x3e: {  	_ =	shalt  }
0x3f: {  	_ =	shalt  }
0x40: {  	_ =	shalt  }
0x41: {  	_ =	shalt  }
0x42: {  	_ =	shalt  }
0x43: {  	_ =	shalt  }
0x44: {  	_ =	shalt  }
0x45: {  	_ =	shalt  }
0x46: {  	_ =	shalt  }
0x47: {  	_ =	shalt  }
0x48: {  	_ =	shalt  }
0x49: {  	_ =	shalt  }
0x4a: {  	_ =	shalt  }
0x4b: {  	_ =	shalt  }
0x4c: {  	_ =	shalt  }
0x4d: {  	_ =	shalt  }
0x4e: {  	_ =	shalt  }
0x4f: {  	_ =	shalt  }
0x50: {  	_ =	shalt  }
0x51: {  	_ =	shalt  }
0x52: {  	_ =	shalt  }
0x53: {  	_ =	shalt  }
0x54: {  	_ =	shalt  }
0x55: {  	_ =	shalt  }
0x56: {  	_ =	shalt  }
0x57: {  	_ =	shalt  }
0x58: {  	_ =	shalt  }
0x59: {  	_ =	shalt  }
0x5a: {  	_ =	shalt  }
0x5b: {  	_ =	shalt  }
0x5c: {  	_ =	shalt  }
0x5d: {  	_ =	shalt  }
0x5e: {  	_ =	shalt  }
0x5f: {  	_ =	shalt  }
0x60: {  	_ =	shalt  }
0x61: {  	_ =	shalt  }
0x62: {  	_ =	shalt  }
0x63: {  	_ =	shalt  }
0x64: {  	_ =	shalt  }
0x65: {  	_ =	shalt  }
0x66: {  	_ =	shalt  }
0x67: {  	_ =	shalt  }
0x68: {  	_ =	shalt  }
0x69: {  	_ =	shalt  }
0x6a: {  	_ =	shalt  }
0x6b: {  	_ =	shalt  }
0x6c: {  	_ =	shalt  }
0x6d: {  	_ =	shalt  }
0x6e: {  	_ =	shalt  }
0x6f: {  	_ =	shalt  }
0x70: {  	_ =	shalt  }
0x71: {  	_ =	shalt  }
0x72: {  	_ =	shalt  }
0x73: {  	_ =	shalt  }
0x74: {  	_ =	shalt  }
0x75: {  	_ =	shalt  }
0x76: {  	_ =	shalt  }
0x77: {  	_ =	shalt  }
0x78: {  	_ =	shalt  }
0x79: {  	_ =	shalt  }
0x7a: {  	_ =	shalt  }
0x7b: {  	_ =	shalt  }
0x7c: {  	_ =	shalt  }
0x7d: {  	_ =	shalt  }
0x7e: {  	_ =	shalt  }
0x7f: {  	_ =	shalt  }
0x80: {  	_ =	shalt  }
0x81: {  	_ =	shalt  }
0x82: {  	_ =	shalt  }
0x83: {  	_ =	shalt  }
0x84: {  	_ =	shalt  }
0x85: {  	_ =	shalt  }
0x86: {  	_ =	shalt  }
0x87: {  	_ =	shalt  }
.Lfunc_end0:
.L_simem_size_0:
called_computation_lowered:
.L_overlay_start_0:
0x88: {  	s2 =	sld [smem:$0x3FD9]  }
0x89: {  	s3 =	sld [smem:$0x3FFE];
	_ =	sdelay $0x1  }
0x8a: {  	s1 =	srdreg.scid  }
0x8b: {  	s0 =	sand.u32 $0x1, s1  }
0x8c: {  	s17 =	sshll.u32 s0, $0xA;
	s2 =	sadd.s32 s3, s2  }
0x8d: {  	s2 =	sadd.s32 s2, s17  }
0x8e: {  	[smem:$0x3FBA] =	sst s2  }
0x8f: {  	_ = 	snop  }
0x90: {  	s2 =	sld [smem:$0x3FD0];
	(tm) =	ssettm $0x1  }
0x91: {  	s18 =	sld [smem:$0x3FFB];
	_ =	sdelay $0x3  }
0x92: {  	_ =	strace s18  }
0x93: {  	s3 =	sld [smem:$0x3FFC];
	_ =	sdelay $0x3  }
0x94: {  	_ =	strace s3  }
0x95: {  	s3 =	sld [smem:$0x3FFD];
	_ =	sdelay $0x3  }
0x96: {  	_ =	strace s3  }
0x97: {  	_ =	strace $0x8FFFFFFF  }
0x98: {  	s19 =	sld [smem:$0x3FDB];
	_ =	sdelay $0x1  }
0x99: {  	s4 =	simm.s32 $_scs_section_size  }
0x9a: {  	s5 =	simm.s32 $_size__tile_overlayer_lowered;
	s6 =	simm.s32 $_tile_overlayer_lowered  }
0x9b: {  	s22 =	simm.s32 $0x1BFF;
	s21 =	sshll.u32 s6, $0x1;
	s3 =	sadd.s32 s4, s19  }
0x9c: {  	s7 =	simm.s32 $0x0;
	s20 =	sshll.u32 s5, $0x1;
	s5 =	sadd.s32 s21, s3  }
0x9d: {  	[timem:s7], [sflag:s22] =	dma.local [hbm:s5], s20  }
0x9e: {  	_ =	swait.ge [sflag:s22], s20  }
0x9f: {  	s4 =	ssub.s32 $0x0, s20;
	[sflag:s22] =	ssyncset.done $0x0  }
0xa0: {  	[sflag:s22] =	ssyncadd.s32 s4;
	_ =	sdelay $0x1  }
0xa1: {  	s23 =	simm.s32 $0x1B8B  }
0xa2: {  	_ =	swait.ge [sflag:s23], $0x1  }
0xa3: {  	[sflag:s23] =	ssyncset.done $0x0  }
0xa4: {  	s25 =	simm.s32 $0x1B8E;
	s24 =	sld [smem:$0x3FFE];
	[sflag:s23] =	ssyncadd.s32 $0xFFFFFFFF  }
0xa5: {  	s26 =	simm.s32 $execute0_lowered;
	[smem:$0x3FD2] =	sst s25  }
0xa6: {  	s5 =	sshll.u32 s26, $0x1;
	_ =	strace $0x80000046;
	[dreg:$0x1] =	wrdreg $0xFFFFFFFF  }
0xa7: {  	s28 =	simm.s32 $_size_execute0_lowered;
	s3 =	sadd.s32 s3, s5;
	[dreg:$0x0] =	wrdreg $0x0  }
0xa8: {  	s5 =	sshll.u32 s28, $0x1;
	[dreg:$0x2] =	wrdreg s3  }
0xa9: {  	[dreg:$0x3] =	wrdreg s5  }
0xaa: {  	[dreg:$0x4] =	wrdreg $0xC0  }
0xab: {  	_ =	task [dreg:s7], $0x5FFFF  }
0xac: {  	[dreg:$0x1] =	wrdreg $0xFFFFFFFF  }
0xad: {  	[dreg:$0x0] =	wrdreg $0x60  }
0xae: {  	[dreg:$0x2] =	wrdreg s24  }
0xaf: {  	[dreg:$0x3] =	wrdreg s2  }
0xb0: {  	[dreg:$0x4] =	wrdreg $0x9  }
0xb1: {  	_ =	task.clear_ibuf [dreg:s7], $0x5FFFF;
	_ =	strace $0x90000046  }
0xb2: {  	s29 =	simm.s32 $0x9;
	_ =	strace $0x80000048  }
0xb3: {  	_ =	swait.ge [sflag:s29], $0x1  }
0xb4: {  	[sflag:s29] =	ssyncadd.s32 $0xFFFFFFFF  }
0xb5: {  	_ =	strace $0x90000048  }
0xb6: {  	_ =	sfence  }
0xb7: {  	s30 =	sld [smem:$0x0];
	_ =	sdelay $0x2  }
0xb8: {  	s31 =	sshll.u32 s1, $0xD;
	s1 =	sshrl.u32 s1, $0x2  }
0xb9: {  	s3 =	sand.u32 $0x4000, s31;
	s1 =	sadd.s32 s1, s30  }
0xba: {  	s0 =	sor.u32 s3, s0;
	s1 =	sshll.u32 s1, $0x11  }
0xbb: {  	s0 =	sor.u32 s1, s0  }
0xbc: {  	s0 =	sadd.s32 $0x8F2B, s0  }
0xbd: {  	[sflag:s0] =	ssyncadd.remote.s32 $0x1  }
0xbe: {  	_ =	sfence.sel $0xFFFF  }
0xbf: {  	[dreg:$0x0] =	wrdreg $0xFFFFFFFF;
	(pc) =	sbr.abs _section_cstart, $3  }
0xc0: {  	[dreg:$0x1] =	wrdreg $0xFFFFFFFF  }
0xc1: {  	_ =	task.clear_ibuf [dreg:s7], $0x2FFFF;
	_ =	strace $0x9FFFFFFF  }
0xc2: {  	(tm) =	ssettm $0x7FFFFFFF  }
0xc3: {  	_ =	shalt  }
tec
execute0_lowered:
.L_overlay_start_1:
0x0: {  	(tag) =	ssettag $0x1  }
0x1: {  	s0 =	srdreg.scid;
	s5 =	rddreg [dreg:$0x0]  }
0x2: {  	s2 =	rddreg [dreg:$0x1];
	s3 =	simm.s32 $0x0;
	s4 =	sand.u32 $0x1, s0  }
0x3: {  	s9 =	simm.s32 $0x80;
	s0 =	stileid.u32;
	s1 =	sshll.u32 s4, $0x4  }
0x4: {  	s10 =	simm.s32 $0x400;
	s11 =	simm.s32 $0x0;
	s6 =	sor.u32 s0, s1  }
0x5: {  	[smem:$0x7FF] =	sst s3;
	s8 =	sshll.u32 s0, $0x7;
	s7 =	sshrl.u32 s6, $0x3  }
0x6: {  	v0 =	vimm.f32 $1.000000000e+00;
	s4 =	ssub.s32 $0x2, s4;
	s1 =	rddreg [dreg:$0x2];
	s7 =	smul.u32 $0x13C00, s7  }
0x7: {  	vm0 =	vcmask $0x704;
	vm1 =	vcmask $0xB08;
	vm14 =	vcmask $0x3F3C;
	s8 =	sand.u32 $0x380, s8;
	s30 =	sshrl.u32 s4, $0x1;
	s6 =	smul.u32 $0x2710, s6  }
0x8: {  	vm2 =	vcmask $0xF0C;
	vm3 =	vcmask $0x1310;
	vm4 =	vcmask $0x1714;
	_ =	strace $0x80000047;
	s31 =	ssub.s32 s4, s30;
	s7 =	sor.u32 s8, s7  }
0x9: {  	vm5 =	vcmask $0x1B18;
	vm6 =	vcmask $0x1F1C;
	vm7 =	vcmask $0x2320;
	s6 =	sshrl.u32 s6, $0x3;
	s8 =	simm.s32 $0x1;
	s7 =	sshrl.u32 s7, $0x3  }
0xa: {  	vm8 =	vcmask $0x2724;
	vm9 =	vcmask $0x2B28;
	vm10 =	vcmask $0x2F2C;
	s7 =	sadd.s32 s7, s5;
	s5 =	sadd.s32 s5, s6;
	s6 =	smax.u32 s31, $0x1  }
0xb: {  	vm11 =	vcmask $0x3330;
	vm12 =	vcmask $0x3734;
	vm13 =	vcmask $0x3B38;
	s4 =	sadd.s32 $0xE440, s5;
	s5 =	sadd.s32 $0x18200, s7;
	s7 =	simm.s32 $0x2780  }
.LBB2_1:
0xc: {  	[tilespmem:s7], [sflag:$0x1] =	stream.linear.gather [hbm4b:s2+s3], $0x2780, $0x38;
	[tilespmem:$0x4F00] =	vst v63  }
0xd: {  	_ =	swait.ge [sflag:s8], $0x2780  }
0xe: {  	[sflag:s8] =	ssyncset.done $0x0  }
0xf: {  	[sflag:s8] =	ssyncadd.s32 $0xFFFFD880  }
0x10: {  	[tilespmem:s3], [sflag:$0x1] =	stream.linear.gather [hbm4b:s4+s3], $0x2710, $0x38;
	[tilespmem:$0x4F00] =	vst v63  }
0x11: {  	_ =	swait.ge [sflag:s8], $0x2710  }
0x12: {  	[sflag:s8] =	ssyncset.done $0x0  }
0x13: {  	s12 =	simm.s32 $0x0;
	[sflag:s8] =	ssyncadd.s32 $0xFFFFD8F0  }
0x14: {  	v1 =	vld [tilespmem:s12+$0x0];
	_ =	sdelay $0x7  }
0x15: {  	[tilespmem:v1+s7+$0x0] =	vst.idx.add.f32.msk $0x1, v0  }
0x16: {  	[tilespmem:v1+s7+$0x0] =	vst.idx.add.f32.msk vm0, v0  }
0x17: {  	[tilespmem:v1+s7+$0x0] =	vst.idx.add.f32.msk vm1, v0  }
0x18: {  	[tilespmem:v1+s7+$0x0] =	vst.idx.add.f32.msk vm2, v0  }
0x19: {  	[tilespmem:v1+s7+$0x0] =	vst.idx.add.f32.msk vm3, v0  }
0x1a: {  	[tilespmem:v1+s7+$0x0] =	vst.idx.add.f32.msk vm4, v0  }
0x1b: {  	[tilespmem:v1+s7+$0x0] =	vst.idx.add.f32.msk vm5, v0  }
0x1c: {  	[tilespmem:v1+s7+$0x0] =	vst.idx.add.f32.msk vm6, v0  }
0x1d: {  	[tilespmem:v1+s7+$0x0] =	vst.idx.add.f32.msk vm7, v0  }
0x1e: {  	[tilespmem:v1+s7+$0x0] =	vst.idx.add.f32.msk vm8, v0  }
0x1f: {  	[tilespmem:v1+s7+$0x0] =	vst.idx.add.f32.msk vm9, v0  }
0x20: {  	[tilespmem:v1+s7+$0x0] =	vst.idx.add.f32.msk vm10, v0  }
0x21: {  	[tilespmem:v1+s7+$0x0] =	vst.idx.add.f32.msk vm11, v0  }
0x22: {  	[tilespmem:v1+s7+$0x0] =	vst.idx.add.f32.msk vm12, v0  }
0x23: {  	s13 =	simm.s32 $0x80;
	s12 =	simm.s32 $0x40;
	[tilespmem:v1+s7+$0x0] =	vst.idx.add.f32.msk vm13, v0  }
.LBB2_2:
0x24: {  	p0 =	sne.s32 s13, $0x9C00  }
0x25: {  	s14 =	sshra.s32 s12, $0x2;
	[tilespmem:v1+s7+$0x0] =	vst.idx.add.f32.msk vm14, v0;
	s12 =	smov.u32 s13;
	s13 =	sadd.s32 $0x40, s13  }
0x26: {  	v1 =	vld [tilespmem:s14+$0x0];
	_ =	sdelay $0x7  }
0x27: {  	[tilespmem:v1+s7+$0x0] =	vst.idx.add.f32.msk $0x1, v0  }
0x28: {  	[tilespmem:v1+s7+$0x0] =	vst.idx.add.f32.msk vm0, v0  }
0x29: {  	[tilespmem:v1+s7+$0x0] =	vst.idx.add.f32.msk vm1, v0  }
0x2a: {  	[tilespmem:v1+s7+$0x0] =	vst.idx.add.f32.msk vm2, v0  }
0x2b: {  	[tilespmem:v1+s7+$0x0] =	vst.idx.add.f32.msk vm3, v0  }
0x2c: {  	[tilespmem:v1+s7+$0x0] =	vst.idx.add.f32.msk vm4, v0  }
0x2d: {  	[tilespmem:v1+s7+$0x0] =	vst.idx.add.f32.msk vm5, v0  }
0x2e: {  	[tilespmem:v1+s7+$0x0] =	vst.idx.add.f32.msk vm6, v0  }
0x2f: {  	[tilespmem:v1+s7+$0x0] =	vst.idx.add.f32.msk vm7, v0  }
0x30: {  	[tilespmem:v1+s7+$0x0] =	vst.idx.add.f32.msk vm8, v0  }
.Ltmp0:
0x31: {  	[tilespmem:v1+s7+$0x0] =	vst.idx.add.f32.msk vm9, v0;
	(pc) =	sbr.rel @p0 .LBB2_2-.Ltmp0, $4  }
0x32: {  	[tilespmem:v1+s7+$0x0] =	vst.idx.add.f32.msk vm10, v0  }
0x33: {  	[tilespmem:v1+s7+$0x0] =	vst.idx.add.f32.msk vm11, v0  }
0x34: {  	[tilespmem:v1+s7+$0x0] =	vst.idx.add.f32.msk vm12, v0  }
0x35: {  	[tilespmem:v1+s7+$0x0] =	vst.idx.add.f32.msk vm13, v0  }
0x36: {  	_ =	sdelay $0x4  }
0x37: {  	s12 =	sshra.s32 s12, $0x2;
	[tilespmem:v1+s7+$0x0] =	vst.idx.add.f32.msk vm14, v0  }
0x38: {  	v1 =	vld [tilespmem:s12+$0x0];
	_ =	sdelay $0x7  }
0x39: {  	[tilespmem:v1+s7+$0x0] =	vst.idx.add.f32.msk $0x1, v0  }
0x3a: {  	[tilespmem:v1+s7+$0x0] =	vst.idx.add.f32.msk vm0, v0  }
0x3b: {  	[tilespmem:v1+s7+$0x0] =	vst.idx.add.f32.msk vm1, v0  }
0x3c: {  	[tilespmem:v1+s7+$0x0] =	vst.idx.add.f32.msk vm2, v0  }
0x3d: {  	[tilespmem:v1+s7+$0x0] =	vst.idx.add.f32.msk vm3, v0  }
0x3e: {  	[tilespmem:v1+s7+$0x0] =	vst.idx.add.f32.msk vm4, v0  }
0x3f: {  	[tilespmem:v1+s7+$0x0] =	vst.idx.add.f32.msk vm5, v0  }
0x40: {  	[tilespmem:v1+s7+$0x0] =	vst.idx.add.f32.msk vm6, v0  }
0x41: {  	[tilespmem:v1+s7+$0x0] =	vst.idx.add.f32.msk vm7, v0  }
0x42: {  	[tilespmem:v1+s7+$0x0] =	vst.idx.add.f32.msk vm8, v0  }
0x43: {  	[tilespmem:v1+s7+$0x0] =	vst.idx.add.f32.msk vm9, v0  }
0x44: {  	[tilespmem:v1+s7+$0x0] =	vst.idx.add.f32.msk vm10, v0  }
0x45: {  	[tilespmem:v1+s7+$0x0] =	vst.idx.add.f32.msk vm11, v0  }
0x46: {  	s11 =	sadd.s32 $0x1, s11;
	[tilespmem:v1+s7+$0x0] =	vst.idx.add.f32.msk vm12, v0  }
0x47: {  	p0 =	sne.s32 s11, s6;
	[tilespmem:v1+s7+$0x0] =	vst.idx.add.f32.msk vm13, v0  }
.Ltmp1:
0x48: {  	[tilespmem:v1+s7+$0x0] =	vst.idx.add.f32.msk vm14, v0;
	(pc) =	sbr.rel @p0 .LBB2_1-.Ltmp1, $4  }
0x49: {  	[hbm4b:s5+s9] =	stream.strided.scatter [tilespmem:s7], [sflag:$0x1], $0x2780, s10, s9, $0x38;
	[tilespmem:$0x4F00] =	vst v63  }
0x4a: {  	_ =	swait.ge [sflag:s8], $0x2780  }
0x4b: {  	[sflag:s8] =	ssyncset.done $0x0  }
0x4c: {  	[sflag:s8] =	ssyncadd.s32 $0xFFFFD880  }
0x4d: {  	_ =	sfence.sel $0x180000  }
0x4e: {  	[bflag:$0x0] =	sbarrier.arrive $0xFFFF  }
0x4f: {  	p0 =	sne.s32 s0, $0x0;
	_ =	strace $0x90000047  }
0x50: {  	s0 =	sadd.s32 @!p0 $0x100000, s1;
	[bflag:$0x2] =	sbarrier.arrive $0xFFFF  }
0x51: {  	[sflag:s0] =	ssyncadd.tile.s32 @!p0 $0x1;
	_ =	shalt  }
.Lfunc_end2:
_tile_overlayer_lowered:
.L_overlay_start_2:
0x52: {  	(tag) =	ssettag $0x2  }
0x53: {  	s0 =	rddreg [dreg:$0x0];
	s2 =	stileid.u32  }
0x54: {  	s1 =	rddreg [dreg:$0x1];
	p0 =	sne.s32 s2, $0x0  }
0x55: {  	s3 =	rddreg [dreg:$0x2];
	[bflag:$0x3] =	sbarrier.arrive $0xFFFF;
	s2 =	simm.s32 @!p0 $0x1C01  }
0x56: {  	[timem:s3], [sflag:s2] =	dma.local @!p0 [hbm:s0], s1  }
0x57: {  	s0 =	simm.s32 @!p0 $0x1  }
0x58: {  	_ =	swait.ge @!p0 [sflag:s0], s1  }
0x59: {  	s1 =	ssub.s32 @!p0 $0x0, s1;
	[sflag:s0] =	ssyncset.done @!p0 $0x0  }
0x5a: {  	[sflag:s0] =	ssyncadd.s32 @!p0 s1  }
0x5b: {  	[bflag:$0x3] =	sbarrier.arrive $0xFFFF  }
0x5c: {  	_ =	shalt  }

// kernel: kernel.13.cloned.1.call-start
scs
__scs_entry_jumppad:
0x0: {  	(pc) =	sbr.rel $0x88, $3  }
0x1: {  	(tag) =	ssettag $0x0;
	lr =	simm.s32 $0x1  }
0x2: {  	[smem:$0x3F93] =	sst lr;
	_ =	strace $0xD0000000  }
0x3: {  	_ = 	snop  }
0x4: {  	_ = 	snop  }
0x5: {  	_ = 	snop  }
0x6: {  	_ = 	snop  }
0x7: {  	_ = 	snop  }
__scs_overlays_trampoline_lowered:
0x8: {  	[smem:$0x3FA2] =	sst s0  }
0x9: {  	[smem:$0x3FA3] =	sst s1  }
0xa: {  	[smem:$0x3FA4] =	sst s2  }
0xb: {  	[smem:$0x3FA5] =	sst s3  }
0xc: {  	[smem:$0x3FA6] =	sst s4  }
0xd: {  	[smem:$0x3FA7] =	sst s5  }
0xe: {  	[smem:$0x3FA8] =	sst s6  }
0xf: {  	[smem:$0x3FA9] =	sst s7  }
0x10: {  	[smem:$0x3FAA] =	sst s8  }
0x11: {  	[smem:$0x3FAB] =	sst s9;
	s0 =	simm.s32 @!p0 $0x0  }
0x12: {  	s1 =	sld [smem:$0x3F91];
	s0 =	simm.s32 @p0 $0x1  }
0x13: {  	[smem:$0x3FAC] =	sst s0;
	s0 =	simm.s32 @!p1 $0x0  }
0x14: {  	s2 =	sld [smem:$0x3F90];
	s0 =	simm.s32 @p1 $0x1  }
0x15: {  	[smem:$0x3FAD] =	sst s0;
	s0 =	simm.s32 @!p2 $0x0  }
0x16: {  	s3 =	sld [smem:$0x3FDB];
	s0 =	simm.s32 @p2 $0x1  }
0x17: {  	s4 =	simm.s32 $0x1BF5;
	[smem:$0x3FAF] =	sst s0  }
0x18: {  	s0 =	sld [smem:$0x3F92];
	_ =	swait.ge [sflag:s4], $0x0  }
0x19: {  	s7 =	sld [smem:$0x3F93]  }
0x1a: {  	s8 =	sadd.s32 $0xFFFFE003, lr  }
0x1b: {  	s9 =	sadd.s32 $0xFFFFFEF7, lr;
	s5 =	simm.s32 $0xFFFFFFFF;
	p2 =	slt.u32 s8, $0xFFFFF086  }
0x1c: {  	p1 =	slt.u32 s9, $0xF7A;
	s5 =	simm.s32 @!p2 $0x0  }
0x1d: {  	s5 =	simm.s32 @p1 $0x1;
	p0 =	seq.s32 s7, s2  }
0x1e: {  	s7 =	smul.u32 @!p0 $0xF7A, s2;
	p2 =	seq.s32 @!p0 s5, $0x0  }
0x1f: {  	s9 =	smul.u32 $0xF7A, s1;
	s8 =	simm.s32 @!p0 $0x1BF5;
	p2 =	por !p2, p0  }
0x20: {  	[sflag:s8] =	ssyncset.s32 @!p0 $0xFFFFF086;
	s6 =	sadd.s32 @!p0 s3, s7;
	s7 =	simm.s32 @!p0 $0x108  }
0x21: {  	s3 =	sadd.s32 s3, s9;
	s6 =	sadd.s32 @!p0 $0x88, s6;
	s7 =	simm.s32 @p2 $0x1082  }
0x22: {  	[simem:s7], [sflag:s8] =	dma.local @!p0 [hbm:s6], $0xF7A  }
0x23: {  	s9 =	sor.u32 $0xD0000000, s2;
	s6 =	simm.s32 $0x108;
	_ =	swait.ge @!p0 [sflag:s8], $0x0  }
0x24: {  	s3 =	sadd.s32 $0x88, s3;
	s6 =	simm.s32 @!p1 $0x1082;
	[sflag:s4] =	ssyncset.s32 $0xFFFFF086  }
0x25: {  	[simem:s6], [sflag:s4] =	dma.local [hbm:s3], $0xF7A  }
0x26: {  	[smem:$0x3F93] =	sst s1;
	(tag) =	ssettag s2;
	_ =	strace s9  }
0x27: {  	s1 =	sld [smem:$0x3FA3]  }
0x28: {  	s2 =	sld [smem:$0x3FA4]  }
0x29: {  	s4 =	sld [smem:$0x3FA6]  }
0x2a: {  	p0 =	seq.s32 s5, $0x0;
	s5 =	sld [smem:$0x3FA7]  }
0x2b: {  	s6 =	sld [smem:$0x3FA8]  }
0x2c: {  	s7 =	sld [smem:$0x3FA9]  }
0x2d: {  	s3 =	simm.s32 $0x108;
	s8 =	sld [smem:$0x3FAA]  }
0x2e: {  	s3 =	simm.s32 @!p0 $0x1082;
	s9 =	sld [smem:$0x3FAB]  }
0x2f: {  	lr =	sadd.s32 s0, s3;
	s0 =	sld [smem:$0x3FA2]  }
0x30: {  	s3 =	sld [smem:$0x3FA5]  }
0x31: {  	[smem:$0x3FAE] =	sst s10  }
0x32: {  	s10 =	sld [smem:$0x3FAC];
	_ =	sdelay $0x3  }
0x33: {  	p0 =	seq.s32 s10, $0x1;
	s10 =	sld [smem:$0x3FAE];
	_ =	sdelay $0x3  }
0x34: {  	[smem:$0x3FAE] =	sst s10  }
0x35: {  	s10 =	sld [smem:$0x3FAD];
	_ =	sdelay $0x3  }
0x36: {  	p1 =	seq.s32 s10, $0x1;
	s10 =	sld [smem:$0x3FAE];
	_ =	sdelay $0x3  }
0x37: {  	[smem:$0x3FAE] =	sst s10  }
0x38: {  	s10 =	sld [smem:$0x3FAF]  }
0x39: {  	_ = 	snop;
	(pc) =	sbr.ind lr, $3  }
0x3a: {  	_ = 	snop  }
0x3b: {  	_ = 	snop  }
0x3c: {  	p2 =	seq.s32 s10, $0x1;
	s10 =	sld [smem:$0x3FAE]  }
0x3d: {  	_ =	shalt  }
0x3e: {  	_ =	shalt  }
0x3f: {  	_ =	shalt  }
0x40: {  	_ =	shalt  }
0x41: {  	_ =	shalt  }
0x42: {  	_ =	shalt  }
0x43: {  	_ =	shalt  }
0x44: {  	_ =	shalt  }
0x45: {  	_ =	shalt  }
0x46: {  	_ =	shalt  }
0x47: {  	_ =	shalt  }
0x48: {  	_ =	shalt  }
0x49: {  	_ =	shalt  }
0x4a: {  	_ =	shalt  }
0x4b: {  	_ =	shalt  }
0x4c: {  	_ =	shalt  }
0x4d: {  	_ =	shalt  }
0x4e: {  	_ =	shalt  }
0x4f: {  	_ =	shalt  }
0x50: {  	_ =	shalt  }
0x51: {  	_ =	shalt  }
0x52: {  	_ =	shalt  }
0x53: {  	_ =	shalt  }
0x54: {  	_ =	shalt  }
0x55: {  	_ =	shalt  }
0x56: {  	_ =	shalt  }
0x57: {  	_ =	shalt  }
0x58: {  	_ =	shalt  }
0x59: {  	_ =	shalt  }
0x5a: {  	_ =	shalt  }
0x5b: {  	_ =	shalt  }
0x5c: {  	_ =	shalt  }
0x5d: {  	_ =	shalt  }
0x5e: {  	_ =	shalt  }
0x5f: {  	_ =	shalt  }
0x60: {  	_ =	shalt  }
0x61: {  	_ =	shalt  }
0x62: {  	_ =	shalt  }
0x63: {  	_ =	shalt  }
0x64: {  	_ =	shalt  }
0x65: {  	_ =	shalt  }
0x66: {  	_ =	shalt  }
0x67: {  	_ =	shalt  }
0x68: {  	_ =	shalt  }
0x69: {  	_ =	shalt  }
0x6a: {  	_ =	shalt  }
0x6b: {  	_ =	shalt  }
0x6c: {  	_ =	shalt  }
0x6d: {  	_ =	shalt  }
0x6e: {  	_ =	shalt  }
0x6f: {  	_ =	shalt  }
0x70: {  	_ =	shalt  }
0x71: {  	_ =	shalt  }
0x72: {  	_ =	shalt  }
0x73: {  	_ =	shalt  }
0x74: {  	_ =	shalt  }
0x75: {  	_ =	shalt  }
0x76: {  	_ =	shalt  }
0x77: {  	_ =	shalt  }
0x78: {  	_ =	shalt  }
0x79: {  	_ =	shalt  }
0x7a: {  	_ =	shalt  }
0x7b: {  	_ =	shalt  }
0x7c: {  	_ =	shalt  }
0x7d: {  	_ =	shalt  }
0x7e: {  	_ =	shalt  }
0x7f: {  	_ =	shalt  }
0x80: {  	_ =	shalt  }
0x81: {  	_ =	shalt  }
0x82: {  	_ =	shalt  }
0x83: {  	_ =	shalt  }
0x84: {  	_ =	shalt  }
0x85: {  	_ =	shalt  }
0x86: {  	_ =	shalt  }
0x87: {  	_ =	shalt  }
.Lfunc_end0:
.L_simem_size_0:
called_computation.1_lowered:
.L_overlay_start_0:
0x88: {  	s2 =	sld [smem:$0x3FD9]  }
0x89: {  	s3 =	sld [smem:$0x3FFE];
	_ =	sdelay $0x1  }
0x8a: {  	s1 =	srdreg.scid  }
0x8b: {  	s0 =	sand.u32 $0x1, s1  }
0x8c: {  	s16 =	sshll.u32 s0, $0xA;
	s2 =	sadd.s32 s3, s2  }
0x8d: {  	s2 =	sadd.s32 s2, s16  }
0x8e: {  	[smem:$0x3FBA] =	sst s2  }
0x8f: {  	_ = 	snop  }
0x90: {  	(tm) =	ssettm $0x1  }
0x91: {  	s17 =	sld [smem:$0x3FFB];
	_ =	sdelay $0x3  }
0x92: {  	_ =	strace s17  }
0x93: {  	s2 =	sld [smem:$0x3FFC];
	_ =	sdelay $0x3  }
0x94: {  	_ =	strace s2  }
0x95: {  	s2 =	sld [smem:$0x3FFD];
	_ =	sdelay $0x3  }
0x96: {  	_ =	strace s2  }
0x97: {  	_ =	strace $0x8FFFFFFF  }
0x98: {  	s18 =	sld [smem:$0x3FDB];
	_ =	sdelay $0x1  }
0x99: {  	s19 =	simm.s32 $_scs_section_size  }
0x9a: {  	s4 =	simm.s32 $_size__tile_overlayer_lowered;
	s5 =	simm.s32 $_tile_overlayer_lowered  }
0x9b: {  	s22 =	simm.s32 $0x1BFF;
	s21 =	sshll.u32 s5, $0x1;
	s2 =	sadd.s32 s19, s18  }
0x9c: {  	s6 =	simm.s32 $0x0;
	s20 =	sshll.u32 s4, $0x1;
	s4 =	sadd.s32 s21, s2  }
0x9d: {  	[timem:s6], [sflag:s22] =	dma.local [hbm:s4], s20  }
0x9e: {  	_ =	swait.ge [sflag:s22], s20  }
0x9f: {  	s3 =	ssub.s32 $0x0, s20;
	[sflag:s22] =	ssyncset.done $0x0  }
0xa0: {  	[sflag:s22] =	ssyncadd.s32 s3;
	_ =	sdelay $0x1  }
0xa1: {  	s23 =	simm.s32 $0x1B8B  }
0xa2: {  	_ =	swait.ge [sflag:s23], $0x1  }
0xa3: {  	[sflag:s23] =	ssyncset.done $0x0  }
0xa4: {  	s25 =	simm.s32 $0x1B8E;
	s24 =	sld [smem:$0x3FFE];
	[sflag:s23] =	ssyncadd.s32 $0xFFFFFFFF  }
0xa5: {  	s26 =	simm.s32 $execute0_lowered;
	[smem:$0x3FD2] =	sst s25  }
0xa6: {  	s4 =	sshll.u32 s26, $0x1;
	_ =	strace $0x80000049;
	[dreg:$0x1] =	wrdreg $0xFFFFFFFF  }
0xa7: {  	s28 =	simm.s32 $_size_execute0_lowered;
	s2 =	sadd.s32 s2, s4;
	[dreg:$0x0] =	wrdreg $0x0  }
0xa8: {  	s4 =	sshll.u32 s28, $0x1;
	[dreg:$0x2] =	wrdreg s2  }
0xa9: {  	[dreg:$0x3] =	wrdreg s4  }
0xaa: {  	[dreg:$0x4] =	wrdreg $0xC0  }
0xab: {  	_ =	task [dreg:s6], $0x5FFFF  }
0xac: {  	[dreg:$0x1] =	wrdreg $0xFFFFFFFF  }
0xad: {  	[dreg:$0x0] =	wrdreg $0x60  }
0xae: {  	[dreg:$0x2] =	wrdreg s24  }
0xaf: {  	[dreg:$0x3] =	wrdreg $0x7B000  }
0xb0: {  	[dreg:$0x4] =	wrdreg $0x9  }
0xb1: {  	_ =	task.clear_ibuf [dreg:s6], $0x5FFFF;
	_ =	strace $0x90000049  }
0xb2: {  	s29 =	simm.s32 $0x9;
	_ =	strace $0x8000004B  }
0xb3: {  	_ =	swait.ge [sflag:s29], $0x1  }
0xb4: {  	[sflag:s29] =	ssyncadd.s32 $0xFFFFFFFF  }
0xb5: {  	_ =	strace $0x9000004B  }
0xb6: {  	_ =	sfence  }
0xb7: {  	s30 =	sld [smem:$0x0];
	_ =	sdelay $0x2  }
0xb8: {  	s31 =	sshll.u32 s1, $0xD;
	s1 =	sshrl.u32 s1, $0x2  }
0xb9: {  	s3 =	sand.u32 $0x4000, s31;
	s1 =	sadd.s32 s1, s30  }
0xba: {  	s0 =	sor.u32 s3, s0;
	s1 =	sshll.u32 s1, $0x11  }
0xbb: {  	s0 =	sor.u32 s1, s0  }
0xbc: {  	s0 =	sadd.s32 $0x8F2B, s0  }
0xbd: {  	[sflag:s0] =	ssyncadd.remote.s32 $0x1  }
0xbe: {  	_ =	sfence.sel $0xFFFF  }
0xbf: {  	[dreg:$0x0] =	wrdreg $0xFFFFFFFF;
	(pc) =	sbr.abs _section_cstart, $3  }
0xc0: {  	[dreg:$0x1] =	wrdreg $0xFFFFFFFF  }
0xc1: {  	_ =	task.clear_ibuf [dreg:s6], $0x2FFFF;
	_ =	strace $0x9FFFFFFF  }
0xc2: {  	(tm) =	ssettm $0x7FFFFFFF  }
0xc3: {  	_ =	shalt  }
tec
execute0_lowered:
.L_overlay_start_1:
0x0: {  	(tag) =	ssettag $0x1  }
0x1: {  	s0 =	rddreg [dreg:$0x0]  }
0x2: {  	s2 =	rddreg [dreg:$0x1]  }
0x3: {  	s10 =	stileid.u32;
	s1 =	srdreg.scid;
	s3 =	simm.s32 $0x0  }
0x4: {  	s18 =	simm.s32 $0x180;
	s19 =	simm.s32 $0x80;
	s20 =	simm.s32 $0x200  }
0x5: {  	s28 =	simm.s32 $0x1;
	s29 =	simm.s32 $0x2;
	s5 =	smul.u32 $0x13C00, s10  }
0x6: {  	s30 =	simm.s32 $0x3;
	s31 =	simm.s32 $0x0;
	s8 =	smul.u32 $0x4F000, s10  }
0x7: {  	s1 =	sand.u32 $0x1, s1;
	[smem:$0x7FF] =	sst s3;
	s9 =	smul.u32 $0x4E20, s10  }
0x8: {  	s4 =	sadd.s32 $0x18200, s0;
	s15 =	sadd.s32 $0x4800, s0;
	s17 =	smul.u32 $0x9C4, s10  }
0x9: {  	s24 =	sshll.u32 s10, $0x6;
	s6 =	smul.u32 $0x13C000, s1;
	_ =	strace $0x8000004A  }
0xa: {  	s21 =	ssub.s32 $0x2, s1;
	s1 =	smul.u32 $0x2710, s1;
	s7 =	sshrl.u32 s5, $0x3  }
0xb: {  	s22 =	sshrl.u32 s21, $0x1;
	s23 =	sshrl.u32 s8, $0x2;
	s25 =	sshrl.u32 s9, $0x3  }
0xc: {  	s7 =	sadd.s32 s7, s0;
	s5 =	sadd.s32 s5, s6;
	s14 =	ssub.s32 s21, s22  }
0xd: {  	s16 =	sadd.s32 s23, s2;
	s6 =	sor.u32 $0x1C04, s24;
	s21 =	simm.s32 $0x100  }
0xe: {  	s22 =	simm.s32 $0x280;
	s23 =	simm.s32 $0x50;
	s24 =	simm.s32 $0x300  }
0xf: {  	s5 =	sshrl.u32 s5, $0x3;
	s26 =	sadd.s32 $0x66400, s7;
	s7 =	sadd.s32 s15, s25  }
.Ltmp0:
0x10: {  	s14 =	smax.u32 s14, $0x1;
	s15 =	sadd.s32 s17, s15;
	(pc) =	sbr.rel .LBB2_1-.Ltmp0, $4  }
0x11: {  	s16 =	sshrl.u32 s16, $0x3;
	s17 =	simm.s32 $0x4;
	s25 =	simm.s32 $0x2B00  }
0x12: {  	s0 =	sadd.s32 s5, s0;
	[dreg:$0x3] =	wrdreg s26;
	s8 =	sadd.s32 $0x9C40, s7  }
0x13: {  	s9 =	sadd.s32 $0xA, s7;
	s10 =	sadd.s32 $0x9C4A, s7;
	s11 =	sadd.s32 $0x14, s7  }
0x14: {  	v0 =	vmov s1;
	s12 =	sadd.s32 $0x9C54, s7;
	s26 =	simm.s32 $0x5300;
	s13 =	sadd.s32 $0x8DC00, s0  }
.LBB2_4:
0x15: {  	_ =	swait.ge [sflag:s30], $0x2800  }
0x16: {  	[sflag:s30] =	ssyncset.done $0x0  }
0x17: {  	[sflag:s30] =	ssyncadd.s32 $0xFFFFD800  }
0x18: {  	[spmem:s2] =	stream.indirect.scatter.add.f32 [tilespmem:s26], [sflag:$0x4], $0x80, s22, s23, $0xb8;
	[tilespmem:$0x1B700] =	vst v63  }
0x19: {  	_ =	swait.ge [sflag:s17], $0x2800  }
0x1a: {  	[sflag:s17] =	ssyncset.done $0x0  }
0x1b: {  	[sflag:s17] =	ssyncadd.s32 $0xFFFFD800  }
0x1c: {  	_ =	swait.ge [sflag:s28], $0x2800  }
0x1d: {  	[sflag:s28] =	ssyncset.done $0x0  }
0x1e: {  	[sflag:s28] =	ssyncadd.s32 $0xFFFFD800  }
0x1f: {  	[spmem:s2] =	stream.indirect.scatter.add.f32 [tilespmem:s24], [sflag:$0x4], $0x80, s18, s23, $0xb8;
	[tilespmem:$0x1B700] =	vst v63  }
0x20: {  	_ =	swait.ge [sflag:s17], $0x2800  }
0x21: {  	s31 =	sadd.s32 $0x1, s31;
	[sflag:s17] =	ssyncset.done $0x0  }
0x22: {  	p0 =	sne.s32 s31, s14;
	[sflag:s17] =	ssyncadd.s32 $0xFFFFD800  }
.Ltmp1:
0x23: {  	[bflag:$0x0] =	sbarrier.arrive $0xFFFF;
	(pc) =	sbr.rel @!p0 .LBB2_5-.Ltmp1, $4  }
0x24: {  	[hbm:s13], [sflag:s6] =	dma.local [spmem:s16], $0x2780  }
0x25: {  	_ =	swait.ge [sflag:s17], $0x2780  }
0x26: {  	[sflag:s17] =	ssyncset.done $0x0  }
0x27: {  	[sflag:s17] =	ssyncadd.s32 $0xFFFFD880  }
.LBB2_1:
0x28: {  	s0 =	rddreg [dreg:$0x3]  }
0x29: {  	[spmem:s16], [sflag:s6] =	dma.local [hbm:s0], $0x2780  }
0x2a: {  	_ =	swait.ge [sflag:s17], $0x2780  }
0x2b: {  	[sflag:s17] =	ssyncset.done $0x0  }
0x2c: {  	[sflag:s17] =	ssyncadd.s32 $0xFFFFD880  }
0x2d: {  	[tilespmem:s3], [sflag:$0x4] =	stream.linear.gather [hbm4b:s7+s3], $0x50, $0x38;
	[tilespmem:$0x1B700] =	vst v63  }
0x2e: {  	_ =	swait.ge [sflag:s17], $0x50  }
0x2f: {  	[sflag:s17] =	ssyncset.done $0x0  }
0x30: {  	[sflag:s17] =	ssyncadd.s32 $0xFFFFFFB0  }
0x31: {  	[tilespmem:s18], [sflag:$0x4] =	stream.linear.gather [hbm4b:s8+s3], $0x50, $0x38;
	[tilespmem:$0x1B700] =	vst v63  }
0x32: {  	_ =	swait.ge [sflag:s17], $0x50  }
0x33: {  	[sflag:s17] =	ssyncset.done $0x0  }
0x34: {  	[sflag:s17] =	ssyncadd.s32 $0xFFFFFFB0  }
0x35: {  	v1 =	vld [tilespmem:$0x0]  }
0x36: {  	v2 =	vld [tilespmem:$0x10]  }
0x37: {  	v3 =	vld [tilespmem:$0x20]  }
0x38: {  	v4 =	vld [tilespmem:$0x30]  }
0x39: {  	v5 =	vld [tilespmem:$0x40]  }
0x3a: {  	v1 =	vadd.s32 v0, v1  }
0x3b: {  	[tilespmem:$0x0] =	vst v1;
	v1 =	vadd.s32 v0, v2  }
0x3c: {  	[tilespmem:$0x10] =	vst v1;
	v1 =	vadd.s32 v0, v3  }
0x3d: {  	[tilespmem:$0x20] =	vst v1;
	v1 =	vadd.s32 v0, v4  }
0x3e: {  	[tilespmem:$0x30] =	vst v1;
	v1 =	vadd.s32 v0, v5  }
0x3f: {  	[tilespmem:$0x40] =	vst v1  }
0x40: {  	[tilespmem:s19], [sflag:$0x4] =	stream.linear.gather [hbm4b:s9+s3], $0x50, $0x38;
	[tilespmem:$0x1B700] =	vst v63  }
0x41: {  	_ =	swait.ge [sflag:s17], $0x50  }
0x42: {  	[sflag:s17] =	ssyncset.done $0x0  }
0x43: {  	[sflag:s17] =	ssyncadd.s32 $0xFFFFFFB0  }
0x44: {  	[tilespmem:s20], [sflag:$0x4] =	stream.linear.gather [hbm4b:s10+s3], $0x50, $0x38;
	[tilespmem:$0x1B700] =	vst v63  }
0x45: {  	_ =	swait.ge [sflag:s17], $0x50  }
0x46: {  	[sflag:s17] =	ssyncset.done $0x0  }
0x47: {  	[sflag:s17] =	ssyncadd.s32 $0xFFFFFFB0  }
0x48: {  	v1 =	vld [tilespmem:$0x80]  }
0x49: {  	v2 =	vld [tilespmem:$0x90]  }
0x4a: {  	v3 =	vld [tilespmem:$0xA0]  }
0x4b: {  	v60 =	vld [tilespmem:$0xB0]  }
0x4c: {  	v61 =	vld [tilespmem:$0xC0]  }
0x4d: {  	v1 =	vadd.s32 v0, v1  }
0x4e: {  	[tilespmem:$0x80] =	vst v1;
	v1 =	vadd.s32 v0, v2  }
0x4f: {  	[tilespmem:$0x90] =	vst v1;
	v1 =	vadd.s32 v0, v3  }
0x50: {  	[tilespmem:$0xA0] =	vst v1;
	v1 =	vadd.s32 v0, v60  }
0x51: {  	[tilespmem:$0xB0] =	vst v1;
	v1 =	vadd.s32 v0, v61  }
0x52: {  	[tilespmem:$0xC0] =	vst v1  }
0x53: {  	[tilespmem:s21], [sflag:$0x4] =	stream.linear.gather [hbm4b:s11+s3], $0x50, $0x38;
	[tilespmem:$0x1B700] =	vst v63  }
0x54: {  	_ =	swait.ge [sflag:s17], $0x50  }
0x55: {  	[sflag:s17] =	ssyncset.done $0x0  }
0x56: {  	[sflag:s17] =	ssyncadd.s32 $0xFFFFFFB0  }
0x57: {  	[tilespmem:s22], [sflag:$0x4] =	stream.linear.gather [hbm4b:s12+s3], $0x50, $0x38;
	[tilespmem:$0x1B700] =	vst v63  }
0x58: {  	_ =	swait.ge [sflag:s17], $0x50  }
0x59: {  	[sflag:s17] =	ssyncset.done $0x0  }
0x5a: {  	[sflag:s17] =	ssyncadd.s32 $0xFFFFFFB0  }
0x5b: {  	v1 =	vld [tilespmem:$0x100]  }
0x5c: {  	v2 =	vld [tilespmem:$0x110]  }
0x5d: {  	v3 =	vld [tilespmem:$0x120]  }
0x5e: {  	v62 =	vld [tilespmem:$0x130]  }
0x5f: {  	v63 =	vld [tilespmem:$0x140]  }
0x60: {  	v1 =	vadd.s32 v0, v1  }
0x61: {  	[tilespmem:$0x100] =	vst v1;
	v1 =	vadd.s32 v0, v2  }
0x62: {  	[tilespmem:$0x110] =	vst v1;
	v1 =	vadd.s32 v0, v3  }
0x63: {  	[tilespmem:$0x120] =	vst v1;
	v1 =	vadd.s32 v0, v62  }
0x64: {  	[tilespmem:$0x130] =	vst v1;
	v1 =	vadd.s32 v0, v63  }
0x65: {  	[tilespmem:$0x140] =	vst v1  }
0x66: {  	[bflag:$0x0] =	sbarrier.arrive $0xFFFF  }
0x67: {  	[tilespmem:s24], [sflag:$0x1] =	stream.indirect.gather [hbm4b:s4+s23], $0x80, s3, s23, $0xb8;
	[tilespmem:$0x1B700] =	vst v63  }
0x68: {  	_ = 	snop  }
0x69: {  	[tilespmem:s25], [sflag:$0x2] =	stream.indirect.gather [hbm4b:s4+s23], $0x80, s19, s23, $0xb8;
	[tilespmem:$0x1B700] =	vst v63  }
0x6a: {  	s0 =	simm.s32 $0x0  }
0x6b: {  	[tilespmem:s26], [sflag:$0x3] =	stream.indirect.gather [hbm4b:s4+s23], $0x80, s21, s23, $0xb8;
	[tilespmem:$0x1B700] =	vst v63  }
.LBB2_2:
0x6c: {  	_ =	swait.ge [sflag:s28], $0x2800  }
0x6d: {  	[sflag:s28] =	ssyncset.done $0x0  }
0x6e: {  	[sflag:s28] =	ssyncadd.s32 $0xFFFFD800  }
0x6f: {  	[spmem:s2] =	stream.indirect.scatter.add.f32 [tilespmem:s24], [sflag:$0x4], $0x80, s18, s23, $0xb8;
	[tilespmem:$0x1B700] =	vst v63  }
0x70: {  	_ =	swait.ge [sflag:s17], $0x2800  }
0x71: {  	s1 =	sadd.s32 s0, s15;
	[sflag:s17] =	ssyncset.done $0x0  }
0x72: {  	s5 =	sadd.s32 $0x1E, s1;
	[sflag:s17] =	ssyncadd.s32 $0xFFFFD800  }
0x73: {  	[tilespmem:s3], [sflag:$0x4] =	stream.linear.gather [hbm4b:s5+s3], $0x50, $0x38;
	[tilespmem:$0x1B700] =	vst v63  }
0x74: {  	_ =	swait.ge [sflag:s17], $0x50  }
0x75: {  	[sflag:s17] =	ssyncset.done $0x0  }
0x76: {  	s5 =	sadd.s32 $0x9C5E, s1;
	[sflag:s17] =	ssyncadd.s32 $0xFFFFFFB0  }
0x77: {  	[tilespmem:s18], [sflag:$0x4] =	stream.linear.gather [hbm4b:s5+s3], $0x50, $0x38;
	[tilespmem:$0x1B700] =	vst v63  }
0x78: {  	_ =	swait.ge [sflag:s17], $0x50  }
0x79: {  	[sflag:s17] =	ssyncset.done $0x0  }
0x7a: {  	[sflag:s17] =	ssyncadd.s32 $0xFFFFFFB0  }
0x7b: {  	v1 =	vld [tilespmem:$0x0]  }
0x7c: {  	v2 =	vld [tilespmem:$0x10]  }
0x7d: {  	v3 =	vld [tilespmem:$0x20]  }
0x7e: {  	v4 =	vld [tilespmem:$0x30]  }
0x7f: {  	v5 =	vld [tilespmem:$0x40]  }
0x80: {  	v1 =	vadd.s32 v0, v1  }
0x81: {  	[tilespmem:$0x0] =	vst v1;
	v1 =	vadd.s32 v0, v2  }
0x82: {  	[tilespmem:$0x10] =	vst v1;
	v1 =	vadd.s32 v0, v3  }
0x83: {  	[tilespmem:$0x20] =	vst v1;
	v1 =	vadd.s32 v0, v4  }
0x84: {  	[tilespmem:$0x30] =	vst v1;
	v1 =	vadd.s32 v0, v5  }
0x85: {  	[tilespmem:$0x40] =	vst v1  }
0x86: {  	[tilespmem:s24], [sflag:$0x1] =	stream.indirect.gather [hbm4b:s4+s23], $0x80, s3, s23, $0xb8;
	[tilespmem:$0x1B700] =	vst v63  }
0x87: {  	_ =	swait.ge [sflag:s29], $0x2800  }
0x88: {  	p0 =	seq.s32 s0, $0x99C;
	[sflag:s29] =	ssyncset.done $0x0  }
.Ltmp2:
0x89: {  	[sflag:s29] =	ssyncadd.s32 $0xFFFFD800;
	(pc) =	sbr.rel @p0 .LBB2_4-.Ltmp2, $4  }
0x8a: {  	[spmem:s2] =	stream.indirect.scatter.add.f32 [tilespmem:s25], [sflag:$0x4], $0x80, s20, s23, $0xb8;
	[tilespmem:$0x1B700] =	vst v63  }
0x8b: {  	_ =	swait.ge [sflag:s17], $0x2800  }
0x8c: {  	[sflag:s17] =	ssyncset.done $0x0  }
0x8d: {  	[sflag:s17] =	ssyncadd.s32 $0xFFFFD800  }
0x8e: {  	s5 =	sadd.s32 $0x28, s1  }
0x8f: {  	[tilespmem:s19], [sflag:$0x4] =	stream.linear.gather [hbm4b:s5+s3], $0x50, $0x38;
	[tilespmem:$0x1B700] =	vst v63  }
0x90: {  	_ =	swait.ge [sflag:s17], $0x50  }
0x91: {  	[sflag:s17] =	ssyncset.done $0x0  }
0x92: {  	s5 =	sadd.s32 $0x9C68, s1;
	[sflag:s17] =	ssyncadd.s32 $0xFFFFFFB0  }
0x93: {  	[tilespmem:s20], [sflag:$0x4] =	stream.linear.gather [hbm4b:s5+s3], $0x50, $0x38;
	[tilespmem:$0x1B700] =	vst v63  }
0x94: {  	_ =	swait.ge [sflag:s17], $0x50  }
0x95: {  	[sflag:s17] =	ssyncset.done $0x0  }
0x96: {  	[sflag:s17] =	ssyncadd.s32 $0xFFFFFFB0  }
0x97: {  	v1 =	vld [tilespmem:$0x80]  }
0x98: {  	v2 =	vld [tilespmem:$0x90]  }
0x99: {  	v3 =	vld [tilespmem:$0xA0]  }
0x9a: {  	v4 =	vld [tilespmem:$0xB0]  }
0x9b: {  	v5 =	vld [tilespmem:$0xC0]  }
0x9c: {  	v1 =	vadd.s32 v0, v1  }
0x9d: {  	[tilespmem:$0x80] =	vst v1;
	v1 =	vadd.s32 v0, v2  }
0x9e: {  	[tilespmem:$0x90] =	vst v1;
	v1 =	vadd.s32 v0, v3  }
0x9f: {  	[tilespmem:$0xA0] =	vst v1;
	v1 =	vadd.s32 v0, v4  }
0xa0: {  	[tilespmem:$0xB0] =	vst v1;
	v1 =	vadd.s32 v0, v5  }
0xa1: {  	[tilespmem:$0xC0] =	vst v1  }
0xa2: {  	[tilespmem:s25], [sflag:$0x2] =	stream.indirect.gather [hbm4b:s4+s23], $0x80, s19, s23, $0xb8;
	[tilespmem:$0x1B700] =	vst v63  }
0xa3: {  	_ =	swait.ge [sflag:s30], $0x2800  }
0xa4: {  	[sflag:s30] =	ssyncset.done $0x0  }
0xa5: {  	[sflag:s30] =	ssyncadd.s32 $0xFFFFD800  }
0xa6: {  	[spmem:s2] =	stream.indirect.scatter.add.f32 [tilespmem:s26], [sflag:$0x4], $0x80, s22, s23, $0xb8;
	[tilespmem:$0x1B700] =	vst v63  }
0xa7: {  	_ =	swait.ge [sflag:s17], $0x2800  }
0xa8: {  	[sflag:s17] =	ssyncset.done $0x0  }
0xa9: {  	s5 =	sadd.s32 $0x32, s1;
	[sflag:s17] =	ssyncadd.s32 $0xFFFFD800  }
0xaa: {  	[tilespmem:s21], [sflag:$0x4] =	stream.linear.gather [hbm4b:s5+s3], $0x50, $0x38;
	[tilespmem:$0x1B700] =	vst v63  }
0xab: {  	_ =	swait.ge [sflag:s17], $0x50  }
0xac: {  	[sflag:s17] =	ssyncset.done $0x0  }
0xad: {  	s5 =	sadd.s32 $0x9C72, s1;
	[sflag:s17] =	ssyncadd.s32 $0xFFFFFFB0  }
0xae: {  	[tilespmem:s22], [sflag:$0x4] =	stream.linear.gather [hbm4b:s5+s3], $0x50, $0x38;
	[tilespmem:$0x1B700] =	vst v63  }
0xaf: {  	_ =	swait.ge [sflag:s17], $0x50  }
0xb0: {  	[sflag:s17] =	ssyncset.done $0x0  }
0xb1: {  	[sflag:s17] =	ssyncadd.s32 $0xFFFFFFB0  }
0xb2: {  	v1 =	vld [tilespmem:$0x100]  }
0xb3: {  	v2 =	vld [tilespmem:$0x110]  }
0xb4: {  	v3 =	vld [tilespmem:$0x120]  }
0xb5: {  	v62 =	vld [tilespmem:$0x130]  }
0xb6: {  	v63 =	vld [tilespmem:$0x140]  }
0xb7: {  	v1 =	vadd.s32 v0, v1  }
0xb8: {  	[tilespmem:$0x100] =	vst v1;
	v1 =	vadd.s32 v0, v2  }
.Ltmp3:
0xb9: {  	[tilespmem:$0x110] =	vst v1;
	v1 =	vadd.s32 v0, v3;
	(pc) =	sbr.rel .LBB2_2-.Ltmp3, $4  }
0xba: {  	[tilespmem:$0x120] =	vst v1;
	v1 =	vadd.s32 v0, v62  }
0xbb: {  	[tilespmem:$0x130] =	vst v1;
	v1 =	vadd.s32 v0, v63  }
0xbc: {  	s0 =	sadd.s32 $0x1E, s0;
	[tilespmem:$0x140] =	vst v1  }
0xbd: {  	[tilespmem:s26], [sflag:$0x3] =	stream.indirect.gather [hbm4b:s4+s23], $0x80, s21, s23, $0xb8;
	[tilespmem:$0x1B700] =	vst v63  }
.LBB2_5:
0xbe: {  	_ =	sfence.sel $0x180000  }
0xbf: {  	[bflag:$0x0] =	sbarrier.arrive $0xFFFF  }
0xc0: {  	_ =	strace $0x9000004A  }
0xc1: {  	s0 =	stileid.u32;
	[bflag:$0x2] =	sbarrier.arrive $0xFFFF  }
0xc2: {  	p0 =	sne.s32 s0, $0x0;
	s0 =	rddreg [dreg:$0x2]  }
0xc3: {  	s0 =	sadd.s32 @!p0 $0x100000, s0  }
0xc4: {  	[sflag:s0] =	ssyncadd.tile.s32 @!p0 $0x1;
	_ =	shalt  }
.Lfunc_end2:
_tile_overlayer_lowered:
.L_overlay_start_2:
0xc5: {  	(tag) =	ssettag $0x2  }
0xc6: {  	s0 =	rddreg [dreg:$0x0];
	s2 =	stileid.u32  }
0xc7: {  	s1 =	rddreg [dreg:$0x1];
	p0 =	sne.s32 s2, $0x0  }
0xc8: {  	s3 =	rddreg [dreg:$0x2];
	[bflag:$0x3] =	sbarrier.arrive $0xFFFF;
	s2 =	simm.s32 @!p0 $0x1C04  }
0xc9: {  	[timem:s3], [sflag:s2] =	dma.local @!p0 [hbm:s0], s1  }
0xca: {  	s0 =	simm.s32 @!p0 $0x4  }
0xcb: {  	_ =	swait.ge @!p0 [sflag:s0], s1  }
0xcc: {  	s1 =	ssub.s32 @!p0 $0x0, s1;
	[sflag:s0] =	ssyncset.done @!p0 $0x0  }
0xcd: {  	[sflag:s0] =	ssyncadd.s32 @!p0 s1  }
0xce: {  	[bflag:$0x3] =	sbarrier.arrive $0xFFFF  }
0xcf: {  	_ =	shalt  }

// kernel: kernel.16.cloned.1.call-start
scs
__scs_entry_jumppad:
0x0: {  	(pc) =	sbr.rel $0x88, $3  }
0x1: {  	(tag) =	ssettag $0x0;
	lr =	simm.s32 $0x1  }
0x2: {  	[smem:$0x3F93] =	sst lr;
	_ =	strace $0xD0000000  }
0x3: {  	_ = 	snop  }
0x4: {  	_ = 	snop  }
0x5: {  	_ = 	snop  }
0x6: {  	_ = 	snop  }
0x7: {  	_ = 	snop  }
__scs_overlays_trampoline_lowered:
0x8: {  	[smem:$0x3FA2] =	sst s0  }
0x9: {  	[smem:$0x3FA3] =	sst s1  }
0xa: {  	[smem:$0x3FA4] =	sst s2  }
0xb: {  	[smem:$0x3FA5] =	sst s3  }
0xc: {  	[smem:$0x3FA6] =	sst s4  }
0xd: {  	[smem:$0x3FA7] =	sst s5  }
0xe: {  	[smem:$0x3FA8] =	sst s6  }
0xf: {  	[smem:$0x3FA9] =	sst s7  }
0x10: {  	[smem:$0x3FAA] =	sst s8  }
0x11: {  	[smem:$0x3FAB] =	sst s9;
	s0 =	simm.s32 @!p0 $0x0  }
0x12: {  	s1 =	sld [smem:$0x3F91];
	s0 =	simm.s32 @p0 $0x1  }
0x13: {  	[smem:$0x3FAC] =	sst s0;
	s0 =	simm.s32 @!p1 $0x0  }
0x14: {  	s2 =	sld [smem:$0x3F90];
	s0 =	simm.s32 @p1 $0x1  }
0x15: {  	[smem:$0x3FAD] =	sst s0;
	s0 =	simm.s32 @!p2 $0x0  }
0x16: {  	s3 =	sld [smem:$0x3FDB];
	s0 =	simm.s32 @p2 $0x1  }
0x17: {  	s4 =	simm.s32 $0x1BF5;
	[smem:$0x3FAF] =	sst s0  }
0x18: {  	s0 =	sld [smem:$0x3F92];
	_ =	swait.ge [sflag:s4], $0x0  }
0x19: {  	s7 =	sld [smem:$0x3F93]  }
0x1a: {  	s8 =	sadd.s32 $0xFFFFE003, lr  }
0x1b: {  	s9 =	sadd.s32 $0xFFFFFEF7, lr;
	s5 =	simm.s32 $0xFFFFFFFF;
	p2 =	slt.u32 s8, $0xFFFFF086  }
0x1c: {  	p1 =	slt.u32 s9, $0xF7A;
	s5 =	simm.s32 @!p2 $0x0  }
0x1d: {  	s5 =	simm.s32 @p1 $0x1;
	p0 =	seq.s32 s7, s2  }
0x1e: {  	s7 =	smul.u32 @!p0 $0xF7A, s2;
	p2 =	seq.s32 @!p0 s5, $0x0  }
0x1f: {  	s9 =	smul.u32 $0xF7A, s1;
	s8 =	simm.s32 @!p0 $0x1BF5;
	p2 =	por !p2, p0  }
0x20: {  	[sflag:s8] =	ssyncset.s32 @!p0 $0xFFFFF086;
	s6 =	sadd.s32 @!p0 s3, s7;
	s7 =	simm.s32 @!p0 $0x108  }
0x21: {  	s3 =	sadd.s32 s3, s9;
	s6 =	sadd.s32 @!p0 $0x88, s6;
	s7 =	simm.s32 @p2 $0x1082  }
0x22: {  	[simem:s7], [sflag:s8] =	dma.local @!p0 [hbm:s6], $0xF7A  }
0x23: {  	s9 =	sor.u32 $0xD0000000, s2;
	s6 =	simm.s32 $0x108;
	_ =	swait.ge @!p0 [sflag:s8], $0x0  }
0x24: {  	s3 =	sadd.s32 $0x88, s3;
	s6 =	simm.s32 @!p1 $0x1082;
	[sflag:s4] =	ssyncset.s32 $0xFFFFF086  }
0x25: {  	[simem:s6], [sflag:s4] =	dma.local [hbm:s3], $0xF7A  }
0x26: {  	[smem:$0x3F93] =	sst s1;
	(tag) =	ssettag s2;
	_ =	strace s9  }
0x27: {  	s1 =	sld [smem:$0x3FA3]  }
0x28: {  	s2 =	sld [smem:$0x3FA4]  }
0x29: {  	s4 =	sld [smem:$0x3FA6]  }
0x2a: {  	p0 =	seq.s32 s5, $0x0;
	s5 =	sld [smem:$0x3FA7]  }
0x2b: {  	s6 =	sld [smem:$0x3FA8]  }
0x2c: {  	s7 =	sld [smem:$0x3FA9]  }
0x2d: {  	s3 =	simm.s32 $0x108;
	s8 =	sld [smem:$0x3FAA]  }
0x2e: {  	s3 =	simm.s32 @!p0 $0x1082;
	s9 =	sld [smem:$0x3FAB]  }
0x2f: {  	lr =	sadd.s32 s0, s3;
	s0 =	sld [smem:$0x3FA2]  }
0x30: {  	s3 =	sld [smem:$0x3FA5]  }
0x31: {  	[smem:$0x3FAE] =	sst s10  }
0x32: {  	s10 =	sld [smem:$0x3FAC];
	_ =	sdelay $0x3  }
0x33: {  	p0 =	seq.s32 s10, $0x1;
	s10 =	sld [smem:$0x3FAE];
	_ =	sdelay $0x3  }
0x34: {  	[smem:$0x3FAE] =	sst s10  }
0x35: {  	s10 =	sld [smem:$0x3FAD];
	_ =	sdelay $0x3  }
0x36: {  	p1 =	seq.s32 s10, $0x1;
	s10 =	sld [smem:$0x3FAE];
	_ =	sdelay $0x3  }
0x37: {  	[smem:$0x3FAE] =	sst s10  }
0x38: {  	s10 =	sld [smem:$0x3FAF]  }
0x39: {  	_ = 	snop;
	(pc) =	sbr.ind lr, $3  }
0x3a: {  	_ = 	snop  }
0x3b: {  	_ = 	snop  }
0x3c: {  	p2 =	seq.s32 s10, $0x1;
	s10 =	sld [smem:$0x3FAE]  }
0x3d: {  	_ =	shalt  }
0x3e: {  	_ =	shalt  }
0x3f: {  	_ =	shalt  }
0x40: {  	_ =	shalt  }
0x41: {  	_ =	shalt  }
0x42: {  	_ =	shalt  }
0x43: {  	_ =	shalt  }
0x44: {  	_ =	shalt  }
0x45: {  	_ =	shalt  }
0x46: {  	_ =	shalt  }
0x47: {  	_ =	shalt  }
0x48: {  	_ =	shalt  }
0x49: {  	_ =	shalt  }
0x4a: {  	_ =	shalt  }
0x4b: {  	_ =	shalt  }
0x4c: {  	_ =	shalt  }
0x4d: {  	_ =	shalt  }
0x4e: {  	_ =	shalt  }
0x4f: {  	_ =	shalt  }
0x50: {  	_ =	shalt  }
0x51: {  	_ =	shalt  }
0x52: {  	_ =	shalt  }
0x53: {  	_ =	shalt  }
0x54: {  	_ =	shalt  }
0x55: {  	_ =	shalt  }
0x56: {  	_ =	shalt  }
0x57: {  	_ =	shalt  }
0x58: {  	_ =	shalt  }
0x59: {  	_ =	shalt  }
0x5a: {  	_ =	shalt  }
0x5b: {  	_ =	shalt  }
0x5c: {  	_ =	shalt  }
0x5d: {  	_ =	shalt  }
0x5e: {  	_ =	shalt  }
0x5f: {  	_ =	shalt  }
0x60: {  	_ =	shalt  }
0x61: {  	_ =	shalt  }
0x62: {  	_ =	shalt  }
0x63: {  	_ =	shalt  }
0x64: {  	_ =	shalt  }
0x65: {  	_ =	shalt  }
0x66: {  	_ =	shalt  }
0x67: {  	_ =	shalt  }
0x68: {  	_ =	shalt  }
0x69: {  	_ =	shalt  }
0x6a: {  	_ =	shalt  }
0x6b: {  	_ =	shalt  }
0x6c: {  	_ =	shalt  }
0x6d: {  	_ =	shalt  }
0x6e: {  	_ =	shalt  }
0x6f: {  	_ =	shalt  }
0x70: {  	_ =	shalt  }
0x71: {  	_ =	shalt  }
0x72: {  	_ =	shalt  }
0x73: {  	_ =	shalt  }
0x74: {  	_ =	shalt  }
0x75: {  	_ =	shalt  }
0x76: {  	_ =	shalt  }
0x77: {  	_ =	shalt  }
0x78: {  	_ =	shalt  }
0x79: {  	_ =	shalt  }
0x7a: {  	_ =	shalt  }
0x7b: {  	_ =	shalt  }
0x7c: {  	_ =	shalt  }
0x7d: {  	_ =	shalt  }
0x7e: {  	_ =	shalt  }
0x7f: {  	_ =	shalt  }
0x80: {  	_ =	shalt  }
0x81: {  	_ =	shalt  }
0x82: {  	_ =	shalt  }
0x83: {  	_ =	shalt  }
0x84: {  	_ =	shalt  }
0x85: {  	_ =	shalt  }
0x86: {  	_ =	shalt  }
0x87: {  	_ =	shalt  }
.Lfunc_end0:
.L_simem_size_0:
called_computation.2_lowered:
.L_overlay_start_0:
0x88: {  	s2 =	sld [smem:$0x3FD9]  }
0x89: {  	s3 =	sld [smem:$0x3FFE];
	_ =	sdelay $0x1  }
0x8a: {  	s1 =	srdreg.scid  }
0x8b: {  	s0 =	sand.u32 $0x1, s1  }
0x8c: {  	s16 =	sshll.u32 s0, $0xA;
	s2 =	sadd.s32 s3, s2  }
0x8d: {  	s2 =	sadd.s32 s2, s16  }
0x8e: {  	[smem:$0x3FBA] =	sst s2  }
0x8f: {  	_ = 	snop  }
0x90: {  	(tm) =	ssettm $0x1  }
0x91: {  	s17 =	sld [smem:$0x3FFB];
	_ =	sdelay $0x3  }
0x92: {  	_ =	strace s17  }
0x93: {  	s2 =	sld [smem:$0x3FFC];
	_ =	sdelay $0x3  }
0x94: {  	_ =	strace s2  }
0x95: {  	s2 =	sld [smem:$0x3FFD];
	_ =	sdelay $0x3  }
0x96: {  	_ =	strace s2  }
0x97: {  	_ =	strace $0x8FFFFFFF  }
0x98: {  	s18 =	sld [smem:$0x3FDB];
	_ =	sdelay $0x1  }
0x99: {  	s19 =	simm.s32 $_scs_section_size  }
0x9a: {  	s4 =	simm.s32 $_size__tile_overlayer_lowered;
	s5 =	simm.s32 $_tile_overlayer_lowered  }
0x9b: {  	s22 =	simm.s32 $0x1BFF;
	s21 =	sshll.u32 s5, $0x1;
	s2 =	sadd.s32 s19, s18  }
0x9c: {  	s6 =	simm.s32 $0x0;
	s20 =	sshll.u32 s4, $0x1;
	s4 =	sadd.s32 s21, s2  }
0x9d: {  	[timem:s6], [sflag:s22] =	dma.local [hbm:s4], s20  }
0x9e: {  	_ =	swait.ge [sflag:s22], s20  }
0x9f: {  	s3 =	ssub.s32 $0x0, s20;
	[sflag:s22] =	ssyncset.done $0x0  }
0xa0: {  	[sflag:s22] =	ssyncadd.s32 s3;
	_ =	sdelay $0x1  }
0xa1: {  	s23 =	simm.s32 $0x1B8B  }
0xa2: {  	_ =	swait.ge [sflag:s23], $0x1  }
0xa3: {  	[sflag:s23] =	ssyncset.done $0x0  }
0xa4: {  	s25 =	simm.s32 $0x1B8E;
	s24 =	sld [smem:$0x3FFE];
	[sflag:s23] =	ssyncadd.s32 $0xFFFFFFFF  }
0xa5: {  	s26 =	simm.s32 $execute0_lowered;
	[smem:$0x3FD2] =	sst s25  }
0xa6: {  	s4 =	sshll.u32 s26, $0x1;
	_ =	strace $0x8000004C;
	[dreg:$0x1] =	wrdreg $0xFFFFFFFF  }
0xa7: {  	s28 =	simm.s32 $_size_execute0_lowered;
	s2 =	sadd.s32 s2, s4;
	[dreg:$0x0] =	wrdreg $0x0  }
0xa8: {  	s4 =	sshll.u32 s28, $0x1;
	[dreg:$0x2] =	wrdreg s2  }
0xa9: {  	[dreg:$0x3] =	wrdreg s4  }
0xaa: {  	[dreg:$0x4] =	wrdreg $0xC0  }
0xab: {  	_ =	task [dreg:s6], $0x5FFFF  }
0xac: {  	[dreg:$0x1] =	wrdreg $0xFFFFFFFF  }
0xad: {  	[dreg:$0x0] =	wrdreg $0x60  }
0xae: {  	[dreg:$0x2] =	wrdreg s24  }
0xaf: {  	[dreg:$0x3] =	wrdreg $0x7B000  }
0xb0: {  	[dreg:$0x4] =	wrdreg $0x9  }
0xb1: {  	_ =	task.clear_ibuf [dreg:s6], $0x5FFFF;
	_ =	strace $0x9000004C  }
0xb2: {  	s29 =	simm.s32 $0x9;
	_ =	strace $0x8000004E  }
0xb3: {  	_ =	swait.ge [sflag:s29], $0x1  }
0xb4: {  	[sflag:s29] =	ssyncadd.s32 $0xFFFFFFFF  }
0xb5: {  	_ =	strace $0x9000004E  }
0xb6: {  	_ =	sfence  }
0xb7: {  	s30 =	sld [smem:$0x0];
	_ =	sdelay $0x2  }
0xb8: {  	s31 =	sshll.u32 s1, $0xD;
	s1 =	sshrl.u32 s1, $0x2  }
0xb9: {  	s3 =	sand.u32 $0x4000, s31;
	s1 =	sadd.s32 s1, s30  }
0xba: {  	s0 =	sor.u32 s3, s0;
	s1 =	sshll.u32 s1, $0x11  }
0xbb: {  	s0 =	sor.u32 s1, s0  }
0xbc: {  	s0 =	sadd.s32 $0x8F2B, s0  }
0xbd: {  	[sflag:s0] =	ssyncadd.remote.s32 $0x1  }
0xbe: {  	_ =	sfence.sel $0xFFFF  }
0xbf: {  	[dreg:$0x0] =	wrdreg $0xFFFFFFFF;
	(pc) =	sbr.abs _section_cstart, $3  }
0xc0: {  	[dreg:$0x1] =	wrdreg $0xFFFFFFFF  }
0xc1: {  	_ =	task.clear_ibuf [dreg:s6], $0x2FFFF;
	_ =	strace $0x9FFFFFFF  }
0xc2: {  	(tm) =	ssettm $0x7FFFFFFF  }
0xc3: {  	_ =	shalt  }
tec
execute0_lowered:
.L_overlay_start_1:
0x0: {  	(tag) =	ssettag $0x1  }
0x1: {  	s0 =	rddreg [dreg:$0x0]  }
0x2: {  	s2 =	rddreg [dreg:$0x1]  }
0x3: {  	s11 =	stileid.u32;
	s1 =	srdreg.scid;
	s3 =	simm.s32 $0x0  }
0x4: {  	s28 =	simm.s32 $0x100;
	s29 =	simm.s32 $0x280;
	s30 =	simm.s32 $0x50  }
0x5: {  	s31 =	simm.s32 $0x300;
	s6 =	smul.u32 $0x13C00, s11;
	s1 =	sand.u32 $0x1, s1  }
0x6: {  	[smem:$0x7FF] =	sst s3;
	s4 =	sadd.s32 $0x18200, s0;
	s9 =	smul.u32 $0x4F000, s11  }
0x7: {  	s5 =	sadd.s32 $0x4800, s0;
	s12 =	sshll.u32 s11, $0x6;
	s14 =	smul.u32 $0x2710, s11  }
0x8: {  	s7 =	smul.u32 $0x13C000, s1;
	_ =	strace $0x8000004D;
	s25 =	sshll.u32 s1, $0x4  }
0x9: {  	s26 =	ssub.s32 $0x2, s1;
	s1 =	smul.u32 $0x27100, s1;
	s8 =	sshrl.u32 s6, $0x3  }
0xa: {  	s10 =	sshrl.u32 s26, $0x1;
	s9 =	sshrl.u32 s9, $0x2;
	s8 =	sadd.s32 s8, s0  }
0xb: {  	s6 =	sadd.s32 s6, s7;
	s7 =	sor.u32 s11, s25;
	s9 =	sadd.s32 s9, s2  }
0xc: {  	s1 =	sadd.s32 s14, s1;
	s11 =	simm.s32 $0x0;
	s6 =	sshrl.u32 s6, $0x3  }
0xd: {  	s7 =	smul.u32 $0x2710, s7;
	s8 =	sadd.s32 $0x66400, s8;
	s20 =	sadd.s32 $0x190, s1  }
0xe: {  	s22 =	sadd.s32 $0x140, s1;
	s23 =	sadd.s32 $0x4E340, s1;
	s24 =	sadd.s32 $0x4E2F0, s1  }
0xf: {  	s0 =	sadd.s32 s6, s0;
	s6 =	ssub.s32 s26, s10;
	[dreg:$0x3] =	wrdreg s8  }
0x10: {  	s10 =	sadd.s32 $0x4E390, s1;
	s25 =	sshrl.u32 s23, $0x3;
	s26 =	sshrl.u32 s24, $0x3  }
0x11: {  	s23 =	simm.s32 $0x4;
	s24 =	simm.s32 $0x180;
	s13 =	sshrl.u32 s7, $0x3  }
0x12: {  	s7 =	sor.u32 $0x1C04, s12;
	s0 =	sadd.s32 $0x8DC00, s0;
	s8 =	sadd.s32 s5, s13  }
0x13: {  	s21 =	sshrl.u32 s10, $0x3;
	[dreg:$0x9] =	wrdreg s0;
	s15 =	sadd.s32 $0x9C40, s8  }
0x14: {  	s12 =	sadd.s32 $0xF0, s1;
	s16 =	sadd.s32 $0xA, s8;
	[dreg:$0x4] =	wrdreg s15  }
0x15: {  	s1 =	simm.s32 $0x5300;
	s17 =	sadd.s32 $0x9C4A, s8;
	[dreg:$0x5] =	wrdreg s16  }
0x16: {  	s10 =	simm.s32 $0x3;
	s18 =	sadd.s32 $0x14, s8;
	[dreg:$0x6] =	wrdreg s17  }
0x17: {  	s0 =	sshrl.u32 s20, $0x3;
	s19 =	sadd.s32 $0x9C54, s8;
	[dreg:$0x7] =	wrdreg s18  }
.Ltmp0:
0x18: {  	[dreg:$0x8] =	wrdreg s19;
	s15 =	smax.u32 s6, $0x1;
	(pc) =	sbr.rel .LBB2_1-.Ltmp0, $4  }
0x19: {  	s16 =	sadd.s32 s0, s5;
	s17 =	sadd.s32 s21, s5;
	s0 =	sshrl.u32 s22, $0x3  }
0x1a: {  	s19 =	sadd.s32 s25, s5;
	s21 =	sadd.s32 s26, s5;
	s22 =	sshrl.u32 s9, $0x3  }
0x1b: {  	s25 =	simm.s32 $0x80;
	s26 =	simm.s32 $0x200;
	s6 =	simm.s32 $0x1  }
0x1c: {  	s9 =	simm.s32 $0x2;
	s18 =	sadd.s32 s0, s5;
	s0 =	simm.s32 $0x2B00  }
.LBB2_4:
0x1d: {  	_ =	swait.ge [sflag:s6], $0x2800  }
0x1e: {  	[sflag:s6] =	ssyncset.done $0x0  }
0x1f: {  	[sflag:s6] =	ssyncadd.s32 $0xFFFFD800  }
0x20: {  	[spmem:s2] =	stream.indirect.scatter.add.f32 [tilespmem:s31], [sflag:$0x4], $0x80, s24, s30, $0xb8;
	[tilespmem:$0x1B700] =	vst v63  }
0x21: {  	_ =	swait.ge [sflag:s23], $0x2800  }
0x22: {  	[sflag:s23] =	ssyncset.done $0x0  }
0x23: {  	[sflag:s23] =	ssyncadd.s32 $0xFFFFD800  }
0x24: {  	_ =	swait.ge [sflag:s9], $0x2800  }
0x25: {  	[sflag:s9] =	ssyncset.done $0x0  }
0x26: {  	[sflag:s9] =	ssyncadd.s32 $0xFFFFD800  }
0x27: {  	[spmem:s2] =	stream.indirect.scatter.add.f32 [tilespmem:s0], [sflag:$0x4], $0x80, s26, s30, $0xb8;
	[tilespmem:$0x1B700] =	vst v63  }
0x28: {  	_ =	swait.ge [sflag:s23], $0x2800  }
0x29: {  	[sflag:s23] =	ssyncset.done $0x0  }
0x2a: {  	s11 =	sadd.s32 $0x1, s11;
	[sflag:s23] =	ssyncadd.s32 $0xFFFFD800  }
0x2b: {  	p0 =	sne.s32 s11, s15;
	[bflag:$0x0] =	sbarrier.arrive $0xFFFF  }
.Ltmp1:
0x2c: {  	s13 =	rddreg [dreg:$0x9];
	(pc) =	sbr.rel @!p0 .LBB2_5-.Ltmp1, $4  }
0x2d: {  	[hbm:s13], [sflag:s7] =	dma.local [spmem:s22], $0x2780  }
0x2e: {  	_ =	swait.ge [sflag:s23], $0x2780  }
0x2f: {  	[sflag:s23] =	ssyncset.done $0x0  }
0x30: {  	[sflag:s23] =	ssyncadd.s32 $0xFFFFD880  }
.LBB2_1:
0x31: {  	s13 =	rddreg [dreg:$0x3]  }
0x32: {  	[spmem:s22], [sflag:s7] =	dma.local [hbm:s13], $0x2780  }
0x33: {  	_ =	swait.ge [sflag:s23], $0x2780  }
0x34: {  	[sflag:s23] =	ssyncset.done $0x0  }
0x35: {  	[sflag:s23] =	ssyncadd.s32 $0xFFFFD880  }
0x36: {  	[tilespmem:s3], [sflag:$0x4] =	stream.linear.gather [hbm4b:s8+s3], $0x50, $0x38;
	[tilespmem:$0x1B700] =	vst v63  }
0x37: {  	_ =	swait.ge [sflag:s23], $0x50  }
0x38: {  	[sflag:s23] =	ssyncset.done $0x0  }
0x39: {  	s20 =	rddreg [dreg:$0x4];
	[sflag:s23] =	ssyncadd.s32 $0xFFFFFFB0  }
0x3a: {  	[tilespmem:s24], [sflag:$0x4] =	stream.linear.gather [hbm4b:s20+s3], $0x50, $0x38;
	[tilespmem:$0x1B700] =	vst v63  }
0x3b: {  	_ =	swait.ge [sflag:s23], $0x50  }
0x3c: {  	[sflag:s23] =	ssyncset.done $0x0  }
0x3d: {  	s14 =	rddreg [dreg:$0x5];
	[sflag:s23] =	ssyncadd.s32 $0xFFFFFFB0  }
0x3e: {  	[tilespmem:s25], [sflag:$0x4] =	stream.linear.gather [hbm4b:s14+s3], $0x50, $0x38;
	[tilespmem:$0x1B700] =	vst v63  }
0x3f: {  	_ =	swait.ge [sflag:s23], $0x50  }
0x40: {  	[sflag:s23] =	ssyncset.done $0x0  }
0x41: {  	s20 =	rddreg [dreg:$0x6];
	[sflag:s23] =	ssyncadd.s32 $0xFFFFFFB0  }
0x42: {  	[tilespmem:s26], [sflag:$0x4] =	stream.linear.gather [hbm4b:s20+s3], $0x50, $0x38;
	[tilespmem:$0x1B700] =	vst v63  }
0x43: {  	_ =	swait.ge [sflag:s23], $0x50  }
0x44: {  	[sflag:s23] =	ssyncset.done $0x0  }
0x45: {  	s14 =	rddreg [dreg:$0x7];
	[sflag:s23] =	ssyncadd.s32 $0xFFFFFFB0  }
0x46: {  	[tilespmem:s28], [sflag:$0x4] =	stream.linear.gather [hbm4b:s14+s3], $0x50, $0x38;
	[tilespmem:$0x1B700] =	vst v63  }
0x47: {  	_ =	swait.ge [sflag:s23], $0x50  }
0x48: {  	[sflag:s23] =	ssyncset.done $0x0  }
0x49: {  	s20 =	rddreg [dreg:$0x8];
	[sflag:s23] =	ssyncadd.s32 $0xFFFFFFB0  }
0x4a: {  	[tilespmem:s29], [sflag:$0x4] =	stream.linear.gather [hbm4b:s20+s3], $0x50, $0x38;
	[tilespmem:$0x1B700] =	vst v63  }
0x4b: {  	_ =	swait.ge [sflag:s23], $0x50  }
0x4c: {  	[sflag:s23] =	ssyncset.done $0x0  }
0x4d: {  	[sflag:s23] =	ssyncadd.s32 $0xFFFFFFB0  }
0x4e: {  	[bflag:$0x0] =	sbarrier.arrive $0xFFFF  }
0x4f: {  	[tilespmem:s31], [sflag:$0x1] =	stream.indirect.gather [hbm4b:s4+s30], $0x80, s3, s30, $0xb8;
	[tilespmem:$0x1B700] =	vst v63  }
0x50: {  	_ = 	snop  }
0x51: {  	[tilespmem:s0], [sflag:$0x2] =	stream.indirect.gather [hbm4b:s4+s30], $0x80, s25, s30, $0xb8;
	[tilespmem:$0x1B700] =	vst v63  }
0x52: {  	s13 =	simm.s32 $0x0;
	s20 =	smov.u32 s12  }
0x53: {  	[tilespmem:s1], [sflag:$0x3] =	stream.indirect.gather [hbm4b:s4+s30], $0x80, s28, s30, $0xb8;
	[tilespmem:$0x1B700] =	vst v63  }
.LBB2_2:
0x54: {  	_ =	swait.ge [sflag:s6], $0x2800  }
0x55: {  	[sflag:s6] =	ssyncset.done $0x0  }
0x56: {  	[sflag:s6] =	ssyncadd.s32 $0xFFFFD800  }
0x57: {  	[spmem:s2] =	stream.indirect.scatter.add.f32 [tilespmem:s31], [sflag:$0x4], $0x80, s24, s30, $0xb8;
	[tilespmem:$0x1B700] =	vst v63  }
0x58: {  	_ =	swait.ge [sflag:s23], $0x2800  }
0x59: {  	s14 =	sshrl.u32 s20, $0x3;
	[sflag:s23] =	ssyncset.done $0x0  }
0x5a: {  	s14 =	sadd.s32 s5, s14;
	[sflag:s23] =	ssyncadd.s32 $0xFFFFD800  }
0x5b: {  	[tilespmem:s3], [sflag:$0x4] =	stream.linear.gather [hbm4b:s14+s3], $0x50, $0x38;
	[tilespmem:$0x1B700] =	vst v63  }
0x5c: {  	_ =	swait.ge [sflag:s23], $0x50  }
0x5d: {  	[sflag:s23] =	ssyncset.done $0x0  }
0x5e: {  	s14 =	sadd.s32 s13, s21;
	[sflag:s23] =	ssyncadd.s32 $0xFFFFFFB0  }
0x5f: {  	[tilespmem:s24], [sflag:$0x4] =	stream.linear.gather [hbm4b:s14+s3], $0x50, $0x38;
	[tilespmem:$0x1B700] =	vst v63  }
0x60: {  	_ =	swait.ge [sflag:s23], $0x50  }
0x61: {  	[sflag:s23] =	ssyncset.done $0x0  }
0x62: {  	[sflag:s23] =	ssyncadd.s32 $0xFFFFFFB0  }
0x63: {  	[tilespmem:s31], [sflag:$0x1] =	stream.indirect.gather [hbm4b:s4+s30], $0x80, s3, s30, $0xb8;
	[tilespmem:$0x1B700] =	vst v63  }
0x64: {  	_ =	swait.ge [sflag:s9], $0x2800  }
0x65: {  	[sflag:s9] =	ssyncset.done $0x0  }
0x66: {  	[sflag:s9] =	ssyncadd.s32 $0xFFFFD800  }
0x67: {  	[spmem:s2] =	stream.indirect.scatter.add.f32 [tilespmem:s0], [sflag:$0x4], $0x80, s26, s30, $0xb8;
	[tilespmem:$0x1B700] =	vst v63  }
0x68: {  	_ =	swait.ge [sflag:s23], $0x2800  }
0x69: {  	[sflag:s23] =	ssyncset.done $0x0  }
0x6a: {  	s14 =	sadd.s32 s13, s18;
	[sflag:s23] =	ssyncadd.s32 $0xFFFFD800  }
0x6b: {  	[tilespmem:s25], [sflag:$0x4] =	stream.linear.gather [hbm4b:s14+s3], $0x50, $0x38;
	[tilespmem:$0x1B700] =	vst v63  }
0x6c: {  	_ =	swait.ge [sflag:s23], $0x50  }
0x6d: {  	[sflag:s23] =	ssyncset.done $0x0  }
0x6e: {  	s14 =	sadd.s32 s13, s19;
	[sflag:s23] =	ssyncadd.s32 $0xFFFFFFB0  }
0x6f: {  	[tilespmem:s26], [sflag:$0x4] =	stream.linear.gather [hbm4b:s14+s3], $0x50, $0x38;
	[tilespmem:$0x1B700] =	vst v63  }
0x70: {  	_ =	swait.ge [sflag:s23], $0x50  }
0x71: {  	[sflag:s23] =	ssyncset.done $0x0  }
0x72: {  	[sflag:s23] =	ssyncadd.s32 $0xFFFFFFB0  }
0x73: {  	[tilespmem:s0], [sflag:$0x2] =	stream.indirect.gather [hbm4b:s4+s30], $0x80, s25, s30, $0xb8;
	[tilespmem:$0x1B700] =	vst v63  }
0x74: {  	_ =	swait.ge [sflag:s10], $0x2800  }
0x75: {  	p0 =	seq.s32 s13, $0x4B0;
	[sflag:s10] =	ssyncset.done $0x0  }
.Ltmp2:
0x76: {  	[sflag:s10] =	ssyncadd.s32 $0xFFFFD800;
	(pc) =	sbr.rel @p0 .LBB2_4-.Ltmp2, $4  }
0x77: {  	[spmem:s2] =	stream.indirect.scatter.add.f32 [tilespmem:s1], [sflag:$0x4], $0x80, s29, s30, $0xb8;
	[tilespmem:$0x1B700] =	vst v63  }
0x78: {  	_ =	swait.ge [sflag:s23], $0x2800  }
0x79: {  	[sflag:s23] =	ssyncset.done $0x0  }
0x7a: {  	[sflag:s23] =	ssyncadd.s32 $0xFFFFD800  }
0x7b: {  	s14 =	sadd.s32 s13, s16  }
0x7c: {  	[tilespmem:s28], [sflag:$0x4] =	stream.linear.gather [hbm4b:s14+s3], $0x50, $0x38;
	[tilespmem:$0x1B700] =	vst v63  }
0x7d: {  	_ =	swait.ge [sflag:s23], $0x50  }
0x7e: {  	[sflag:s23] =	ssyncset.done $0x0  }
0x7f: {  	s14 =	sadd.s32 s13, s17;
	[sflag:s23] =	ssyncadd.s32 $0xFFFFFFB0  }
0x80: {  	[tilespmem:s29], [sflag:$0x4] =	stream.linear.gather [hbm4b:s14+s3], $0x50, $0x38;
	[tilespmem:$0x1B700] =	vst v63  }
.Ltmp3:
0x81: {  	_ = 	snop;
	(pc) =	sbr.rel .LBB2_2-.Ltmp3, $4  }
0x82: {  	_ =	swait.ge [sflag:s23], $0x50  }
0x83: {  	[sflag:s23] =	ssyncset.done $0x0  }
0x84: {  	s20 =	sadd.s32 $0xF0, s20;
	s13 =	sadd.s32 $0x1E, s13;
	[sflag:s23] =	ssyncadd.s32 $0xFFFFFFB0  }
0x85: {  	[tilespmem:s1], [sflag:$0x3] =	stream.indirect.gather [hbm4b:s4+s30], $0x80, s28, s30, $0xb8;
	[tilespmem:$0x1B700] =	vst v63  }
.LBB2_5:
0x86: {  	_ =	sfence.sel $0x180000  }
0x87: {  	[bflag:$0x0] =	sbarrier.arrive $0xFFFF  }
0x88: {  	_ =	strace $0x9000004D  }
0x89: {  	s0 =	stileid.u32;
	[bflag:$0x2] =	sbarrier.arrive $0xFFFF  }
0x8a: {  	p0 =	sne.s32 s0, $0x0;
	s0 =	rddreg [dreg:$0x2]  }
0x8b: {  	s0 =	sadd.s32 @!p0 $0x100000, s0  }
0x8c: {  	[sflag:s0] =	ssyncadd.tile.s32 @!p0 $0x1;
	_ =	shalt  }
.Lfunc_end2:
_tile_overlayer_lowered:
.L_overlay_start_2:
0x8d: {  	(tag) =	ssettag $0x2  }
0x8e: {  	s0 =	rddreg [dreg:$0x0];
	s2 =	stileid.u32  }
0x8f: {  	s1 =	rddreg [dreg:$0x1];
	p0 =	sne.s32 s2, $0x0  }
0x90: {  	s3 =	rddreg [dreg:$0x2];
	[bflag:$0x3] =	sbarrier.arrive $0xFFFF;
	s2 =	simm.s32 @!p0 $0x1C04  }
0x91: {  	[timem:s3], [sflag:s2] =	dma.local @!p0 [hbm:s0], s1  }
0x92: {  	s0 =	simm.s32 @!p0 $0x4  }
0x93: {  	_ =	swait.ge @!p0 [sflag:s0], s1  }
0x94: {  	s1 =	ssub.s32 @!p0 $0x0, s1;
	[sflag:s0] =	ssyncset.done @!p0 $0x0  }
0x95: {  	[sflag:s0] =	ssyncadd.s32 @!p0 s1  }
0x96: {  	[bflag:$0x3] =	sbarrier.arrive $0xFFFF  }
0x97: {  	_ =	shalt  }

// kernel: kernel.19.cloned.1.call-start
scs
__scs_entry_jumppad:
0x0: {  	(pc) =	sbr.rel $0x88, $3  }
0x1: {  	(tag) =	ssettag $0x0;
	lr =	simm.s32 $0x1  }
0x2: {  	[smem:$0x3F93] =	sst lr;
	_ =	strace $0xD0000000  }
0x3: {  	_ = 	snop  }
0x4: {  	_ = 	snop  }
0x5: {  	_ = 	snop  }
0x6: {  	_ = 	snop  }
0x7: {  	_ = 	snop  }
__scs_overlays_trampoline_lowered:
0x8: {  	[smem:$0x3FA2] =	sst s0  }
0x9: {  	[smem:$0x3FA3] =	sst s1  }
0xa: {  	[smem:$0x3FA4] =	sst s2  }
0xb: {  	[smem:$0x3FA5] =	sst s3  }
0xc: {  	[smem:$0x3FA6] =	sst s4  }
0xd: {  	[smem:$0x3FA7] =	sst s5  }
0xe: {  	[smem:$0x3FA8] =	sst s6  }
0xf: {  	[smem:$0x3FA9] =	sst s7  }
0x10: {  	[smem:$0x3FAA] =	sst s8  }
0x11: {  	[smem:$0x3FAB] =	sst s9;
	s0 =	simm.s32 @!p0 $0x0  }
0x12: {  	s1 =	sld [smem:$0x3F91];
	s0 =	simm.s32 @p0 $0x1  }
0x13: {  	[smem:$0x3FAC] =	sst s0;
	s0 =	simm.s32 @!p1 $0x0  }
0x14: {  	s2 =	sld [smem:$0x3F90];
	s0 =	simm.s32 @p1 $0x1  }
0x15: {  	[smem:$0x3FAD] =	sst s0;
	s0 =	simm.s32 @!p2 $0x0  }
0x16: {  	s3 =	sld [smem:$0x3FDB];
	s0 =	simm.s32 @p2 $0x1  }
0x17: {  	s4 =	simm.s32 $0x1BF5;
	[smem:$0x3FAF] =	sst s0  }
0x18: {  	s0 =	sld [smem:$0x3F92];
	_ =	swait.ge [sflag:s4], $0x0  }
0x19: {  	s7 =	sld [smem:$0x3F93]  }
0x1a: {  	s8 =	sadd.s32 $0xFFFFE003, lr  }
0x1b: {  	s9 =	sadd.s32 $0xFFFFFEF7, lr;
	s5 =	simm.s32 $0xFFFFFFFF;
	p2 =	slt.u32 s8, $0xFFFFF086  }
0x1c: {  	p1 =	slt.u32 s9, $0xF7A;
	s5 =	simm.s32 @!p2 $0x0  }
0x1d: {  	s5 =	simm.s32 @p1 $0x1;
	p0 =	seq.s32 s7, s2  }
0x1e: {  	s7 =	smul.u32 @!p0 $0xF7A, s2;
	p2 =	seq.s32 @!p0 s5, $0x0  }
0x1f: {  	s9 =	smul.u32 $0xF7A, s1;
	s8 =	simm.s32 @!p0 $0x1BF5;
	p2 =	por !p2, p0  }
0x20: {  	[sflag:s8] =	ssyncset.s32 @!p0 $0xFFFFF086;
	s6 =	sadd.s32 @!p0 s3, s7;
	s7 =	simm.s32 @!p0 $0x108  }
0x21: {  	s3 =	sadd.s32 s3, s9;
	s6 =	sadd.s32 @!p0 $0x88, s6;
	s7 =	simm.s32 @p2 $0x1082  }
0x22: {  	[simem:s7], [sflag:s8] =	dma.local @!p0 [hbm:s6], $0xF7A  }
0x23: {  	s9 =	sor.u32 $0xD0000000, s2;
	s6 =	simm.s32 $0x108;
	_ =	swait.ge @!p0 [sflag:s8], $0x0  }
0x24: {  	s3 =	sadd.s32 $0x88, s3;
	s6 =	simm.s32 @!p1 $0x1082;
	[sflag:s4] =	ssyncset.s32 $0xFFFFF086  }
0x25: {  	[simem:s6], [sflag:s4] =	dma.local [hbm:s3], $0xF7A  }
0x26: {  	[smem:$0x3F93] =	sst s1;
	(tag) =	ssettag s2;
	_ =	strace s9  }
0x27: {  	s1 =	sld [smem:$0x3FA3]  }
0x28: {  	s2 =	sld [smem:$0x3FA4]  }
0x29: {  	s4 =	sld [smem:$0x3FA6]  }
0x2a: {  	p0 =	seq.s32 s5, $0x0;
	s5 =	sld [smem:$0x3FA7]  }
0x2b: {  	s6 =	sld [smem:$0x3FA8]  }
0x2c: {  	s7 =	sld [smem:$0x3FA9]  }
0x2d: {  	s3 =	simm.s32 $0x108;
	s8 =	sld [smem:$0x3FAA]  }
0x2e: {  	s3 =	simm.s32 @!p0 $0x1082;
	s9 =	sld [smem:$0x3FAB]  }
0x2f: {  	lr =	sadd.s32 s0, s3;
	s0 =	sld [smem:$0x3FA2]  }
0x30: {  	s3 =	sld [smem:$0x3FA5]  }
0x31: {  	[smem:$0x3FAE] =	sst s10  }
0x32: {  	s10 =	sld [smem:$0x3FAC];
	_ =	sdelay $0x3  }
0x33: {  	p0 =	seq.s32 s10, $0x1;
	s10 =	sld [smem:$0x3FAE];
	_ =	sdelay $0x3  }
0x34: {  	[smem:$0x3FAE] =	sst s10  }
0x35: {  	s10 =	sld [smem:$0x3FAD];
	_ =	sdelay $0x3  }
0x36: {  	p1 =	seq.s32 s10, $0x1;
	s10 =	sld [smem:$0x3FAE];
	_ =	sdelay $0x3  }
0x37: {  	[smem:$0x3FAE] =	sst s10  }
0x38: {  	s10 =	sld [smem:$0x3FAF]  }
0x39: {  	_ = 	snop;
	(pc) =	sbr.ind lr, $3  }
0x3a: {  	_ = 	snop  }
0x3b: {  	_ = 	snop  }
0x3c: {  	p2 =	seq.s32 s10, $0x1;
	s10 =	sld [smem:$0x3FAE]  }
0x3d: {  	_ =	shalt  }
0x3e: {  	_ =	shalt  }
0x3f: {  	_ =	shalt  }
0x40: {  	_ =	shalt  }
0x41: {  	_ =	shalt  }
0x42: {  	_ =	shalt  }
0x43: {  	_ =	shalt  }
0x44: {  	_ =	shalt  }
0x45: {  	_ =	shalt  }
0x46: {  	_ =	shalt  }
0x47: {  	_ =	shalt  }
0x48: {  	_ =	shalt  }
0x49: {  	_ =	shalt  }
0x4a: {  	_ =	shalt  }
0x4b: {  	_ =	shalt  }
0x4c: {  	_ =	shalt  }
0x4d: {  	_ =	shalt  }
0x4e: {  	_ =	shalt  }
0x4f: {  	_ =	shalt  }
0x50: {  	_ =	shalt  }
0x51: {  	_ =	shalt  }
0x52: {  	_ =	shalt  }
0x53: {  	_ =	shalt  }
0x54: {  	_ =	shalt  }
0x55: {  	_ =	shalt  }
0x56: {  	_ =	shalt  }
0x57: {  	_ =	shalt  }
0x58: {  	_ =	shalt  }
0x59: {  	_ =	shalt  }
0x5a: {  	_ =	shalt  }
0x5b: {  	_ =	shalt  }
0x5c: {  	_ =	shalt  }
0x5d: {  	_ =	shalt  }
0x5e: {  	_ =	shalt  }
0x5f: {  	_ =	shalt  }
0x60: {  	_ =	shalt  }
0x61: {  	_ =	shalt  }
0x62: {  	_ =	shalt  }
0x63: {  	_ =	shalt  }
0x64: {  	_ =	shalt  }
0x65: {  	_ =	shalt  }
0x66: {  	_ =	shalt  }
0x67: {  	_ =	shalt  }
0x68: {  	_ =	shalt  }
0x69: {  	_ =	shalt  }
0x6a: {  	_ =	shalt  }
0x6b: {  	_ =	shalt  }
0x6c: {  	_ =	shalt  }
0x6d: {  	_ =	shalt  }
0x6e: {  	_ =	shalt  }
0x6f: {  	_ =	shalt  }
0x70: {  	_ =	shalt  }
0x71: {  	_ =	shalt  }
0x72: {  	_ =	shalt  }
0x73: {  	_ =	shalt  }
0x74: {  	_ =	shalt  }
0x75: {  	_ =	shalt  }
0x76: {  	_ =	shalt  }
0x77: {  	_ =	shalt  }
0x78: {  	_ =	shalt  }
0x79: {  	_ =	shalt  }
0x7a: {  	_ =	shalt  }
0x7b: {  	_ =	shalt  }
0x7c: {  	_ =	shalt  }
0x7d: {  	_ =	shalt  }
0x7e: {  	_ =	shalt  }
0x7f: {  	_ =	shalt  }
0x80: {  	_ =	shalt  }
0x81: {  	_ =	shalt  }
0x82: {  	_ =	shalt  }
0x83: {  	_ =	shalt  }
0x84: {  	_ =	shalt  }
0x85: {  	_ =	shalt  }
0x86: {  	_ =	shalt  }
0x87: {  	_ =	shalt  }
.Lfunc_end0:
.L_simem_size_0:
called_computation.3_lowered:
.L_overlay_start_0:
0x88: {  	s2 =	sld [smem:$0x3FD9]  }
0x89: {  	s3 =	sld [smem:$0x3FFE];
	_ =	sdelay $0x1  }
0x8a: {  	s1 =	srdreg.scid  }
0x8b: {  	s0 =	sand.u32 $0x1, s1  }
0x8c: {  	s16 =	sshll.u32 s0, $0xA;
	s2 =	sadd.s32 s3, s2  }
0x8d: {  	s2 =	sadd.s32 s2, s16  }
0x8e: {  	[smem:$0x3FBA] =	sst s2  }
0x8f: {  	_ = 	snop  }
0x90: {  	(tm) =	ssettm $0x1  }
0x91: {  	s17 =	sld [smem:$0x3FFB];
	_ =	sdelay $0x3  }
0x92: {  	_ =	strace s17  }
0x93: {  	s2 =	sld [smem:$0x3FFC];
	_ =	sdelay $0x3  }
0x94: {  	_ =	strace s2  }
0x95: {  	s2 =	sld [smem:$0x3FFD];
	_ =	sdelay $0x3  }
0x96: {  	_ =	strace s2  }
0x97: {  	_ =	strace $0x8FFFFFFF  }
0x98: {  	s18 =	sld [smem:$0x3FDB];
	_ =	sdelay $0x1  }
0x99: {  	s19 =	simm.s32 $_scs_section_size  }
0x9a: {  	s4 =	simm.s32 $_size__tile_overlayer_lowered;
	s5 =	simm.s32 $_tile_overlayer_lowered  }
0x9b: {  	s22 =	simm.s32 $0x1BFF;
	s21 =	sshll.u32 s5, $0x1;
	s2 =	sadd.s32 s19, s18  }
0x9c: {  	s6 =	simm.s32 $0x0;
	s20 =	sshll.u32 s4, $0x1;
	s4 =	sadd.s32 s21, s2  }
0x9d: {  	[timem:s6], [sflag:s22] =	dma.local [hbm:s4], s20  }
0x9e: {  	_ =	swait.ge [sflag:s22], s20  }
0x9f: {  	s3 =	ssub.s32 $0x0, s20;
	[sflag:s22] =	ssyncset.done $0x0  }
0xa0: {  	[sflag:s22] =	ssyncadd.s32 s3;
	_ =	sdelay $0x1  }
0xa1: {  	s23 =	simm.s32 $0x1B8B  }
0xa2: {  	_ =	swait.ge [sflag:s23], $0x1  }
0xa3: {  	[sflag:s23] =	ssyncset.done $0x0  }
0xa4: {  	s25 =	simm.s32 $0x1B8E;
	s24 =	sld [smem:$0x3FFE];
	[sflag:s23] =	ssyncadd.s32 $0xFFFFFFFF  }
0xa5: {  	s26 =	simm.s32 $execute0_lowered;
	[smem:$0x3FD2] =	sst s25  }
0xa6: {  	s4 =	sshll.u32 s26, $0x1;
	_ =	strace $0x8000004F;
	[dreg:$0x1] =	wrdreg $0xFFFFFFFF  }
0xa7: {  	s28 =	simm.s32 $_size_execute0_lowered;
	s2 =	sadd.s32 s2, s4;
	[dreg:$0x0] =	wrdreg $0x0  }
0xa8: {  	s4 =	sshll.u32 s28, $0x1;
	[dreg:$0x2] =	wrdreg s2  }
0xa9: {  	[dreg:$0x3] =	wrdreg s4  }
0xaa: {  	[dreg:$0x4] =	wrdreg $0xC0  }
0xab: {  	_ =	task [dreg:s6], $0x5FFFF  }
0xac: {  	[dreg:$0x1] =	wrdreg $0xFFFFFFFF  }
0xad: {  	[dreg:$0x0] =	wrdreg $0x60  }
0xae: {  	[dreg:$0x2] =	wrdreg s24  }
0xaf: {  	[dreg:$0x3] =	wrdreg $0x9  }
0xb0: {  	_ =	task.clear_ibuf [dreg:s6], $0x4FFFF;
	_ =	strace $0x9000004F  }
0xb1: {  	s29 =	simm.s32 $0x9;
	_ =	strace $0x80000051  }
0xb2: {  	_ =	swait.ge [sflag:s29], $0x1  }
0xb3: {  	[sflag:s29] =	ssyncadd.s32 $0xFFFFFFFF  }
0xb4: {  	_ =	strace $0x90000051  }
0xb5: {  	_ =	sfence  }
0xb6: {  	s30 =	sld [smem:$0x0];
	_ =	sdelay $0x2  }
0xb7: {  	s31 =	sshll.u32 s1, $0xD;
	s1 =	sshrl.u32 s1, $0x2  }
0xb8: {  	s3 =	sand.u32 $0x4000, s31;
	s1 =	sadd.s32 s1, s30  }
0xb9: {  	s0 =	sor.u32 s3, s0;
	s1 =	sshll.u32 s1, $0x11  }
0xba: {  	s0 =	sor.u32 s1, s0  }
0xbb: {  	s0 =	sadd.s32 $0x8F2B, s0  }
0xbc: {  	[sflag:s0] =	ssyncadd.remote.s32 $0x1  }
0xbd: {  	_ =	sfence.sel $0xFFFF  }
0xbe: {  	[dreg:$0x0] =	wrdreg $0xFFFFFFFF;
	(pc) =	sbr.abs _section_cstart, $3  }
0xbf: {  	[dreg:$0x1] =	wrdreg $0xFFFFFFFF  }
0xc0: {  	_ =	task.clear_ibuf [dreg:s6], $0x2FFFF;
	_ =	strace $0x9FFFFFFF  }
0xc1: {  	(tm) =	ssettm $0x7FFFFFFF  }
tec
execute0_lowered:
.L_overlay_start_1:
0x0: {  	(tag) =	ssettag $0x1  }
0x1: {  	s0 =	srdreg.scid  }
0x2: {  	s1 =	rddreg [dreg:$0x0];
	s4 =	stileid.u32  }
0x3: {  	s2 =	simm.s32 $0x0;
	s12 =	simm.s32 $0x7;
	s13 =	simm.s32 $0x2780  }
0x4: {  	s14 =	simm.s32 $0x50;
	s15 =	simm.s32 $0x4F00;
	s16 =	simm.s32 $0x9F00  }
0x5: {  	s17 =	simm.s32 $0x7700;
	s19 =	simm.s32 $0xC700;
	s20 =	simm.s32 $0x1  }
0x6: {  	s21 =	simm.s32 $0x3;
	s22 =	simm.s32 $0xEF00;
	s23 =	simm.s32 $0x2  }
0x7: {  	s24 =	simm.s32 $0x4;
	s25 =	simm.s32 $0x11700;
	s0 =	sand.u32 $0x1, s0  }
0x8: {  	s26 =	simm.s32 $0x5;
	s28 =	simm.s32 $0x6;
	s3 =	sshll.u32 s0, $0x4  }
0x9: {  	s29 =	simm.s32 $0x0;
	[smem:$0x7FF] =	sst s2;
	s5 =	sor.u32 s4, s3  }
0xa: {  	_ =	strace $0x80000050;
	s0 =	ssub.s32 $0x2, s0;
	s3 =	smul.u32 $0x2710, s5  }
0xb: {  	s4 =	sadd.s32 $0x18200, s1;
	s30 =	sshrl.u32 s0, $0x1;
	s7 =	smul.u32 $0x138800, s5  }
0xc: {  	s5 =	sadd.s32 $0x3F400, s1;
	s0 =	ssub.s32 s0, s30;
	s6 =	sshrl.u32 s3, $0x3  }
0xd: {  	s9 =	sshrl.u32 s7, $0x3;
	s8 =	sadd.s32 s6, s1;
	s6 =	sadd.s32 $0x66600, s1  }
0xe: {  	s11 =	smax.u32 s0, $0x1;
	s7 =	sadd.s32 $0x4800, s8;
	s31 =	sadd.s32 s6, s9  }
0xf: {  	s8 =	sadd.s32 $0xE440, s8;
	s9 =	sadd.s32 $0x50, s3;
	s10 =	sadd.s32 $0x26C00, s31  }
.LBB2_1:
0x10: {  	[tilespmem:s2], [sflag:$0x7] =	stream.linear.gather [hbm4b:s7+s2], $0x2710, $0x38;
	[tilespmem:$0x13F00] =	vst v63  }
0x11: {  	_ =	swait.ge [sflag:s12], $0x2710  }
0x12: {  	[sflag:s12] =	ssyncset.done $0x0  }
0x13: {  	[sflag:s12] =	ssyncadd.s32 $0xFFFFD8F0  }
0x14: {  	[tilespmem:s13], [sflag:$0x7] =	stream.linear.gather [hbm4b:s8+s2], $0x2710, $0x38;
	[tilespmem:$0x13F00] =	vst v63  }
0x15: {  	_ =	swait.ge [sflag:s12], $0x2710  }
0x16: {  	[sflag:s12] =	ssyncset.done $0x0  }
0x17: {  	[sflag:s12] =	ssyncadd.s32 $0xFFFFD8F0  }
0x18: {  	[tilespmem:s15], [sflag:$0x1] =	stream.indirect.gather [hbm4b:s4+s14], $0x80, s2, s14, $0xb8;
	[tilespmem:$0x13F00] =	vst v63  }
0x19: {  	_ = 	snop  }
0x1a: {  	[tilespmem:s16], [sflag:$0x3] =	stream.indirect.gather [hbm4b:s5+s14], $0x80, s13, s14, $0xb8;
	[tilespmem:$0x13F00] =	vst v63  }
0x1b: {  	_ = 	snop  }
0x1c: {  	[tilespmem:s17], [sflag:$0x2] =	stream.indirect.gather [hbm4b:s4+s14], $0x80, s14, s14, $0xb8;
	[tilespmem:$0x13F00] =	vst v63  }
0x1d: {  	s0 =	simm.s32 $0x27D0;
	s30 =	simm.s32 $0x0  }
0x1e: {  	[tilespmem:s19], [sflag:$0x4] =	stream.indirect.gather [hbm4b:s5+s14], $0x80, s0, s14, $0xb8;
	[tilespmem:$0x13F00] =	vst v63  }
.LBB2_2:
0x1f: {  	_ =	swait.ge [sflag:s20], $0x2800  }
0x20: {  	[sflag:s20] =	ssyncset.done $0x0  }
0x21: {  	[sflag:s20] =	ssyncadd.s32 $0xFFFFD800  }
0x22: {  	_ =	swait.ge [sflag:s21], $0x2800  }
0x23: {  	p0 =	seq.s32 s30, $0x0;
	[sflag:s21] =	ssyncset.done $0x0  }
0x24: {  	s0 =	simm.s32 @!p0 $0x5;
	[sflag:s21] =	ssyncadd.s32 $0xFFFFD800  }
0x25: {  	_ =	swait.ge @!p0 [sflag:s0], $0x2800  }
0x26: {  	[sflag:s0] =	ssyncset.done @!p0 $0x0  }
0x27: {  	s31 =	simm.s32 $0x0;
	[sflag:s0] =	ssyncadd.s32 @!p0 $0xFFFFD800  }
0x28: {  	v0 =	vld [tilespmem:s31+$0x4F70]  }
0x29: {  	v1 =	vld [tilespmem:s31+$0x9F70]  }
0x2a: {  	v2 =	vld [tilespmem:s31+$0x4F00]  }
0x2b: {  	v3 =	vld [tilespmem:s31+$0x9F00]  }
0x2c: {  	v4 =	vld [tilespmem:s31+$0x4F10]  }
0x2d: {  	v5 =	vld [tilespmem:s31+$0x9F10]  }
0x2e: {  	v6 =	vld [tilespmem:s31+$0x4F20]  }
0x2f: {  	v7 =	vld [tilespmem:s31+$0x4F30]  }
0x30: {  	v0 =	vadd.f32 v1, v0;
	v1 =	vld [tilespmem:s31+$0x9F20]  }
0x31: {  	v8 =	vld [tilespmem:s31+$0x9F30]  }
0x32: {  	v9 =	vld [tilespmem:s31+$0x9F40];
	v2 =	vadd.f32 v3, v2  }
0x33: {  	[tilespmem:s31+$0xEF70] =	vst v0;
	v0 =	vadd.f32 v5, v4;
	v5 =	vld [tilespmem:s31+$0x4F40]  }
0x34: {  	v3 =	vld [tilespmem:s31+$0x9F50];
	[tilespmem:s31+$0xEF00] =	vst v2  }
0x35: {  	v2 =	vld [tilespmem:s31+$0x4F50];
	[tilespmem:s31+$0xEF10] =	vst v0;
	v0 =	vadd.f32 v1, v6  }
0x36: {  	v4 =	vld [tilespmem:s31+$0x9F60];
	v6 =	vadd.f32 v8, v7  }
0x37: {  	s0 =	simm.s32 $0x80;
	[tilespmem:s31+$0xEF20] =	vst v0;
	v0 =	vld [tilespmem:s31+$0x4F60]  }
0x38: {  	s1 =	simm.s32 $0x400;
	v5 =	vadd.f32 v9, v5;
	v1 =	vld [tilespmem:s0+$0x4F70];
	[tilespmem:s31+$0xEF30] =	vst v6  }
.LBB2_3:
0x39: {  	p1 =	sne.s32 s1, $0x9E00;
	v6 =	vld [tilespmem:s0+$0x9F70]  }
0x3a: {  	v7 =	vld [tilespmem:s0+$0x4F00];
	[tilespmem:s31+$0xEF40] =	vst v5;
	v2 =	vadd.f32 v3, v2  }
0x3b: {  	v3 =	vld [tilespmem:s0+$0x9F00]  }
0x3c: {  	v5 =	vld [tilespmem:s0+$0x4F10];
	[tilespmem:s31+$0xEF50] =	vst v2;
	v0 =	vadd.f32 v4, v0  }
0x3d: {  	v2 =	vld [tilespmem:s0+$0x9F10]  }
0x3e: {  	v4 =	vld [tilespmem:s0+$0x4F20];
	v1 =	vadd.f32 v6, v1;
	[tilespmem:s31+$0xEF60] =	vst v0;
	s31 =	smov.u32 s0  }
0x3f: {  	v0 =	vld [tilespmem:s31+$0x9F20]  }
0x40: {  	v3 =	vadd.f32 v3, v7;
	v6 =	vld [tilespmem:s31+$0x4F30];
	[tilespmem:s31+$0xEF70] =	vst v1  }
0x41: {  	v1 =	vld [tilespmem:s31+$0x9F30]  }
0x42: {  	[tilespmem:s31+$0xEF00] =	vst v3;
	v2 =	vadd.f32 v2, v5;
	v5 =	vld [tilespmem:s31+$0x4F40]  }
0x43: {  	v7 =	vld [tilespmem:s31+$0x9F40]  }
.Ltmp0:
0x44: {  	[tilespmem:s31+$0xEF10] =	vst v2;
	v0 =	vadd.f32 v0, v4;
	v2 =	vld [tilespmem:s31+$0x4F50];
	(pc) =	sbr.rel @p1 .LBB2_3-.Ltmp0, $4  }
0x45: {  	v3 =	vld [tilespmem:s31+$0x9F50]  }
0x46: {  	[tilespmem:s31+$0xEF20] =	vst v0;
	v6 =	vadd.f32 v1, v6;
	v0 =	vld [tilespmem:s31+$0x4F60]  }
0x47: {  	s0 =	sshra.s32 s1, $0x2;
	v4 =	vld [tilespmem:s31+$0x9F60]  }
0x48: {  	s1 =	sadd.s32 $0x200, s1;
	v1 =	vld [tilespmem:s0+$0x4F70];
	[tilespmem:s31+$0xEF30] =	vst v6;
	v5 =	vadd.f32 v7, v5  }
0x49: {  	v6 =	vld [tilespmem:s0+$0x9F70]  }
0x4a: {  	v7 =	vld [tilespmem:s0+$0x4F00];
	[tilespmem:s31+$0xEF40] =	vst v5;
	v2 =	vadd.f32 v3, v2  }
0x4b: {  	v3 =	vld [tilespmem:s0+$0x9F00]  }
0x4c: {  	v5 =	vld [tilespmem:s0+$0x4F10];
	[tilespmem:s31+$0xEF50] =	vst v2;
	v0 =	vadd.f32 v4, v0  }
0x4d: {  	v2 =	vld [tilespmem:s0+$0x9F10]  }
0x4e: {  	v4 =	vld [tilespmem:s0+$0x4F20];
	[tilespmem:s31+$0xEF60] =	vst v0  }
0x4f: {  	v0 =	vadd.f32 v6, v1;
	v1 =	vld [tilespmem:s0+$0x9F20]  }
0x50: {  	v6 =	vld [tilespmem:s0+$0x4F30]  }
0x51: {  	v3 =	vadd.f32 v3, v7;
	[tilespmem:s0+$0xEF70] =	vst v0;
	v0 =	vld [tilespmem:s0+$0x9F30]  }
0x52: {  	v7 =	vld [tilespmem:s0+$0x9F60]  }
0x53: {  	[tilespmem:s0+$0xEF00] =	vst v3;
	v2 =	vadd.f32 v2, v5;
	v3 =	vld [tilespmem:s0+$0x4F40]  }
0x54: {  	v5 =	vld [tilespmem:s0+$0x9F40]  }
0x55: {  	[tilespmem:s0+$0xEF10] =	vst v2;
	v1 =	vadd.f32 v1, v4;
	v2 =	vld [tilespmem:s0+$0x4F50]  }
0x56: {  	v4 =	vld [tilespmem:s0+$0x9F50]  }
0x57: {  	[tilespmem:s0+$0xEF20] =	vst v1;
	v1 =	vld [tilespmem:s0+$0x4F60];
	_ =	sdelay $0x1  }
0x58: {  	v0 =	vadd.f32 v0, v6  }
0x59: {  	s31 =	smul.u32 $0xA0, s30;
	v3 =	vadd.f32 v5, v3  }
0x5a: {  	[tilespmem:s0+$0xEF30] =	vst v0;
	v0 =	vadd.f32 v4, v2  }
0x5b: {  	s1 =	sadd.s32 s3, s31;
	[tilespmem:s0+$0xEF40] =	vst v3;
	v1 =	vadd.f32 v7, v1  }
0x5c: {  	s1 =	sshll.u32 s1, $0x4;
	[tilespmem:s0+$0xEF50] =	vst v0  }
0x5d: {  	s18 =	sadd.s32 s6, s1;
	[tilespmem:s0+$0xEF60] =	vst v1  }
0x5e: {  	[hbm4b:s18+s2] =	stream.linear.scatter [tilespmem:s22], [sflag:$0x5], $0x2800, $0x38;
	[tilespmem:$0x13F00] =	vst v63  }
0x5f: {  	s1 =	sadd.s32 $0xA0, s31  }
0x60: {  	[tilespmem:s15], [sflag:$0x1] =	stream.indirect.gather [hbm4b:s4+s14], $0x80, s1, s14, $0xb8;
	[tilespmem:$0x13F00] =	vst v63  }
0x61: {  	s18 =	sadd.s32 $0x2820, s31  }
0x62: {  	[tilespmem:s16], [sflag:$0x3] =	stream.indirect.gather [hbm4b:s5+s14], $0x80, s18, s14, $0xb8;
	[tilespmem:$0x13F00] =	vst v63  }
0x63: {  	_ =	swait.ge [sflag:s23], $0x2800  }
0x64: {  	[sflag:s23] =	ssyncset.done $0x0  }
0x65: {  	[sflag:s23] =	ssyncadd.s32 $0xFFFFD800  }
0x66: {  	_ =	swait.ge [sflag:s24], $0x2800  }
0x67: {  	[sflag:s24] =	ssyncset.done $0x0  }
0x68: {  	s0 =	simm.s32 @!p0 $0x6;
	[sflag:s24] =	ssyncadd.s32 $0xFFFFD800  }
0x69: {  	_ =	swait.ge @!p0 [sflag:s0], $0x2800  }
0x6a: {  	[sflag:s0] =	ssyncset.done @!p0 $0x0  }
0x6b: {  	[sflag:s0] =	ssyncadd.s32 @!p0 $0xFFFFD800;
	s0 =	simm.s32 $0x0  }
0x6c: {  	v0 =	vld [tilespmem:s0+$0x7770]  }
0x6d: {  	v1 =	vld [tilespmem:s0+$0xC770]  }
0x6e: {  	v2 =	vld [tilespmem:s0+$0x7700]  }
0x6f: {  	v3 =	vld [tilespmem:s0+$0xC700]  }
0x70: {  	v4 =	vld [tilespmem:s0+$0x7710]  }
0x71: {  	v5 =	vld [tilespmem:s0+$0xC710]  }
0x72: {  	v6 =	vld [tilespmem:s0+$0x7720]  }
0x73: {  	v7 =	vld [tilespmem:s0+$0x7730]  }
0x74: {  	v0 =	vadd.f32 v1, v0;
	v1 =	vld [tilespmem:s0+$0xC720]  }
0x75: {  	v8 =	vld [tilespmem:s0+$0xC730]  }
0x76: {  	v9 =	vld [tilespmem:s0+$0xC740];
	v2 =	vadd.f32 v3, v2  }
0x77: {  	[tilespmem:s0+$0x11770] =	vst v0;
	v0 =	vadd.f32 v5, v4;
	v5 =	vld [tilespmem:s0+$0x7740]  }
0x78: {  	v3 =	vld [tilespmem:s0+$0xC750];
	[tilespmem:s0+$0x11700] =	vst v2  }
0x79: {  	v2 =	vld [tilespmem:s0+$0x7750];
	[tilespmem:s0+$0x11710] =	vst v0;
	v0 =	vadd.f32 v1, v6  }
0x7a: {  	v4 =	vld [tilespmem:s0+$0xC760];
	v6 =	vadd.f32 v8, v7  }
0x7b: {  	s1 =	simm.s32 $0x80;
	[tilespmem:s0+$0x11720] =	vst v0;
	v0 =	vld [tilespmem:s0+$0x7760]  }
0x7c: {  	s18 =	simm.s32 $0x400;
	v5 =	vadd.f32 v9, v5;
	v1 =	vld [tilespmem:s1+$0x7770];
	[tilespmem:s0+$0x11730] =	vst v6  }
.LBB2_5:
0x7d: {  	p0 =	sne.s32 s18, $0x9E00;
	v6 =	vld [tilespmem:s1+$0xC770]  }
0x7e: {  	v7 =	vld [tilespmem:s1+$0x7700];
	[tilespmem:s0+$0x11740] =	vst v5;
	v2 =	vadd.f32 v3, v2  }
0x7f: {  	v3 =	vld [tilespmem:s1+$0xC700]  }
0x80: {  	v5 =	vld [tilespmem:s1+$0x7710];
	[tilespmem:s0+$0x11750] =	vst v2;
	v0 =	vadd.f32 v4, v0  }
0x81: {  	v2 =	vld [tilespmem:s1+$0xC710]  }
0x82: {  	v4 =	vld [tilespmem:s1+$0x7720];
	v1 =	vadd.f32 v6, v1;
	[tilespmem:s0+$0x11760] =	vst v0;
	s0 =	smov.u32 s1  }
0x83: {  	v0 =	vld [tilespmem:s0+$0xC720]  }
0x84: {  	v3 =	vadd.f32 v3, v7;
	v6 =	vld [tilespmem:s0+$0x7730];
	[tilespmem:s0+$0x11770] =	vst v1  }
0x85: {  	v1 =	vld [tilespmem:s0+$0xC730]  }
0x86: {  	[tilespmem:s0+$0x11700] =	vst v3;
	v2 =	vadd.f32 v2, v5;
	v5 =	vld [tilespmem:s0+$0x7740]  }
0x87: {  	v7 =	vld [tilespmem:s0+$0xC740]  }
.Ltmp1:
0x88: {  	[tilespmem:s0+$0x11710] =	vst v2;
	v0 =	vadd.f32 v0, v4;
	v2 =	vld [tilespmem:s0+$0x7750];
	(pc) =	sbr.rel @p0 .LBB2_5-.Ltmp1, $4  }
0x89: {  	v3 =	vld [tilespmem:s0+$0xC750]  }
0x8a: {  	[tilespmem:s0+$0x11720] =	vst v0;
	v6 =	vadd.f32 v1, v6;
	v0 =	vld [tilespmem:s0+$0x7760]  }
0x8b: {  	s1 =	sshra.s32 s18, $0x2;
	v4 =	vld [tilespmem:s0+$0xC760]  }
0x8c: {  	s18 =	sadd.s32 $0x200, s18;
	v1 =	vld [tilespmem:s1+$0x7770];
	[tilespmem:s0+$0x11730] =	vst v6;
	v5 =	vadd.f32 v7, v5  }
0x8d: {  	v6 =	vld [tilespmem:s1+$0xC770]  }
0x8e: {  	v7 =	vld [tilespmem:s1+$0x7700];
	[tilespmem:s0+$0x11740] =	vst v5;
	v2 =	vadd.f32 v3, v2  }
0x8f: {  	v51 =	vld [tilespmem:s1+$0xC700]  }
0x90: {  	v5 =	vld [tilespmem:s1+$0x7710];
	[tilespmem:s0+$0x11750] =	vst v2;
	v0 =	vadd.f32 v4, v0  }
0x91: {  	v2 =	vld [tilespmem:s1+$0xC710]  }
0x92: {  	v52 =	vld [tilespmem:s1+$0x7720];
	[tilespmem:s0+$0x11760] =	vst v0  }
0x93: {  	v54 =	vld [tilespmem:s1+$0xC720]  }
0x94: {  	v55 =	vld [tilespmem:s1+$0x7730]  }
0x95: {  	v56 =	vld [tilespmem:s1+$0xC730]  }
0x96: {  	v57 =	vld [tilespmem:s1+$0x7740]  }
0x97: {  	v58 =	vld [tilespmem:s1+$0xC740]  }
0x98: {  	v59 =	vld [tilespmem:s1+$0x7750]  }
0x99: {  	v53 =	vadd.f32 v6, v1;
	v60 =	vld [tilespmem:s1+$0xC750]  }
0x9a: {  	v61 =	vld [tilespmem:s1+$0x7760];
	v3 =	vadd.f32 v51, v7  }
0x9b: {  	v62 =	vld [tilespmem:s1+$0xC760];
	[tilespmem:s1+$0x11770] =	vst v53;
	v2 =	vadd.f32 v2, v5  }
0x9c: {  	[tilespmem:s1+$0x11700] =	vst v3;
	v1 =	vadd.f32 v54, v52  }
0x9d: {  	[tilespmem:s1+$0x11710] =	vst v2;
	v0 =	vadd.f32 v56, v55  }
0x9e: {  	p0 =	seq.s32 s30, $0x3D;
	v3 =	vadd.f32 v58, v57;
	[tilespmem:s1+$0x11720] =	vst v1  }
.Ltmp2:
0x9f: {  	v63 =	vadd.f32 v60, v59;
	[tilespmem:s1+$0x11730] =	vst v0;
	(pc) =	sbr.rel @p0 .LBB2_8-.Ltmp2, $4  }
0xa0: {  	s18 =	sadd.s32 s31, s9;
	[tilespmem:s1+$0x11740] =	vst v3;
	v1 =	vadd.f32 v62, v61  }
0xa1: {  	s0 =	sshll.u32 s18, $0x4;
	[tilespmem:s1+$0x11750] =	vst v63  }
0xa2: {  	s0 =	sadd.s32 s6, s0;
	[tilespmem:s1+$0x11760] =	vst v1  }
0xa3: {  	[hbm4b:s0+s2] =	stream.linear.scatter [tilespmem:s25], [sflag:$0x6], $0x2800, $0x38;
	[tilespmem:$0x13F00] =	vst v63  }
.Ltmp3:
0xa4: {  	(pc) =	sbr.rel .LBB2_2-.Ltmp3, $4  }
0xa5: {  	s0 =	sadd.s32 $0xF0, s31  }
0xa6: {  	[tilespmem:s17], [sflag:$0x2] =	stream.indirect.gather [hbm4b:s4+s14], $0x80, s0, s14, $0xb8;
	[tilespmem:$0x13F00] =	vst v63  }
0xa7: {  	s31 =	sadd.s32 $0x2870, s31;
	s30 =	sadd.s32 $0x1, s30  }
0xa8: {  	[tilespmem:s19], [sflag:$0x4] =	stream.indirect.gather [hbm4b:s5+s14], $0x80, s31, s14, $0xb8;
	[tilespmem:$0x13F00] =	vst v63  }
.LBB2_8:
0xa9: {  	_ =	swait.ge [sflag:s20], $0x2800  }
0xaa: {  	[sflag:s20] =	ssyncset.done $0x0  }
0xab: {  	[sflag:s20] =	ssyncadd.s32 $0xFFFFD800  }
0xac: {  	_ =	swait.ge [sflag:s21], $0x2800  }
0xad: {  	[sflag:s21] =	ssyncset.done $0x0  }
0xae: {  	[sflag:s21] =	ssyncadd.s32 $0xFFFFD800  }
0xaf: {  	_ =	swait.ge [sflag:s26], $0x2800  }
0xb0: {  	[sflag:s26] =	ssyncset.done $0x0  }
0xb1: {  	s0 =	simm.s32 $0x0;
	[sflag:s26] =	ssyncadd.s32 $0xFFFFD800  }
0xb2: {  	v0 =	vld [tilespmem:s0+$0x4F70]  }
0xb3: {  	v1 =	vld [tilespmem:s0+$0x9F70]  }
0xb4: {  	v2 =	vld [tilespmem:s0+$0x4F00]  }
0xb5: {  	v3 =	vld [tilespmem:s0+$0x9F00]  }
0xb6: {  	v4 =	vld [tilespmem:s0+$0x4F10]  }
0xb7: {  	v5 =	vld [tilespmem:s0+$0x9F10]  }
0xb8: {  	v6 =	vld [tilespmem:s0+$0x4F20]  }
0xb9: {  	v7 =	vld [tilespmem:s0+$0x4F30]  }
0xba: {  	v0 =	vadd.f32 v1, v0;
	v1 =	vld [tilespmem:s0+$0x9F20]  }
0xbb: {  	v8 =	vld [tilespmem:s0+$0x9F30]  }
0xbc: {  	v9 =	vld [tilespmem:s0+$0x9F40];
	v2 =	vadd.f32 v3, v2  }
0xbd: {  	[tilespmem:s0+$0xEF70] =	vst v0;
	v0 =	vadd.f32 v5, v4;
	v5 =	vld [tilespmem:s0+$0x4F40]  }
0xbe: {  	v3 =	vld [tilespmem:s0+$0x9F50];
	[tilespmem:s0+$0xEF00] =	vst v2  }
0xbf: {  	v2 =	vld [tilespmem:s0+$0x4F50];
	[tilespmem:s0+$0xEF10] =	vst v0;
	v0 =	vadd.f32 v1, v6  }
0xc0: {  	v4 =	vld [tilespmem:s0+$0x9F60];
	v6 =	vadd.f32 v8, v7  }
0xc1: {  	s1 =	simm.s32 $0x80;
	[tilespmem:s0+$0xEF20] =	vst v0;
	v0 =	vld [tilespmem:s0+$0x4F60]  }
0xc2: {  	s18 =	simm.s32 $0x400;
	v5 =	vadd.f32 v9, v5;
	v1 =	vld [tilespmem:s1+$0x4F70];
	[tilespmem:s0+$0xEF30] =	vst v6  }
.LBB2_9:
0xc3: {  	p0 =	sne.s32 s18, $0x9E00;
	v6 =	vld [tilespmem:s1+$0x9F70]  }
0xc4: {  	v7 =	vld [tilespmem:s1+$0x4F00];
	[tilespmem:s0+$0xEF40] =	vst v5;
	v2 =	vadd.f32 v3, v2  }
0xc5: {  	v3 =	vld [tilespmem:s1+$0x9F00]  }
0xc6: {  	v5 =	vld [tilespmem:s1+$0x4F10];
	[tilespmem:s0+$0xEF50] =	vst v2;
	v0 =	vadd.f32 v4, v0  }
0xc7: {  	v2 =	vld [tilespmem:s1+$0x9F10]  }
0xc8: {  	v4 =	vld [tilespmem:s1+$0x4F20];
	v1 =	vadd.f32 v6, v1;
	[tilespmem:s0+$0xEF60] =	vst v0;
	s0 =	smov.u32 s1  }
0xc9: {  	v0 =	vld [tilespmem:s0+$0x9F20]  }
0xca: {  	v3 =	vadd.f32 v3, v7;
	v6 =	vld [tilespmem:s0+$0x4F30];
	[tilespmem:s0+$0xEF70] =	vst v1  }
0xcb: {  	v1 =	vld [tilespmem:s0+$0x9F30]  }
0xcc: {  	[tilespmem:s0+$0xEF00] =	vst v3;
	v2 =	vadd.f32 v2, v5;
	v5 =	vld [tilespmem:s0+$0x4F40]  }
0xcd: {  	v7 =	vld [tilespmem:s0+$0x9F40]  }
.Ltmp4:
0xce: {  	[tilespmem:s0+$0xEF10] =	vst v2;
	v0 =	vadd.f32 v0, v4;
	v2 =	vld [tilespmem:s0+$0x4F50];
	(pc) =	sbr.rel @p0 .LBB2_9-.Ltmp4, $4  }
0xcf: {  	v3 =	vld [tilespmem:s0+$0x9F50]  }
0xd0: {  	[tilespmem:s0+$0xEF20] =	vst v0;
	v6 =	vadd.f32 v1, v6;
	v0 =	vld [tilespmem:s0+$0x4F60]  }
0xd1: {  	s1 =	sshra.s32 s18, $0x2;
	v4 =	vld [tilespmem:s0+$0x9F60]  }
0xd2: {  	s18 =	sadd.s32 $0x200, s18;
	v1 =	vld [tilespmem:s1+$0x4F70];
	[tilespmem:s0+$0xEF30] =	vst v6;
	v5 =	vadd.f32 v7, v5  }
0xd3: {  	v6 =	vld [tilespmem:s1+$0x9F70]  }
0xd4: {  	v7 =	vld [tilespmem:s1+$0x4F00];
	[tilespmem:s0+$0xEF40] =	vst v5;
	v2 =	vadd.f32 v3, v2  }
0xd5: {  	v51 =	vld [tilespmem:s1+$0x9F00]  }
0xd6: {  	v5 =	vld [tilespmem:s1+$0x4F10];
	[tilespmem:s0+$0xEF50] =	vst v2;
	v0 =	vadd.f32 v4, v0  }
0xd7: {  	v2 =	vld [tilespmem:s1+$0x9F10]  }
0xd8: {  	v52 =	vld [tilespmem:s1+$0x4F20];
	[tilespmem:s0+$0xEF60] =	vst v0  }
0xd9: {  	v54 =	vld [tilespmem:s1+$0x9F20]  }
0xda: {  	v55 =	vld [tilespmem:s1+$0x4F30]  }
0xdb: {  	v56 =	vld [tilespmem:s1+$0x9F30]  }
0xdc: {  	v57 =	vld [tilespmem:s1+$0x4F40]  }
0xdd: {  	v58 =	vld [tilespmem:s1+$0x9F40]  }
0xde: {  	v59 =	vld [tilespmem:s1+$0x4F50]  }
0xdf: {  	v53 =	vadd.f32 v6, v1;
	v60 =	vld [tilespmem:s1+$0x9F50]  }
0xe0: {  	v61 =	vld [tilespmem:s1+$0x4F60];
	v3 =	vadd.f32 v51, v7  }
0xe1: {  	v62 =	vld [tilespmem:s1+$0x9F60];
	[tilespmem:s1+$0xEF70] =	vst v53;
	v2 =	vadd.f32 v2, v5  }
0xe2: {  	[tilespmem:s1+$0xEF00] =	vst v3;
	v1 =	vadd.f32 v54, v52  }
0xe3: {  	[tilespmem:s1+$0xEF10] =	vst v2;
	v0 =	vadd.f32 v56, v55  }
0xe4: {  	v3 =	vadd.f32 v58, v57;
	[tilespmem:s1+$0xEF20] =	vst v1  }
0xe5: {  	v63 =	vadd.f32 v60, v59;
	[tilespmem:s1+$0xEF30] =	vst v0  }
0xe6: {  	[tilespmem:s1+$0xEF40] =	vst v3;
	v1 =	vadd.f32 v62, v61  }
0xe7: {  	[tilespmem:s1+$0xEF50] =	vst v63  }
0xe8: {  	s29 =	sadd.s32 $0x1, s29;
	[tilespmem:s1+$0xEF60] =	vst v1  }
0xe9: {  	[hbm4b:s10+s2] =	stream.linear.scatter [tilespmem:s22], [sflag:$0x5], $0x2800, $0x38;
	[tilespmem:$0x13F00] =	vst v63  }
0xea: {  	p0 =	sne.s32 s29, s11;
	_ =	swait.ge [sflag:s26], $0x2800  }
.Ltmp5:
0xeb: {  	[sflag:s26] =	ssyncset.done $0x0;
	(pc) =	sbr.rel @p0 .LBB2_1-.Ltmp5, $4  }
0xec: {  	[sflag:s26] =	ssyncadd.s32 $0xFFFFD800  }
0xed: {  	_ =	swait.ge [sflag:s28], $0x2800  }
0xee: {  	[sflag:s28] =	ssyncset.done $0x0  }
0xef: {  	[sflag:s28] =	ssyncadd.s32 $0xFFFFD800  }
0xf0: {  	_ =	sfence.sel $0x180000  }
0xf1: {  	[bflag:$0x0] =	sbarrier.arrive $0xFFFF  }
0xf2: {  	_ =	strace $0x90000050  }
0xf3: {  	s0 =	stileid.u32;
	[bflag:$0x2] =	sbarrier.arrive $0xFFFF  }
0xf4: {  	p0 =	sne.s32 s0, $0x0;
	s0 =	rddreg [dreg:$0x1]  }
0xf5: {  	s0 =	sadd.s32 @!p0 $0x100000, s0  }
0xf6: {  	[sflag:s0] =	ssyncadd.tile.s32 @!p0 $0x1;
	_ =	shalt  }
.Lfunc_end2:
_tile_overlayer_lowered:
.L_overlay_start_2:
0xf7: {  	(tag) =	ssettag $0x2  }
0xf8: {  	s0 =	rddreg [dreg:$0x0];
	s2 =	stileid.u32  }
0xf9: {  	s1 =	rddreg [dreg:$0x1];
	p0 =	sne.s32 s2, $0x0  }
0xfa: {  	s3 =	rddreg [dreg:$0x2];
	[bflag:$0x3] =	sbarrier.arrive $0xFFFF;
	s2 =	simm.s32 @!p0 $0x1C07  }
0xfb: {  	[timem:s3], [sflag:s2] =	dma.local @!p0 [hbm:s0], s1  }
0xfc: {  	s0 =	simm.s32 @!p0 $0x7  }
0xfd: {  	_ =	swait.ge @!p0 [sflag:s0], s1  }
0xfe: {  	s1 =	ssub.s32 @!p0 $0x0, s1;
	[sflag:s0] =	ssyncset.done @!p0 $0x0  }
0xff: {  	[sflag:s0] =	ssyncadd.s32 @!p0 s1  }
0x100: {  	[bflag:$0x3] =	sbarrier.arrive $0xFFFF  }
0x101: {  	_ =	shalt  }

</sc_bundles>
